<compile_context>
chip_gen: v7x
topology: tpu7x:2x2x1
jax: 0.10.2.dev20260603
libtpu: 0.0.44.dev20260713+nightly
codegen_flags: <defaults>
</compile_context>

<pallas_src>
import jax
import jax.numpy as jnp
from jax import lax
from jax.experimental import pallas as pl
from jax.experimental.pallas import tpu as pltpu
from jax.experimental.pallas import tpu_sc as plsc

N = 10000
E = 320000
EL = 100000
D_IN = 384
H = 128

NC = 2
NS = 16
NW = NC * NS

CHUNK = 128
EPW = 10240
EP = NW * EPW
NCHUNK = EPW // CHUNK
KSLOW_CORE = 1
KSLOW = 48
KFAST = 2 * NCHUNK - KSLOW
NA = 10240
STRIPE = NA // NS

ELW = 3328
ELP = NW * ELW
NLCHUNK = ELW // CHUNK

_mesh = plsc.VectorSubcoreMesh(core_axis_name="c", subcore_axis_name="s")


def _dg(a, b):
    return lax.dot_general(a, b, (((1,), (1,)), ((), ())),
                           preferred_element_type=jnp.float32)



def _tc1_body(x_ref, wl_ref, bl_ref, w1l_ref, b1l_ref, w1r_ref,
              t1_ref, r1_ref):
    h0 = _dg(x_ref[...], wl_ref[...]) + bl_ref[...]
    t1_ref[...] = _dg(h0, w1l_ref[...])
    r1_ref[...] = _dg(h0, w1r_ref[...]) + b1l_ref[...]


def _tc1(x, W_lin, b_lin, W1l, b1l, W1r):
    R = 2000
    grid = (N // R,)
    full = lambda shape: pl.BlockSpec(shape, lambda i: (0,) * len(shape))
    return pl.pallas_call(
        _tc1_body,
        grid=grid,
        in_specs=[
            pl.BlockSpec((R, D_IN), lambda i: (i, 0)),
            full((H, D_IN)), full((1, H)), full((H, H)), full((1, H)),
            full((H, H)),
        ],
        out_specs=[pl.BlockSpec((R, H), lambda i: (i, 0))] * 2,
        out_shape=[jax.ShapeDtypeStruct((N, H), jnp.float32)] * 2,
    )(x, W_lin, b_lin.reshape(1, H), W1l, b1l.reshape(1, H), W1r)


def _tc2_body(aggp_ref, cntp_ref, r1_ref, w2l_ref, b2l_ref, w2r_ref,
              t2_ref, r2_ref):
    agg = aggp_ref[0] + aggp_ref[1]
    cnt = cntp_ref[0, :, 0:1] + cntp_ref[1, :, 0:1]
    inv = 1.0 / jnp.maximum(cnt, 1.0)
    h1 = jnp.maximum(agg * inv + r1_ref[...], 0.0)
    t2_ref[...] = _dg(h1, w2l_ref[...])
    r2_ref[...] = _dg(h1, w2r_ref[...]) + b2l_ref[...]


def _tc2(aggp, cntp, r1, W2l, b2l, W2r):
    R = 2000
    grid = (N // R,)
    full = lambda shape: pl.BlockSpec(shape, lambda i: (0,) * len(shape))
    return pl.pallas_call(
        _tc2_body,
        grid=grid,
        in_specs=[
            pl.BlockSpec((NC, R, H), lambda i: (0, i, 0)),
            pl.BlockSpec((NC, R, H), lambda i: (0, i, 0)),
            pl.BlockSpec((R, H), lambda i: (i, 0)),
            full((H, H)), full((1, H)), full((H, H)),
        ],
        out_specs=[pl.BlockSpec((R, H), lambda i: (i, 0))] * 2,
        out_shape=[jax.ShapeDtypeStruct((N, H), jnp.float32)] * 2,
    )(aggp, cntp, r1, W2l, b2l.reshape(1, H), W2r)


def _tc3_body(aggp_ref, cntp_ref, r2_ref, h2_ref):
    agg = aggp_ref[0] + aggp_ref[1]
    cnt = cntp_ref[0, :, 0:1] + cntp_ref[1, :, 0:1]
    inv = 1.0 / jnp.maximum(cnt, 1.0)
    h2_ref[...] = agg * inv + r2_ref[...]


def _tc3(aggp, cntp, r2):
    R = 2048
    grid = (NA // R,)
    return pl.pallas_call(
        _tc3_body,
        grid=grid,
        in_specs=[
            pl.BlockSpec((NC, R, H), lambda i: (0, i, 0)),
            pl.BlockSpec((NC, R, H), lambda i: (0, i, 0)),
            pl.BlockSpec((R, H), lambda i: (i, 0)),
        ],
        out_specs=pl.BlockSpec((R, H), lambda i: (i, 0)),
        out_shape=jax.ShapeDtypeStruct((NA, H), jnp.float32),
    )(aggp, cntp, r2)



def _seg_body(tbl, srcp, dstp, zh, aggp,
              sv0, sv1, sv2, sv3, dv0, dv1, dv2, dv3, rows0, rows1, aggs,
              si0, si1, si2, si3, sg0, sg1, ss0, ss1):
    c = lax.axis_index("c")
    s = lax.axis_index("s")
    srcv = [sv0, sv1, sv2, sv3]
    dstv = [dv0, dv1, dv2, dv3]
    rows = [rows0, rows1]
    sem_i = [si0, si1, si2, si3]
    sem_g = [sg0, sg1]
    sem_s = [ss0, ss1]

    r0 = s * STRIPE
    pltpu.sync_copy(zh.at[pl.ds(r0, STRIPE)], aggs.at[pl.ds(r0, STRIPE)])
    plsc.subcore_barrier()
    K = jnp.where(c == KSLOW_CORE, KSLOW, KFAST)
    nquad = jnp.where(c == KSLOW_CORE, KSLOW // 4, KFAST // 4)
    base_chunk = jnp.where(
        c == KSLOW_CORE,
        jnp.where(c == 0, s * KSLOW, NS * KFAST + s * KSLOW),
        jnp.where(c == 0, s * KFAST, NS * KSLOW + s * KFAST))
    base = base_chunk * CHUNK

    def issue_idx(k, q):
        pltpu.async_copy(srcp.at[pl.ds(base + k * CHUNK, CHUNK)],
                         srcv[q], sem_i[q])
        pltpu.async_copy(dstp.at[pl.ds(base + k * CHUNK, CHUNK)],
                         dstv[q], sem_i[q])

    def wait_idx(q):
        pltpu.make_async_copy(srcp.at[pl.ds(base, CHUNK)],
                              srcv[q], sem_i[q]).wait()
        pltpu.make_async_copy(dstp.at[pl.ds(base, CHUNK)],
                              dstv[q], sem_i[q]).wait()

    def wait_scat(b, q):
        pltpu.make_async_copy(rows[b], aggs.at[dstv[q]], sem_s[b]).wait()

    def wait_gath(b, q):
        pltpu.make_async_copy(tbl.at[srcv[q]], rows[b], sem_g[b]).wait()

    issue_idx(0, 0)
    issue_idx(1, 1)
    wait_idx(0)
    pltpu.async_copy(tbl.at[srcv[0]], rows[0], sem_g[0])

    def quad(gg, _):
        for j in range(4):
            k = gg * 4 + j
            b = j % 2
            jn = (j + 1) % 4

            @pl.when(k + 1 < K)
            def _():
                wait_idx(jn)

                @pl.when(k >= 1)
                def _():
                    wait_scat(1 - b, (j + 3) % 4)
                pltpu.async_copy(tbl.at[srcv[jn]], rows[1 - b],
                                 sem_g[1 - b])

            @pl.when(k < K - 2)
            def _():
                issue_idx(k + 2, (j + 2) % 4)

            wait_gath(b, j)
            pltpu.async_copy(rows[b], aggs.at[dstv[j]], sem_s[b], add=True)
        return 0
    lax.fori_loop(0, nquad, quad, 0)
    wait_scat(0, 2)
    wait_scat(1, 3)
    plsc.subcore_barrier()

    pltpu.sync_copy(aggs.at[pl.ds(r0, STRIPE)], aggp.at[c, pl.ds(r0, STRIPE)])


_seg = pl.kernel(
    _seg_body,
    out_type=jax.ShapeDtypeStruct((NC, NA, H), jnp.float32),
    mesh=_mesh,
    scratch_types=(
        [pltpu.VMEM((CHUNK,), jnp.int32)] * 8 +
        [pltpu.VMEM((CHUNK, H), jnp.float32)] * 2 +
        [pltpu.VMEM_SHARED((NA, H), jnp.float32)] +
        [pltpu.SemaphoreType.DMA] * 8
    ),
)


def _cnt_body(dstp, zh, cntp, dstv, ones, cnts):
    c = lax.axis_index("c")
    s = lax.axis_index("s")
    wid = c * NS + s

    r0 = s * STRIPE
    pltpu.sync_copy(zh.at[pl.ds(r0, STRIPE)], cnts.at[pl.ds(r0, STRIPE)])

    def fill1(i, _):
        for j in range(H // 16):
            ones[i, pl.ds(j * 16, 16)] = jnp.ones((16,), jnp.float32)
        return 0
    lax.fori_loop(0, CHUNK, fill1, 0)
    plsc.subcore_barrier()
    base = wid * EPW

    def chunk(k, _):
        pltpu.sync_copy(dstp.at[pl.ds(base + k * CHUNK, CHUNK)], dstv)
        pltpu.sync_copy(ones, cnts.at[dstv], add=True)
        return 0
    lax.fori_loop(0, NCHUNK, chunk, 0)
    plsc.subcore_barrier()
    pltpu.sync_copy(cnts.at[pl.ds(r0, STRIPE)], cntp.at[c, pl.ds(r0, STRIPE)])


_cnt = pl.kernel(
    _cnt_body,
    out_type=jax.ShapeDtypeStruct((NC, NA, H), jnp.float32),
    mesh=_mesh,
    scratch_types=[
        pltpu.VMEM((CHUNK,), jnp.int32),
        pltpu.VMEM((CHUNK, H), jnp.float32),
        pltpu.VMEM_SHARED((NA, H), jnp.float32),
    ],
)


def _cls_body(tbl, headp, tailp, outp, hidx, tidx,
              hrows, trows, outv, tbls, sem_h, sem_t):
    c = lax.axis_index("c")
    s = lax.axis_index("s")
    wid = c * NS + s
    r0 = s * STRIPE
    pltpu.sync_copy(tbl.at[pl.ds(r0, STRIPE)], tbls.at[pl.ds(r0, STRIPE)])
    pltpu.sync_copy(headp.at[pl.ds(wid * ELW, ELW)], hidx)
    pltpu.sync_copy(tailp.at[pl.ds(wid * ELW, ELW)], tidx)
    plsc.subcore_barrier()

    lanes = lax.iota(jnp.int32, 16)

    def chunk(k, _):
        pltpu.async_copy(tbls.at[hidx.at[pl.ds(k * CHUNK, CHUNK)]],
                         hrows, sem_h)
        pltpu.async_copy(tbls.at[tidx.at[pl.ds(k * CHUNK, CHUNK)]],
                         trows, sem_t)
        pltpu.make_async_copy(tbls.at[hidx.at[pl.ds(0, CHUNK)]],
                              hrows, sem_h).wait()
        pltpu.make_async_copy(tbls.at[tidx.at[pl.ds(0, CHUNK)]],
                              trows, sem_t).wait()

        def group(g, _):
            def edge(i, res):
                e = g * 16 + i
                acc = hrows[e, pl.ds(0, 16)] * trows[e, pl.ds(0, 16)]
                for j in range(1, H // 16):
                    acc = acc + (hrows[e, pl.ds(j * 16, 16)] *
                                 trows[e, pl.ds(j * 16, 16)])
                return jnp.where(lanes == i, jnp.sum(acc), res)
            res = lax.fori_loop(0, 16, edge, jnp.zeros((16,), jnp.float32))
            outv[pl.ds(k * CHUNK + g * 16, 16)] = res
            return 0
        lax.fori_loop(0, CHUNK // 16, group, 0)
        return 0
    lax.fori_loop(0, NLCHUNK, chunk, 0)
    pltpu.sync_copy(outv, outp.at[pl.ds(wid * ELW, ELW)])


_cls = pl.kernel(
    _cls_body,
    out_type=jax.ShapeDtypeStruct((ELP,), jnp.float32),
    mesh=_mesh,
    compiler_params=pltpu.CompilerParams(needs_layout_passes=False),
    scratch_types=(
        [pltpu.VMEM((ELW,), jnp.int32)] * 2 +
        [pltpu.VMEM((CHUNK, H), jnp.float32)] * 2 +
        [pltpu.VMEM((ELW,), jnp.float32)] +
        [pltpu.VMEM_SHARED((NA, H), jnp.float32)] +
        [pltpu.SemaphoreType.DMA] * 2
    ),
)



def kernel(x, edge_index, edge_label_index, W_lin, b_lin,
           W1l, b1l, W1r, W2l, b2l, W2r):
    src = jnp.concatenate([edge_index[0], jnp.zeros((EP - E,), jnp.int32)])
    dst = jnp.concatenate([edge_index[1], jnp.full((EP - E,), N, jnp.int32)])
    head = jnp.concatenate(
        [edge_label_index[0], jnp.zeros((ELP - EL,), jnp.int32)])
    tail = jnp.concatenate(
        [edge_label_index[1], jnp.zeros((ELP - EL,), jnp.int32)])
    zh = jnp.zeros((NA, H), jnp.float32)

    cntp = _cnt(dst, zh)
    t1, r1 = _tc1(x, W_lin, b_lin, W1l, b1l, W1r)
    aggp1 = _seg(t1, src, dst, zh)
    t2, r2 = _tc2(aggp1, cntp, r1, W2l, b2l, W2r)
    aggp2 = _seg(t2, src, dst, zh)
    h2 = _tc3(aggp2, cntp, r2)
    return _cls(h2, head, tail)[:EL]

# --- scband reference (transcript-rebuilt; emitter-appended) ---
"""Pipeline reference for scband-model-42700564857442 (READ-ONLY COPY).

The authoritative reference and input builder live on the scoring server;
editing this copy changes nothing except your own understanding.
"""

import jax, jax.numpy as jnp
import numpy as np

N = 10000
E = 320000
EL = 100000
D_IN = 384
H = 128


def _sage_conv(x, edge_index, W_l, b_l, W_r):
    # PyG SAGEConv (mean aggregation): out = lin_l(mean_agg(x_src -> dst)) + lin_r(x)
    src = edge_index[0]
    dst = edge_index[1]
    msgs = x[src]
    agg = jax.ops.segment_sum(msgs, dst, num_segments=N)
    cnt = jax.ops.segment_sum(jnp.ones((edge_index.shape[1],), dtype=x.dtype), dst, num_segments=N)
    mean = agg / jnp.clip(cnt, 1.0)[:, None]
    return mean @ W_l.T + b_l + x @ W_r.T


def setup_inputs(seed: int = 0):
    key = jax.random.key(seed)
    ks = jax.random.split(key, 12)
    x = jax.random.normal(ks[0], (N, D_IN), dtype=jnp.float32)
    edge_index = jax.random.randint(ks[1], (2, E), 0, N, dtype=jnp.int32)
    edge_label_index = jax.random.randint(ks[2], (2, EL), 0, N, dtype=jnp.int32)
    W_lin = jax.random.normal(ks[3], (H, D_IN), dtype=jnp.float32) * (1.0 / np.sqrt(D_IN))
    b_lin = jnp.zeros((H,), dtype=jnp.float32)
    W1l = jax.random.normal(ks[4], (H, H), dtype=jnp.float32) * (1.0 / np.sqrt(H))
    b1l = jnp.zeros((H,), dtype=jnp.float32)
    W1r = jax.random.normal(ks[5], (H, H), dtype=jnp.float32) * (1.0 / np.sqrt(H))
    W2l = jax.random.normal(ks[6], (H, H), dtype=jnp.float32) * (1.0 / np.sqrt(H))
    b2l = jnp.zeros((H,), dtype=jnp.float32)
    W2r = jax.random.normal(ks[7], (H, H), dtype=jnp.float32) * (1.0 / np.sqrt(H))
    return {
        "x": x,
        "edge_index": edge_index,
        "edge_label_index": edge_label_index,
        "W_lin": W_lin,
        "b_lin": b_lin,
        "W1l": W1l,
        "b1l": b1l,
        "W1r": W1r,
        "W2l": W2l,
        "b2l": b2l,
        "W2r": W2r,
    }


def reference(x, edge_index, edge_label_index, W_lin, b_lin, W1l, b1l, W1r, W2l, b2l, W2r):
    # label_lin
    h = x @ W_lin.T + b_lin
    # GNN: conv1 + relu, conv2
    h = jax.nn.relu(_sage_conv(h, edge_index, W1l, b1l, W1r))
    h = _sage_conv(h, edge_index, W2l, b2l, W2r)
    # Classifier: dot product of head/tail node features
    feat_head = h[edge_label_index[0]]
    feat_tail = h[edge_label_index[1]]
    return (feat_head * feat_tail).sum(axis=-1)

if __name__ == "__main__":
    import jax
    _d = setup_inputs()
    print(jax.jit(kernel)(*tuple(_d.values())))

</pallas_src>

<mosaic_0001>
#map = affine_map<(d0, d1) -> (0)>
#map1 = affine_map<(d0, d1) -> (0, 0)>
#map2 = affine_map<(d0, d1) -> (0, 0, 0)>
module attributes {stable_mosaic.version = 14 : i64} {
  func.func @_cnt_body(%arg0: i32, %arg1: i32, %arg2: memref<327680xi32, #tpu.memory_space<hbm>>, %arg3: memref<10240x128xf32, #tpu.memory_space<hbm>>, %arg4: memref<2x10240x128xf32, #tpu.memory_space<hbm>>, %arg5: memref<128xi32, #tpu.memory_space<vmem>>, %arg6: memref<128x128xf32, #tpu.memory_space<vmem>>, %arg7: memref<10240x128xf32, #tpu.memory_space<vmem_shared>>) attributes {dimension_semantics = [#tpu.dimension_semantics<core_parallel>, #tpu.dimension_semantics<subcore_parallel>], iteration_bounds = array<i64: 2, 16>, scalar_prefetch = 0 : i64, scratch_operands = 3 : i64, tpu.core_type = #tpu.core_type<sc_vector_subcore>, window_params = [{transform_indices = #map}, {transform_indices = #map1}, {transform_indices = #map2}]} {
    %mul3A = arith.constant 16 : i32
    %mul3A_0 = arith.muli %arg0, %mul3A : i32
    %add3A = arith.addi %mul3A_0, %arg1 : i32
    %mul3A_1 = arith.constant 640 : i32
    %mul3A_2 = arith.muli %arg1, %mul3A_1 : i32
    "tpu.region"() ({
      %run_scoped3A = tpu.sem_alloc : memref<!tpu.dma_semaphore, #tpu.memory_space<semaphore_mem>>
      %dma_start3A = arith.constant 0 : i32
      %dma_start3A_19 = tpu.memref_slice %arg7[%mul3A_2, %dma_start3A] : memref<10240x128xf32, #tpu.memory_space<vmem_shared>> -> memref<640x128xf32, #tpu.memory_space<vmem_shared>>
      %dma_start3A_20 = arith.constant 0 : i32
      %dma_start3A_21 = tpu.memref_slice %arg3[%mul3A_2, %dma_start3A_20] : memref<10240x128xf32, #tpu.memory_space<hbm>> -> memref<640x128xf32, #tpu.memory_space<hbm>>
      tpu.enqueue_dma source(%dma_start3A_21 : memref<640x128xf32, #tpu.memory_space<hbm>>) target(%dma_start3A_19 : memref<640x128xf32, #tpu.memory_space<vmem_shared>>) target_semaphore(%run_scoped3A : memref<!tpu.dma_semaphore, #tpu.memory_space<semaphore_mem>>)
      %dma_wait3A = arith.constant 0 : i32
      %dma_wait3A_22 = tpu.memref_slice %arg7[%mul3A_2, %dma_wait3A] : memref<10240x128xf32, #tpu.memory_space<vmem_shared>> -> memref<640x128xf32, #tpu.memory_space<vmem_shared>>
      %dma_wait3A_23 = arith.constant 0 : i32
      %dma_wait3A_24 = tpu.memref_slice %arg3[%mul3A_2, %dma_wait3A_23] : memref<10240x128xf32, #tpu.memory_space<hbm>> -> memref<640x128xf32, #tpu.memory_space<hbm>>
      tpu.wait_dma2 semaphore(%run_scoped3A : memref<!tpu.dma_semaphore, #tpu.memory_space<semaphore_mem>>) src(%dma_wait3A_24 : memref<640x128xf32, #tpu.memory_space<hbm>>) dst(%dma_wait3A_22 : memref<640x128xf32, #tpu.memory_space<vmem_shared>>)
      tpu.yield
    }) : () -> ()
    %scan3A = arith.constant 0 : i32
    %scan3A_3 = arith.constant 0 : i32
    %scan3A_4 = arith.constant 128 : i32
    %scan3A_5 = arith.addi %scan3A_3, %scan3A_4 : i32
    %scan3A_6 = arith.constant 1 : i32
    %scan3A_7 = scf.for %scan3A_19 = %scan3A_3 to %scan3A_5 step %scan3A_6 iter_args(%scan3A_20 = %scan3A) -> (i32)  : i32 {
      %broadcast_in_dim3A = arith.constant 1.000000e+00 : f32
      %broadcast_in_dim3A_21 = vector.broadcast %broadcast_in_dim3A : f32 to vector<16xf32>
      %swap3A = arith.index_cast %scan3A_19 : i32 to index
      %swap3A_22 = arith.constant 0 : index
      %swap3A_23 = tpu.vector_load %arg6[%swap3A, %swap3A_22] {strides = array<i32>} : memref<128x128xf32, #tpu.memory_space<vmem>>, vector<1x16xf32>,
      %swap3A_24 = vector.shape_cast %swap3A_23 : vector<1x16xf32> to vector<16xf32>
      %swap3A_25 = vector.shape_cast %broadcast_in_dim3A_21 : vector<16xf32> to vector<1x16xf32>
      tpu.vector_store %arg6[%swap3A, %swap3A_22], %swap3A_25 {strides = array<i32>} : memref<128x128xf32, #tpu.memory_space<vmem>>, vector<1x16xf32>,
      %broadcast_in_dim3A_26 = arith.constant 1.000000e+00 : f32
      %broadcast_in_dim3A_27 = vector.broadcast %broadcast_in_dim3A_26 : f32 to vector<16xf32>
      %swap3A_28 = arith.index_cast %scan3A_19 : i32 to index
      %swap3A_29 = arith.constant 16 : index
      %swap3A_30 = tpu.vector_load %arg6[%swap3A_28, %swap3A_29] {strides = array<i32>} : memref<128x128xf32, #tpu.memory_space<vmem>>, vector<1x16xf32>,
      %swap3A_31 = vector.shape_cast %swap3A_30 : vector<1x16xf32> to vector<16xf32>
      %swap3A_32 = vector.shape_cast %broadcast_in_dim3A_27 : vector<16xf32> to vector<1x16xf32>
      tpu.vector_store %arg6[%swap3A_28, %swap3A_29], %swap3A_32 {strides = array<i32>} : memref<128x128xf32, #tpu.memory_space<vmem>>, vector<1x16xf32>,
      %broadcast_in_dim3A_33 = arith.constant 1.000000e+00 : f32
      %broadcast_in_dim3A_34 = vector.broadcast %broadcast_in_dim3A_33 : f32 to vector<16xf32>
      %swap3A_35 = arith.index_cast %scan3A_19 : i32 to index
      %swap3A_36 = arith.constant 32 : index
      %swap3A_37 = tpu.vector_load %arg6[%swap3A_35, %swap3A_36] {strides = array<i32>} : memref<128x128xf32, #tpu.memory_space<vmem>>, vector<1x16xf32>,
      %swap3A_38 = vector.shape_cast %swap3A_37 : vector<1x16xf32> to vector<16xf32>
      %swap3A_39 = vector.shape_cast %broadcast_in_dim3A_34 : vector<16xf32> to vector<1x16xf32>
      tpu.vector_store %arg6[%swap3A_35, %swap3A_36], %swap3A_39 {strides = array<i32>} : memref<128x128xf32, #tpu.memory_space<vmem>>, vector<1x16xf32>,
      %broadcast_in_dim3A_40 = arith.constant 1.000000e+00 : f32
      %broadcast_in_dim3A_41 = vector.broadcast %broadcast_in_dim3A_40 : f32 to vector<16xf32>
      %swap3A_42 = arith.index_cast %scan3A_19 : i32 to index
      %swap3A_43 = arith.constant 48 : index
      %swap3A_44 = tpu.vector_load %arg6[%swap3A_42, %swap3A_43] {strides = array<i32>} : memref<128x128xf32, #tpu.memory_space<vmem>>, vector<1x16xf32>,
      %swap3A_45 = vector.shape_cast %swap3A_44 : vector<1x16xf32> to vector<16xf32>
      %swap3A_46 = vector.shape_cast %broadcast_in_dim3A_41 : vector<16xf32> to vector<1x16xf32>
      tpu.vector_store %arg6[%swap3A_42, %swap3A_43], %swap3A_46 {strides = array<i32>} : memref<128x128xf32, #tpu.memory_space<vmem>>, vector<1x16xf32>,
      %broadcast_in_dim3A_47 = arith.constant 1.000000e+00 : f32
      %broadcast_in_dim3A_48 = vector.broadcast %broadcast_in_dim3A_47 : f32 to vector<16xf32>
      %swap3A_49 = arith.index_cast %scan3A_19 : i32 to index
      %swap3A_50 = arith.constant 64 : index
      %swap3A_51 = tpu.vector_load %arg6[%swap3A_49, %swap3A_50] {strides = array<i32>} : memref<128x128xf32, #tpu.memory_space<vmem>>, vector<1x16xf32>,
      %swap3A_52 = vector.shape_cast %swap3A_51 : vector<1x16xf32> to vector<16xf32>
      %swap3A_53 = vector.shape_cast %broadcast_in_dim3A_48 : vector<16xf32> to vector<1x16xf32>
      tpu.vector_store %arg6[%swap3A_49, %swap3A_50], %swap3A_53 {strides = array<i32>} : memref<128x128xf32, #tpu.memory_space<vmem>>, vector<1x16xf32>,
      %broadcast_in_dim3A_54 = arith.constant 1.000000e+00 : f32
      %broadcast_in_dim3A_55 = vector.broadcast %broadcast_in_dim3A_54 : f32 to vector<16xf32>
      %swap3A_56 = arith.index_cast %scan3A_19 : i32 to index
      %swap3A_57 = arith.constant 80 : index
      %swap3A_58 = tpu.vector_load %arg6[%swap3A_56, %swap3A_57] {strides = array<i32>} : memref<128x128xf32, #tpu.memory_space<vmem>>, vector<1x16xf32>,
      %swap3A_59 = vector.shape_cast %swap3A_58 : vector<1x16xf32> to vector<16xf32>
      %swap3A_60 = vector.shape_cast %broadcast_in_dim3A_55 : vector<16xf32> to vector<1x16xf32>
      tpu.vector_store %arg6[%swap3A_56, %swap3A_57], %swap3A_60 {strides = array<i32>} : memref<128x128xf32, #tpu.memory_space<vmem>>, vector<1x16xf32>,
      %broadcast_in_dim3A_61 = arith.constant 1.000000e+00 : f32
      %broadcast_in_dim3A_62 = vector.broadcast %broadcast_in_dim3A_61 : f32 to vector<16xf32>
      %swap3A_63 = arith.index_cast %scan3A_19 : i32 to index
      %swap3A_64 = arith.constant 96 : index
      %swap3A_65 = tpu.vector_load %arg6[%swap3A_63, %swap3A_64] {strides = array<i32>} : memref<128x128xf32, #tpu.memory_space<vmem>>, vector<1x16xf32>,
      %swap3A_66 = vector.shape_cast %swap3A_65 : vector<1x16xf32> to vector<16xf32>
      %swap3A_67 = vector.shape_cast %broadcast_in_dim3A_62 : vector<16xf32> to vector<1x16xf32>
      tpu.vector_store %arg6[%swap3A_63, %swap3A_64], %swap3A_67 {strides = array<i32>} : memref<128x128xf32, #tpu.memory_space<vmem>>, vector<1x16xf32>,
      %broadcast_in_dim3A_68 = arith.constant 1.000000e+00 : f32
      %broadcast_in_dim3A_69 = vector.broadcast %broadcast_in_dim3A_68 : f32 to vector<16xf32>
      %swap3A_70 = arith.index_cast %scan3A_19 : i32 to index
      %swap3A_71 = arith.constant 112 : index
      %swap3A_72 = tpu.vector_load %arg6[%swap3A_70, %swap3A_71] {strides = array<i32>} : memref<128x128xf32, #tpu.memory_space<vmem>>, vector<1x16xf32>,
      %swap3A_73 = vector.shape_cast %swap3A_72 : vector<1x16xf32> to vector<16xf32>
      %swap3A_74 = vector.shape_cast %broadcast_in_dim3A_69 : vector<16xf32> to vector<1x16xf32>
      tpu.vector_store %arg6[%swap3A_70, %swap3A_71], %swap3A_74 {strides = array<i32>} : memref<128x128xf32, #tpu.memory_space<vmem>>, vector<1x16xf32>,
      %scan3A_75 = arith.constant 0 : i32
      scf.yield %scan3A_75 : i32
    }
    %scan3A_8 = arith.constant 128 : i32
    %barrier3A = arith.constant 0 : index
    tpu.barrier barrier_id(%barrier3A)
    %mul3A_9 = arith.constant 10240 : i32
    %mul3A_10 = arith.muli %add3A, %mul3A_9 : i32
    %scan3A_11 = arith.constant 0 : i32
    %scan3A_12 = arith.constant 0 : i32
    %scan3A_13 = arith.constant 80 : i32
    %scan3A_14 = arith.addi %scan3A_12, %scan3A_13 : i32
    %scan3A_15 = arith.constant 1 : i32
    %scan3A_16 = scf.for %scan3A_19 = %scan3A_12 to %scan3A_14 step %scan3A_15 iter_args(%scan3A_20 = %scan3A_11) -> (i32)  : i32 {
      %mul3A_21 = arith.constant 128 : i32
      %mul3A_22 = arith.muli %scan3A_19, %mul3A_21 : i32
      %add3A_23 = arith.addi %mul3A_10, %mul3A_22 : i32
      "tpu.region"() ({
        %run_scoped3A = tpu.sem_alloc : memref<!tpu.dma_semaphore, #tpu.memory_space<semaphore_mem>>
        %dma_start3A = tpu.memref_slice %arg2[%add3A_23] : memref<327680xi32, #tpu.memory_space<hbm>> -> memref<128xi32, #tpu.memory_space<hbm>>
        %dma_start3A_25 = tpu.memref_slice %arg2[%add3A_23] : memref<327680xi32, #tpu.memory_space<hbm>> -> memref<128xi32, #tpu.memory_space<hbm>>
        tpu.enqueue_dma source(%dma_start3A_25 : memref<128xi32, #tpu.memory_space<hbm>>) target(%arg5 : memref<128xi32, #tpu.memory_space<vmem>>) target_semaphore(%run_scoped3A : memref<!tpu.dma_semaphore, #tpu.memory_space<semaphore_mem>>)
        %dma_wait3A = tpu.memref_slice %arg2[%add3A_23] : memref<327680xi32, #tpu.memory_space<hbm>> -> memref<128xi32, #tpu.memory_space<hbm>>
        %dma_wait3A_26 = tpu.memref_slice %arg2[%add3A_23] : memref<327680xi32, #tpu.memory_space<hbm>> -> memref<128xi32, #tpu.memory_space<hbm>>
        tpu.wait_dma2 semaphore(%run_scoped3A : memref<!tpu.dma_semaphore, #tpu.memory_space<semaphore_mem>>) src(%dma_wait3A_26 : memref<128xi32, #tpu.memory_space<hbm>>) dst(%arg5 : memref<128xi32, #tpu.memory_space<vmem>>)
        tpu.yield
      }) : () -> ()
      "tpu.region"() ({
        %run_scoped3A = tpu.sem_alloc : memref<!tpu.dma_semaphore, #tpu.memory_space<semaphore_mem>>
        %dma_start3A = arith.constant 0 : i32
        %dma_start3A_25 = arith.constant 0 : i32
        %dma_start3A_26 = tpu.memref_slice %arg7[%dma_start3A, %dma_start3A_25] : memref<10240x128xf32, #tpu.memory_space<vmem_shared>> -> memref<10240x128xf32, #tpu.memory_space<vmem_shared>>
        tpu.enqueue_indirect_dma source(%arg6 : memref<128x128xf32, #tpu.memory_space<vmem>>) target(%dma_start3A_26 : memref<10240x128xf32, #tpu.memory_space<vmem_shared>>) offsets(%arg5 : memref<128xi32, #tpu.memory_space<vmem>>) semaphore(%run_scoped3A : memref<!tpu.dma_semaphore, #tpu.memory_space<semaphore_mem>>) {add = true}
        %dma_wait3A = arith.constant 0 : i32
        %dma_wait3A_27 = arith.constant 0 : i32
        %dma_wait3A_28 = tpu.memref_slice %arg7[%dma_wait3A, %dma_wait3A_27] : memref<10240x128xf32, #tpu.memory_space<vmem_shared>> -> memref<10240x128xf32, #tpu.memory_space<vmem_shared>>
        tpu.wait_indirect_dma semaphore(%run_scoped3A : memref<!tpu.dma_semaphore, #tpu.memory_space<semaphore_mem>>) src(%arg6 : memref<128x128xf32, #tpu.memory_space<vmem>>) dst(%dma_wait3A_28 : memref<10240x128xf32, #tpu.memory_space<vmem_shared>>)
        tpu.yield
      }) : () -> ()
      %scan3A_24 = arith.constant 0 : i32
      scf.yield %scan3A_24 : i32
    }
    %scan3A_17 = arith.constant 80 : i32
    %barrier3A_18 = arith.constant 0 : index
    tpu.barrier barrier_id(%barrier3A_18)
    "tpu.region"() ({
      %run_scoped3A = tpu.sem_alloc : memref<!tpu.dma_semaphore, #tpu.memory_space<semaphore_mem>>
      %dma_start3A = arith.constant 0 : i32
      %dma_start3A_19 = tpu.memref_slice %arg4[%arg0, %mul3A_2, %dma_start3A] : memref<2x10240x128xf32, #tpu.memory_space<hbm>> -> memref<1x640x128xf32, #tpu.memory_space<hbm>>
      %dma_start3A_20 = tpu.memref_squeeze %dma_start3A_19 : memref<1x640x128xf32, #tpu.memory_space<hbm>> -> memref<640x128xf32, #tpu.memory_space<hbm>>
      %dma_start3A_21 = arith.constant 0 : i32
      %dma_start3A_22 = tpu.memref_slice %arg7[%mul3A_2, %dma_start3A_21] : memref<10240x128xf32, #tpu.memory_space<vmem_shared>> -> memref<640x128xf32, #tpu.memory_space<vmem_shared>>
      tpu.enqueue_dma source(%dma_start3A_22 : memref<640x128xf32, #tpu.memory_space<vmem_shared>>) target(%dma_start3A_20 : memref<640x128xf32, #tpu.memory_space<hbm>>) target_semaphore(%run_scoped3A : memref<!tpu.dma_semaphore, #tpu.memory_space<semaphore_mem>>)
      %dma_wait3A = arith.constant 0 : i32
      %dma_wait3A_23 = tpu.memref_slice %arg4[%arg0, %mul3A_2, %dma_wait3A] : memref<2x10240x128xf32, #tpu.memory_space<hbm>> -> memref<1x640x128xf32, #tpu.memory_space<hbm>>
      %dma_wait3A_24 = tpu.memref_squeeze %dma_wait3A_23 : memref<1x640x128xf32, #tpu.memory_space<hbm>> -> memref<640x128xf32, #tpu.memory_space<hbm>>
      %dma_wait3A_25 = arith.constant 0 : i32
      %dma_wait3A_26 = tpu.memref_slice %arg7[%mul3A_2, %dma_wait3A_25] : memref<10240x128xf32, #tpu.memory_space<vmem_shared>> -> memref<640x128xf32, #tpu.memory_space<vmem_shared>>
      tpu.wait_dma2 semaphore(%run_scoped3A : memref<!tpu.dma_semaphore, #tpu.memory_space<semaphore_mem>>) src(%dma_wait3A_26 : memref<640x128xf32, #tpu.memory_space<vmem_shared>>) dst(%dma_wait3A_24 : memref<640x128xf32, #tpu.memory_space<hbm>>)
      tpu.yield
    }) : () -> ()
    return
  }
}

#map = affine_map<(d0, d1) -> (0, 0)>
#map1 = affine_map<(d0, d1) -> (0)>
#map2 = affine_map<(d0, d1) -> (0, 0, 0)>
module attributes {stable_mosaic.version = 14 : i64} {
  func.func @_seg_body(%arg0: i32, %arg1: i32, %arg2: memref<10000x128xf32, #tpu.memory_space<hbm>>, %arg3: memref<327680xi32, #tpu.memory_space<hbm>>, %arg4: memref<327680xi32, #tpu.memory_space<hbm>>, %arg5: memref<10240x128xf32, #tpu.memory_space<hbm>>, %arg6: memref<2x10240x128xf32, #tpu.memory_space<hbm>>, %arg7: memref<128xi32, #tpu.memory_space<vmem>>, %arg8: memref<128xi32, #tpu.memory_space<vmem>>, %arg9: memref<128xi32, #tpu.memory_space<vmem>>, %arg10: memref<128xi32, #tpu.memory_space<vmem>>, %arg11: memref<128xi32, #tpu.memory_space<vmem>>, %arg12: memref<128xi32, #tpu.memory_space<vmem>>, %arg13: memref<128xi32, #tpu.memory_space<vmem>>, %arg14: memref<128xi32, #tpu.memory_space<vmem>>, %arg15: memref<128x128xf32, #tpu.memory_space<vmem>>, %arg16: memref<128x128xf32, #tpu.memory_space<vmem>>, %arg17: memref<10240x128xf32, #tpu.memory_space<vmem_shared>>, %arg18: memref<!tpu.dma_semaphore, #tpu.memory_space<semaphore_mem>>, %arg19: memref<!tpu.dma_semaphore, #tpu.memory_space<semaphore_mem>>, %arg20: memref<!tpu.dma_semaphore, #tpu.memory_space<semaphore_mem>>, %arg21: memref<!tpu.dma_semaphore, #tpu.memory_space<semaphore_mem>>, %arg22: memref<!tpu.dma_semaphore, #tpu.memory_space<semaphore_mem>>, %arg23: memref<!tpu.dma_semaphore, #tpu.memory_space<semaphore_mem>>, %arg24: memref<!tpu.dma_semaphore, #tpu.memory_space<semaphore_mem>>, %arg25: memref<!tpu.dma_semaphore, #tpu.memory_space<semaphore_mem>>) attributes {dimension_semantics = [#tpu.dimension_semantics<core_parallel>, #tpu.dimension_semantics<subcore_parallel>], iteration_bounds = array<i64: 2, 16>, scalar_prefetch = 0 : i64, scratch_operands = 19 : i64, tpu.core_type = #tpu.core_type<sc_vector_subcore>, window_params = [{transform_indices = #map}, {transform_indices = #map1}, {transform_indices = #map1}, {transform_indices = #map}, {transform_indices = #map2}]} {
    %mul3A = arith.constant 640 : i32
    %mul3A_0 = arith.muli %arg1, %mul3A : i32
    "tpu.region"() ({
      %run_scoped3A = tpu.sem_alloc : memref<!tpu.dma_semaphore, #tpu.memory_space<semaphore_mem>>
      %dma_start3A_69 = arith.constant 0 : i32
      %dma_start3A_70 = tpu.memref_slice %arg17[%mul3A_0, %dma_start3A_69] : memref<10240x128xf32, #tpu.memory_space<vmem_shared>> -> memref<640x128xf32, #tpu.memory_space<vmem_shared>>
      %dma_start3A_71 = arith.constant 0 : i32
      %dma_start3A_72 = tpu.memref_slice %arg5[%mul3A_0, %dma_start3A_71] : memref<10240x128xf32, #tpu.memory_space<hbm>> -> memref<640x128xf32, #tpu.memory_space<hbm>>
      tpu.enqueue_dma source(%dma_start3A_72 : memref<640x128xf32, #tpu.memory_space<hbm>>) target(%dma_start3A_70 : memref<640x128xf32, #tpu.memory_space<vmem_shared>>) target_semaphore(%run_scoped3A : memref<!tpu.dma_semaphore, #tpu.memory_space<semaphore_mem>>)
      %dma_wait3A_73 = arith.constant 0 : i32
      %dma_wait3A_74 = tpu.memref_slice %arg17[%mul3A_0, %dma_wait3A_73] : memref<10240x128xf32, #tpu.memory_space<vmem_shared>> -> memref<640x128xf32, #tpu.memory_space<vmem_shared>>
      %dma_wait3A_75 = arith.constant 0 : i32
      %dma_wait3A_76 = tpu.memref_slice %arg5[%mul3A_0, %dma_wait3A_75] : memref<10240x128xf32, #tpu.memory_space<hbm>> -> memref<640x128xf32, #tpu.memory_space<hbm>>
      tpu.wait_dma2 semaphore(%run_scoped3A : memref<!tpu.dma_semaphore, #tpu.memory_space<semaphore_mem>>) src(%dma_wait3A_76 : memref<640x128xf32, #tpu.memory_space<hbm>>) dst(%dma_wait3A_74 : memref<640x128xf32, #tpu.memory_space<vmem_shared>>)
      tpu.yield
    }) : () -> ()
    %barrier3A = arith.constant 0 : index
    tpu.barrier barrier_id(%barrier3A)
    %eq3A = arith.constant 1 : i32
    %eq3A_1 = arith.cmpi eq, %arg0, %eq3A : i32
    %jit3A = arith.constant 48 : i32
    %jit3A_2 = arith.constant 112 : i32
    %select_n3A = arith.select %eq3A_1, %jit3A, %jit3A_2 : i32
    %eq3A_3 = arith.constant 1 : i32
    %eq3A_4 = arith.cmpi eq, %arg0, %eq3A_3 : i32
    %jit3A_5 = arith.constant 12 : i32
    %jit3A_6 = arith.constant 28 : i32
    %select_n3A_7 = arith.select %eq3A_4, %jit3A_5, %jit3A_6 : i32
    %eq3A_8 = arith.constant 1 : i32
    %eq3A_9 = arith.cmpi eq, %arg0, %eq3A_8 : i32
    %eq3A_10 = arith.constant 0 : i32
    %eq3A_11 = arith.cmpi eq, %arg0, %eq3A_10 : i32
    %mul3A_12 = arith.constant 48 : i32
    %mul3A_13 = arith.muli %arg1, %mul3A_12 : i32
    %mul3A_14 = arith.constant 48 : i32
    %mul3A_15 = arith.muli %arg1, %mul3A_14 : i32
    %add3A = arith.constant 1792 : i32
    %add3A_16 = arith.addi %add3A, %mul3A_15 : i32
    %select_n3A_17 = arith.select %eq3A_11, %mul3A_13, %add3A_16 : i32
    %eq3A_18 = arith.constant 0 : i32
    %eq3A_19 = arith.cmpi eq, %arg0, %eq3A_18 : i32
    %mul3A_20 = arith.constant 112 : i32
    %mul3A_21 = arith.muli %arg1, %mul3A_20 : i32
    %mul3A_22 = arith.constant 112 : i32
    %mul3A_23 = arith.muli %arg1, %mul3A_22 : i32
    %add3A_24 = arith.constant 768 : i32
    %add3A_25 = arith.addi %add3A_24, %mul3A_23 : i32
    %select_n3A_26 = arith.select %eq3A_19, %mul3A_21, %add3A_25 : i32
    %select_n3A_27 = arith.select %eq3A_9, %select_n3A_17, %select_n3A_26 : i32
    %mul3A_28 = arith.constant 128 : i32
    %mul3A_29 = arith.muli %select_n3A_27, %mul3A_28 : i32
    %add3A_30 = arith.constant 0 : i32
    %add3A_31 = arith.addi %mul3A_29, %add3A_30 : i32
    %dma_start3A = tpu.memref_slice %arg3[%add3A_31] : memref<327680xi32, #tpu.memory_space<hbm>> -> memref<128xi32, #tpu.memory_space<hbm>>
    %dma_start3A_32 = tpu.memref_slice %arg3[%add3A_31] : memref<327680xi32, #tpu.memory_space<hbm>> -> memref<128xi32, #tpu.memory_space<hbm>>
    tpu.enqueue_dma source(%dma_start3A_32 : memref<128xi32, #tpu.memory_space<hbm>>) target(%arg7 : memref<128xi32, #tpu.memory_space<vmem>>) target_semaphore(%arg18 : memref<!tpu.dma_semaphore, #tpu.memory_space<semaphore_mem>>)
    %add3A_33 = arith.constant 0 : i32
    %add3A_34 = arith.addi %mul3A_29, %add3A_33 : i32
    %dma_start3A_35 = tpu.memref_slice %arg4[%add3A_34] : memref<327680xi32, #tpu.memory_space<hbm>> -> memref<128xi32, #tpu.memory_space<hbm>>
    %dma_start3A_36 = tpu.memref_slice %arg4[%add3A_34] : memref<327680xi32, #tpu.memory_space<hbm>> -> memref<128xi32, #tpu.memory_space<hbm>>
    tpu.enqueue_dma source(%dma_start3A_36 : memref<128xi32, #tpu.memory_space<hbm>>) target(%arg11 : memref<128xi32, #tpu.memory_space<vmem>>) target_semaphore(%arg18 : memref<!tpu.dma_semaphore, #tpu.memory_space<semaphore_mem>>)
    %add3A_37 = arith.constant 128 : i32
    %add3A_38 = arith.addi %mul3A_29, %add3A_37 : i32
    %dma_start3A_39 = tpu.memref_slice %arg3[%add3A_38] : memref<327680xi32, #tpu.memory_space<hbm>> -> memref<128xi32, #tpu.memory_space<hbm>>
    %dma_start3A_40 = tpu.memref_slice %arg3[%add3A_38] : memref<327680xi32, #tpu.memory_space<hbm>> -> memref<128xi32, #tpu.memory_space<hbm>>
    tpu.enqueue_dma source(%dma_start3A_40 : memref<128xi32, #tpu.memory_space<hbm>>) target(%arg8 : memref<128xi32, #tpu.memory_space<vmem>>) target_semaphore(%arg19 : memref<!tpu.dma_semaphore, #tpu.memory_space<semaphore_mem>>)
    %add3A_41 = arith.constant 128 : i32
    %add3A_42 = arith.addi %mul3A_29, %add3A_41 : i32
    %dma_start3A_43 = tpu.memref_slice %arg4[%add3A_42] : memref<327680xi32, #tpu.memory_space<hbm>> -> memref<128xi32, #tpu.memory_space<hbm>>
    %dma_start3A_44 = tpu.memref_slice %arg4[%add3A_42] : memref<327680xi32, #tpu.memory_space<hbm>> -> memref<128xi32, #tpu.memory_space<hbm>>
    tpu.enqueue_dma source(%dma_start3A_44 : memref<128xi32, #tpu.memory_space<hbm>>) target(%arg12 : memref<128xi32, #tpu.memory_space<vmem>>) target_semaphore(%arg19 : memref<!tpu.dma_semaphore, #tpu.memory_space<semaphore_mem>>)
    %dma_wait3A = tpu.memref_slice %arg3[%mul3A_29] : memref<327680xi32, #tpu.memory_space<hbm>> -> memref<128xi32, #tpu.memory_space<hbm>>
    %dma_wait3A_45 = tpu.memref_slice %arg3[%mul3A_29] : memref<327680xi32, #tpu.memory_space<hbm>> -> memref<128xi32, #tpu.memory_space<hbm>>
    tpu.wait_dma2 semaphore(%arg18 : memref<!tpu.dma_semaphore, #tpu.memory_space<semaphore_mem>>) src(%dma_wait3A_45 : memref<128xi32, #tpu.memory_space<hbm>>) dst(%arg7 : memref<128xi32, #tpu.memory_space<vmem>>)
    %dma_wait3A_46 = tpu.memref_slice %arg4[%mul3A_29] : memref<327680xi32, #tpu.memory_space<hbm>> -> memref<128xi32, #tpu.memory_space<hbm>>
    %dma_wait3A_47 = tpu.memref_slice %arg4[%mul3A_29] : memref<327680xi32, #tpu.memory_space<hbm>> -> memref<128xi32, #tpu.memory_space<hbm>>
    tpu.wait_dma2 semaphore(%arg18 : memref<!tpu.dma_semaphore, #tpu.memory_space<semaphore_mem>>) src(%dma_wait3A_47 : memref<128xi32, #tpu.memory_space<hbm>>) dst(%arg11 : memref<128xi32, #tpu.memory_space<vmem>>)
    %dma_start3A_48 = arith.constant 0 : i32
    %dma_start3A_49 = arith.constant 0 : i32
    %dma_start3A_50 = tpu.memref_slice %arg2[%dma_start3A_48, %dma_start3A_49] : memref<10000x128xf32, #tpu.memory_space<hbm>> -> memref<10000x128xf32, #tpu.memory_space<hbm>>
    tpu.enqueue_indirect_dma source(%dma_start3A_50 : memref<10000x128xf32, #tpu.memory_space<hbm>>) target(%arg15 : memref<128x128xf32, #tpu.memory_space<vmem>>) offsets(%arg7 : memref<128xi32, #tpu.memory_space<vmem>>) semaphore(%arg22 : memref<!tpu.dma_semaphore, #tpu.memory_space<semaphore_mem>>)
    %while3A = arith.constant 0 : i32
    %while3A_51 = arith.constant 0 : i32
    %while3A_52 = arith.subi %select_n3A_7, %while3A : i32
    %while3A_53 = arith.addi %while3A, %while3A_52 : i32
    %while3A_54 = arith.constant 1 : i32
    %while3A_55 = arith.divsi %while3A_52, %while3A_54 : i32
    %while3A_56 = arith.muli %while3A_55, %while3A_54 : i32
    %while3A_57 = arith.addi %while3A, %while3A_56 : i32
    %while3A_58 = arith.constant 1 : i32
    %while3A_59 = scf.for %while3A_69 = %while3A to %while3A_57 step %while3A_58 iter_args(%while3A_70 = %while3A_51) -> (i32)  : i32 {
      %mul3A_71 = arith.constant 4 : i32
      %mul3A_72 = arith.muli %while3A_69, %mul3A_71 : i32
      %add3A_73 = arith.constant 0 : i32
      %add3A_74 = arith.addi %mul3A_72, %add3A_73 : i32
      %add3A_75 = arith.constant 1 : i32
      %add3A_76 = arith.addi %add3A_74, %add3A_75 : i32
      %lt3A = arith.cmpi slt, %add3A_76, %select_n3A : i32
      %convert_element_type3A = arith.extui %lt3A : i1 to i32
      %cond3A = arith.constant 0 : i32
      %cond3A_77 = arith.cmpi ne, %convert_element_type3A, %cond3A : i32
      scf.if %cond3A_77 {
        %dma_wait3A_156 = tpu.memref_slice %arg3[%mul3A_29] : memref<327680xi32, #tpu.memory_space<hbm>> -> memref<128xi32, #tpu.memory_space<hbm>>
        %dma_wait3A_157 = tpu.memref_slice %arg3[%mul3A_29] : memref<327680xi32, #tpu.memory_space<hbm>> -> memref<128xi32, #tpu.memory_space<hbm>>
        tpu.wait_dma2 semaphore(%arg19 : memref<!tpu.dma_semaphore, #tpu.memory_space<semaphore_mem>>) src(%dma_wait3A_157 : memref<128xi32, #tpu.memory_space<hbm>>) dst(%arg8 : memref<128xi32, #tpu.memory_space<vmem>>)
        %dma_wait3A_158 = tpu.memref_slice %arg4[%mul3A_29] : memref<327680xi32, #tpu.memory_space<hbm>> -> memref<128xi32, #tpu.memory_space<hbm>>
        %dma_wait3A_159 = tpu.memref_slice %arg4[%mul3A_29] : memref<327680xi32, #tpu.memory_space<hbm>> -> memref<128xi32, #tpu.memory_space<hbm>>
        tpu.wait_dma2 semaphore(%arg19 : memref<!tpu.dma_semaphore, #tpu.memory_space<semaphore_mem>>) src(%dma_wait3A_159 : memref<128xi32, #tpu.memory_space<hbm>>) dst(%arg12 : memref<128xi32, #tpu.memory_space<vmem>>)
        %ge3A = arith.constant 1 : i32
        %ge3A_160 = arith.cmpi sge, %add3A_74, %ge3A : i32
        %convert_element_type3A_161 = arith.extui %ge3A_160 : i1 to i32
        %cond3A_162 = arith.constant 0 : i32
        %cond3A_163 = arith.cmpi ne, %convert_element_type3A_161, %cond3A_162 : i32
        scf.if %cond3A_163 {
          %dma_wait3A_167 = arith.constant 0 : i32
          %dma_wait3A_168 = arith.constant 0 : i32
          %dma_wait3A_169 = tpu.memref_slice %arg17[%dma_wait3A_167, %dma_wait3A_168] : memref<10240x128xf32, #tpu.memory_space<vmem_shared>> -> memref<10240x128xf32, #tpu.memory_space<vmem_shared>>
          tpu.wait_indirect_dma semaphore(%arg25 : memref<!tpu.dma_semaphore, #tpu.memory_space<semaphore_mem>>) src(%arg16 : memref<128x128xf32, #tpu.memory_space<vmem>>) dst(%dma_wait3A_169 : memref<10240x128xf32, #tpu.memory_space<vmem_shared>>)
        } else {
        }
        %dma_start3A_164 = arith.constant 0 : i32
        %dma_start3A_165 = arith.constant 0 : i32
        %dma_start3A_166 = tpu.memref_slice %arg2[%dma_start3A_164, %dma_start3A_165] : memref<10000x128xf32, #tpu.memory_space<hbm>> -> memref<10000x128xf32, #tpu.memory_space<hbm>>
        tpu.enqueue_indirect_dma source(%dma_start3A_166 : memref<10000x128xf32, #tpu.memory_space<hbm>>) target(%arg16 : memref<128x128xf32, #tpu.memory_space<vmem>>) offsets(%arg8 : memref<128xi32, #tpu.memory_space<vmem>>) semaphore(%arg23 : memref<!tpu.dma_semaphore, #tpu.memory_space<semaphore_mem>>)
      } else {
      }
      %sub3A = arith.constant 2 : i32
      %sub3A_78 = arith.subi %select_n3A, %sub3A : i32
      %lt3A_79 = arith.cmpi slt, %add3A_74, %sub3A_78 : i32
      %convert_element_type3A_80 = arith.extui %lt3A_79 : i1 to i32
      %cond3A_81 = arith.constant 0 : i32
      %cond3A_82 = arith.cmpi ne, %convert_element_type3A_80, %cond3A_81 : i32
      scf.if %cond3A_82 {
        %add3A_156 = arith.constant 2 : i32
        %add3A_157 = arith.addi %add3A_74, %add3A_156 : i32
        %mul3A_158 = arith.constant 128 : i32
        %mul3A_159 = arith.muli %add3A_157, %mul3A_158 : i32
        %add3A_160 = arith.addi %mul3A_29, %mul3A_159 : i32
        %dma_start3A_161 = tpu.memref_slice %arg3[%add3A_160] : memref<327680xi32, #tpu.memory_space<hbm>> -> memref<128xi32, #tpu.memory_space<hbm>>
        %dma_start3A_162 = tpu.memref_slice %arg3[%add3A_160] : memref<327680xi32, #tpu.memory_space<hbm>> -> memref<128xi32, #tpu.memory_space<hbm>>
        tpu.enqueue_dma source(%dma_start3A_162 : memref<128xi32, #tpu.memory_space<hbm>>) target(%arg9 : memref<128xi32, #tpu.memory_space<vmem>>) target_semaphore(%arg20 : memref<!tpu.dma_semaphore, #tpu.memory_space<semaphore_mem>>)
        %mul3A_163 = arith.constant 128 : i32
        %mul3A_164 = arith.muli %add3A_157, %mul3A_163 : i32
        %add3A_165 = arith.addi %mul3A_29, %mul3A_164 : i32
        %dma_start3A_166 = tpu.memref_slice %arg4[%add3A_165] : memref<327680xi32, #tpu.memory_space<hbm>> -> memref<128xi32, #tpu.memory_space<hbm>>
        %dma_start3A_167 = tpu.memref_slice %arg4[%add3A_165] : memref<327680xi32, #tpu.memory_space<hbm>> -> memref<128xi32, #tpu.memory_space<hbm>>
        tpu.enqueue_dma source(%dma_start3A_167 : memref<128xi32, #tpu.memory_space<hbm>>) target(%arg13 : memref<128xi32, #tpu.memory_space<vmem>>) target_semaphore(%arg20 : memref<!tpu.dma_semaphore, #tpu.memory_space<semaphore_mem>>)
      } else {
      }
      %dma_wait3A_83 = arith.constant 0 : i32
      %dma_wait3A_84 = arith.constant 0 : i32
      %dma_wait3A_85 = tpu.memref_slice %arg2[%dma_wait3A_83, %dma_wait3A_84] : memref<10000x128xf32, #tpu.memory_space<hbm>> -> memref<10000x128xf32, #tpu.memory_space<hbm>>
      tpu.wait_indirect_dma semaphore(%arg22 : memref<!tpu.dma_semaphore, #tpu.memory_space<semaphore_mem>>) src(%dma_wait3A_85 : memref<10000x128xf32, #tpu.memory_space<hbm>>) dst(%arg15 : memref<128x128xf32, #tpu.memory_space<vmem>>)
      %dma_start3A_86 = arith.constant 0 : i32
      %dma_start3A_87 = arith.constant 0 : i32
      %dma_start3A_88 = tpu.memref_slice %arg17[%dma_start3A_86, %dma_start3A_87] : memref<10240x128xf32, #tpu.memory_space<vmem_shared>> -> memref<10240x128xf32, #tpu.memory_space<vmem_shared>>
      tpu.enqueue_indirect_dma source(%arg15 : memref<128x128xf32, #tpu.memory_space<vmem>>) target(%dma_start3A_88 : memref<10240x128xf32, #tpu.memory_space<vmem_shared>>) offsets(%arg11 : memref<128xi32, #tpu.memory_space<vmem>>) semaphore(%arg24 : memref<!tpu.dma_semaphore, #tpu.memory_space<semaphore_mem>>) {add = true}
      %mul3A_89 = arith.constant 4 : i32
      %mul3A_90 = arith.muli %while3A_69, %mul3A_89 : i32
      %add3A_91 = arith.constant 1 : i32
      %add3A_92 = arith.addi %mul3A_90, %add3A_91 : i32
      %add3A_93 = arith.constant 1 : i32
      %add3A_94 = arith.addi %add3A_92, %add3A_93 : i32
      %lt3A_95 = arith.cmpi slt, %add3A_94, %select_n3A : i32
      %convert_element_type3A_96 = arith.extui %lt3A_95 : i1 to i32
      %cond3A_97 = arith.constant 0 : i32
      %cond3A_98 = arith.cmpi ne, %convert_element_type3A_96, %cond3A_97 : i32
      scf.if %cond3A_98 {
        %dma_wait3A_156 = tpu.memref_slice %arg3[%mul3A_29] : memref<327680xi32, #tpu.memory_space<hbm>> -> memref<128xi32, #tpu.memory_space<hbm>>
        %dma_wait3A_157 = tpu.memref_slice %arg3[%mul3A_29] : memref<327680xi32, #tpu.memory_space<hbm>> -> memref<128xi32, #tpu.memory_space<hbm>>
        tpu.wait_dma2 semaphore(%arg20 : memref<!tpu.dma_semaphore, #tpu.memory_space<semaphore_mem>>) src(%dma_wait3A_157 : memref<128xi32, #tpu.memory_space<hbm>>) dst(%arg9 : memref<128xi32, #tpu.memory_space<vmem>>)
        %dma_wait3A_158 = tpu.memref_slice %arg4[%mul3A_29] : memref<327680xi32, #tpu.memory_space<hbm>> -> memref<128xi32, #tpu.memory_space<hbm>>
        %dma_wait3A_159 = tpu.memref_slice %arg4[%mul3A_29] : memref<327680xi32, #tpu.memory_space<hbm>> -> memref<128xi32, #tpu.memory_space<hbm>>
        tpu.wait_dma2 semaphore(%arg20 : memref<!tpu.dma_semaphore, #tpu.memory_space<semaphore_mem>>) src(%dma_wait3A_159 : memref<128xi32, #tpu.memory_space<hbm>>) dst(%arg13 : memref<128xi32, #tpu.memory_space<vmem>>)
        %ge3A = arith.constant 1 : i32
        %ge3A_160 = arith.cmpi sge, %add3A_92, %ge3A : i32
        %convert_element_type3A_161 = arith.extui %ge3A_160 : i1 to i32
        %cond3A_162 = arith.constant 0 : i32
        %cond3A_163 = arith.cmpi ne, %convert_element_type3A_161, %cond3A_162 : i32
        scf.if %cond3A_163 {
          %dma_wait3A_167 = arith.constant 0 : i32
          %dma_wait3A_168 = arith.constant 0 : i32
          %dma_wait3A_169 = tpu.memref_slice %arg17[%dma_wait3A_167, %dma_wait3A_168] : memref<10240x128xf32, #tpu.memory_space<vmem_shared>> -> memref<10240x128xf32, #tpu.memory_space<vmem_shared>>
          tpu.wait_indirect_dma semaphore(%arg24 : memref<!tpu.dma_semaphore, #tpu.memory_space<semaphore_mem>>) src(%arg15 : memref<128x128xf32, #tpu.memory_space<vmem>>) dst(%dma_wait3A_169 : memref<10240x128xf32, #tpu.memory_space<vmem_shared>>)
        } else {
        }
        %dma_start3A_164 = arith.constant 0 : i32
        %dma_start3A_165 = arith.constant 0 : i32
        %dma_start3A_166 = tpu.memref_slice %arg2[%dma_start3A_164, %dma_start3A_165] : memref<10000x128xf32, #tpu.memory_space<hbm>> -> memref<10000x128xf32, #tpu.memory_space<hbm>>
        tpu.enqueue_indirect_dma source(%dma_start3A_166 : memref<10000x128xf32, #tpu.memory_space<hbm>>) target(%arg15 : memref<128x128xf32, #tpu.memory_space<vmem>>) offsets(%arg9 : memref<128xi32, #tpu.memory_space<vmem>>) semaphore(%arg22 : memref<!tpu.dma_semaphore, #tpu.memory_space<semaphore_mem>>)
      } else {
      }
      %sub3A_99 = arith.constant 2 : i32
      %sub3A_100 = arith.subi %select_n3A, %sub3A_99 : i32
      %lt3A_101 = arith.cmpi slt, %add3A_92, %sub3A_100 : i32
      %convert_element_type3A_102 = arith.extui %lt3A_101 : i1 to i32
      %cond3A_103 = arith.constant 0 : i32
      %cond3A_104 = arith.cmpi ne, %convert_element_type3A_102, %cond3A_103 : i32
      scf.if %cond3A_104 {
        %add3A_156 = arith.constant 2 : i32
        %add3A_157 = arith.addi %add3A_92, %add3A_156 : i32
        %mul3A_158 = arith.constant 128 : i32
        %mul3A_159 = arith.muli %add3A_157, %mul3A_158 : i32
        %add3A_160 = arith.addi %mul3A_29, %mul3A_159 : i32
        %dma_start3A_161 = tpu.memref_slice %arg3[%add3A_160] : memref<327680xi32, #tpu.memory_space<hbm>> -> memref<128xi32, #tpu.memory_space<hbm>>
        %dma_start3A_162 = tpu.memref_slice %arg3[%add3A_160] : memref<327680xi32, #tpu.memory_space<hbm>> -> memref<128xi32, #tpu.memory_space<hbm>>
        tpu.enqueue_dma source(%dma_start3A_162 : memref<128xi32, #tpu.memory_space<hbm>>) target(%arg10 : memref<128xi32, #tpu.memory_space<vmem>>) target_semaphore(%arg21 : memref<!tpu.dma_semaphore, #tpu.memory_space<semaphore_mem>>)
        %mul3A_163 = arith.constant 128 : i32
        %mul3A_164 = arith.muli %add3A_157, %mul3A_163 : i32
        %add3A_165 = arith.addi %mul3A_29, %mul3A_164 : i32
        %dma_start3A_166 = tpu.memref_slice %arg4[%add3A_165] : memref<327680xi32, #tpu.memory_space<hbm>> -> memref<128xi32, #tpu.memory_space<hbm>>
        %dma_start3A_167 = tpu.memref_slice %arg4[%add3A_165] : memref<327680xi32, #tpu.memory_space<hbm>> -> memref<128xi32, #tpu.memory_space<hbm>>
        tpu.enqueue_dma source(%dma_start3A_167 : memref<128xi32, #tpu.memory_space<hbm>>) target(%arg14 : memref<128xi32, #tpu.memory_space<vmem>>) target_semaphore(%arg21 : memref<!tpu.dma_semaphore, #tpu.memory_space<semaphore_mem>>)
      } else {
      }
      %dma_wait3A_105 = arith.constant 0 : i32
      %dma_wait3A_106 = arith.constant 0 : i32
      %dma_wait3A_107 = tpu.memref_slice %arg2[%dma_wait3A_105, %dma_wait3A_106] : memref<10000x128xf32, #tpu.memory_space<hbm>> -> memref<10000x128xf32, #tpu.memory_space<hbm>>
      tpu.wait_indirect_dma semaphore(%arg23 : memref<!tpu.dma_semaphore, #tpu.memory_space<semaphore_mem>>) src(%dma_wait3A_107 : memref<10000x128xf32, #tpu.memory_space<hbm>>) dst(%arg16 : memref<128x128xf32, #tpu.memory_space<vmem>>)
      %dma_start3A_108 = arith.constant 0 : i32
      %dma_start3A_109 = arith.constant 0 : i32
      %dma_start3A_110 = tpu.memref_slice %arg17[%dma_start3A_108, %dma_start3A_109] : memref<10240x128xf32, #tpu.memory_space<vmem_shared>> -> memref<10240x128xf32, #tpu.memory_space<vmem_shared>>
      tpu.enqueue_indirect_dma source(%arg16 : memref<128x128xf32, #tpu.memory_space<vmem>>) target(%dma_start3A_110 : memref<10240x128xf32, #tpu.memory_space<vmem_shared>>) offsets(%arg12 : memref<128xi32, #tpu.memory_space<vmem>>) semaphore(%arg25 : memref<!tpu.dma_semaphore, #tpu.memory_space<semaphore_mem>>) {add = true}
      %mul3A_111 = arith.constant 4 : i32
      %mul3A_112 = arith.muli %while3A_69, %mul3A_111 : i32
      %add3A_113 = arith.constant 2 : i32
      %add3A_114 = arith.addi %mul3A_112, %add3A_113 : i32
      %add3A_115 = arith.constant 1 : i32
      %add3A_116 = arith.addi %add3A_114, %add3A_115 : i32
      %lt3A_117 = arith.cmpi slt, %add3A_116, %select_n3A : i32
      %convert_element_type3A_118 = arith.extui %lt3A_117 : i1 to i32
      %cond3A_119 = arith.constant 0 : i32
      %cond3A_120 = arith.cmpi ne, %convert_element_type3A_118, %cond3A_119 : i32
      scf.if %cond3A_120 {
        %dma_wait3A_156 = tpu.memref_slice %arg3[%mul3A_29] : memref<327680xi32, #tpu.memory_space<hbm>> -> memref<128xi32, #tpu.memory_space<hbm>>
        %dma_wait3A_157 = tpu.memref_slice %arg3[%mul3A_29] : memref<327680xi32, #tpu.memory_space<hbm>> -> memref<128xi32, #tpu.memory_space<hbm>>
        tpu.wait_dma2 semaphore(%arg21 : memref<!tpu.dma_semaphore, #tpu.memory_space<semaphore_mem>>) src(%dma_wait3A_157 : memref<128xi32, #tpu.memory_space<hbm>>) dst(%arg10 : memref<128xi32, #tpu.memory_space<vmem>>)
        %dma_wait3A_158 = tpu.memref_slice %arg4[%mul3A_29] : memref<327680xi32, #tpu.memory_space<hbm>> -> memref<128xi32, #tpu.memory_space<hbm>>
        %dma_wait3A_159 = tpu.memref_slice %arg4[%mul3A_29] : memref<327680xi32, #tpu.memory_space<hbm>> -> memref<128xi32, #tpu.memory_space<hbm>>
        tpu.wait_dma2 semaphore(%arg21 : memref<!tpu.dma_semaphore, #tpu.memory_space<semaphore_mem>>) src(%dma_wait3A_159 : memref<128xi32, #tpu.memory_space<hbm>>) dst(%arg14 : memref<128xi32, #tpu.memory_space<vmem>>)
        %ge3A = arith.constant 1 : i32
        %ge3A_160 = arith.cmpi sge, %add3A_114, %ge3A : i32
        %convert_element_type3A_161 = arith.extui %ge3A_160 : i1 to i32
        %cond3A_162 = arith.constant 0 : i32
        %cond3A_163 = arith.cmpi ne, %convert_element_type3A_161, %cond3A_162 : i32
        scf.if %cond3A_163 {
          %dma_wait3A_167 = arith.constant 0 : i32
          %dma_wait3A_168 = arith.constant 0 : i32
          %dma_wait3A_169 = tpu.memref_slice %arg17[%dma_wait3A_167, %dma_wait3A_168] : memref<10240x128xf32, #tpu.memory_space<vmem_shared>> -> memref<10240x128xf32, #tpu.memory_space<vmem_shared>>
          tpu.wait_indirect_dma semaphore(%arg25 : memref<!tpu.dma_semaphore, #tpu.memory_space<semaphore_mem>>) src(%arg16 : memref<128x128xf32, #tpu.memory_space<vmem>>) dst(%dma_wait3A_169 : memref<10240x128xf32, #tpu.memory_space<vmem_shared>>)
        } else {
        }
        %dma_start3A_164 = arith.constant 0 : i32
        %dma_start3A_165 = arith.constant 0 : i32
        %dma_start3A_166 = tpu.memref_slice %arg2[%dma_start3A_164, %dma_start3A_165] : memref<10000x128xf32, #tpu.memory_space<hbm>> -> memref<10000x128xf32, #tpu.memory_space<hbm>>
        tpu.enqueue_indirect_dma source(%dma_start3A_166 : memref<10000x128xf32, #tpu.memory_space<hbm>>) target(%arg16 : memref<128x128xf32, #tpu.memory_space<vmem>>) offsets(%arg10 : memref<128xi32, #tpu.memory_space<vmem>>) semaphore(%arg23 : memref<!tpu.dma_semaphore, #tpu.memory_space<semaphore_mem>>)
      } else {
      }
      %sub3A_121 = arith.constant 2 : i32
      %sub3A_122 = arith.subi %select_n3A, %sub3A_121 : i32
      %lt3A_123 = arith.cmpi slt, %add3A_114, %sub3A_122 : i32
      %convert_element_type3A_124 = arith.extui %lt3A_123 : i1 to i32
      %cond3A_125 = arith.constant 0 : i32
      %cond3A_126 = arith.cmpi ne, %convert_element_type3A_124, %cond3A_125 : i32
      scf.if %cond3A_126 {
        %add3A_156 = arith.constant 2 : i32
        %add3A_157 = arith.addi %add3A_114, %add3A_156 : i32
        %mul3A_158 = arith.constant 128 : i32
        %mul3A_159 = arith.muli %add3A_157, %mul3A_158 : i32
        %add3A_160 = arith.addi %mul3A_29, %mul3A_159 : i32
        %dma_start3A_161 = tpu.memref_slice %arg3[%add3A_160] : memref<327680xi32, #tpu.memory_space<hbm>> -> memref<128xi32, #tpu.memory_space<hbm>>
        %dma_start3A_162 = tpu.memref_slice %arg3[%add3A_160] : memref<327680xi32, #tpu.memory_space<hbm>> -> memref<128xi32, #tpu.memory_space<hbm>>
        tpu.enqueue_dma source(%dma_start3A_162 : memref<128xi32, #tpu.memory_space<hbm>>) target(%arg7 : memref<128xi32, #tpu.memory_space<vmem>>) target_semaphore(%arg18 : memref<!tpu.dma_semaphore, #tpu.memory_space<semaphore_mem>>)
        %mul3A_163 = arith.constant 128 : i32
        %mul3A_164 = arith.muli %add3A_157, %mul3A_163 : i32
        %add3A_165 = arith.addi %mul3A_29, %mul3A_164 : i32
        %dma_start3A_166 = tpu.memref_slice %arg4[%add3A_165] : memref<327680xi32, #tpu.memory_space<hbm>> -> memref<128xi32, #tpu.memory_space<hbm>>
        %dma_start3A_167 = tpu.memref_slice %arg4[%add3A_165] : memref<327680xi32, #tpu.memory_space<hbm>> -> memref<128xi32, #tpu.memory_space<hbm>>
        tpu.enqueue_dma source(%dma_start3A_167 : memref<128xi32, #tpu.memory_space<hbm>>) target(%arg11 : memref<128xi32, #tpu.memory_space<vmem>>) target_semaphore(%arg18 : memref<!tpu.dma_semaphore, #tpu.memory_space<semaphore_mem>>)
      } else {
      }
      %dma_wait3A_127 = arith.constant 0 : i32
      %dma_wait3A_128 = arith.constant 0 : i32
      %dma_wait3A_129 = tpu.memref_slice %arg2[%dma_wait3A_127, %dma_wait3A_128] : memref<10000x128xf32, #tpu.memory_space<hbm>> -> memref<10000x128xf32, #tpu.memory_space<hbm>>
      tpu.wait_indirect_dma semaphore(%arg22 : memref<!tpu.dma_semaphore, #tpu.memory_space<semaphore_mem>>) src(%dma_wait3A_129 : memref<10000x128xf32, #tpu.memory_space<hbm>>) dst(%arg15 : memref<128x128xf32, #tpu.memory_space<vmem>>)
      %dma_start3A_130 = arith.constant 0 : i32
      %dma_start3A_131 = arith.constant 0 : i32
      %dma_start3A_132 = tpu.memref_slice %arg17[%dma_start3A_130, %dma_start3A_131] : memref<10240x128xf32, #tpu.memory_space<vmem_shared>> -> memref<10240x128xf32, #tpu.memory_space<vmem_shared>>
      tpu.enqueue_indirect_dma source(%arg15 : memref<128x128xf32, #tpu.memory_space<vmem>>) target(%dma_start3A_132 : memref<10240x128xf32, #tpu.memory_space<vmem_shared>>) offsets(%arg13 : memref<128xi32, #tpu.memory_space<vmem>>) semaphore(%arg24 : memref<!tpu.dma_semaphore, #tpu.memory_space<semaphore_mem>>) {add = true}
      %mul3A_133 = arith.constant 4 : i32
      %mul3A_134 = arith.muli %while3A_69, %mul3A_133 : i32
      %add3A_135 = arith.constant 3 : i32
      %add3A_136 = arith.addi %mul3A_134, %add3A_135 : i32
      %add3A_137 = arith.constant 1 : i32
      %add3A_138 = arith.addi %add3A_136, %add3A_137 : i32
      %lt3A_139 = arith.cmpi slt, %add3A_138, %select_n3A : i32
      %convert_element_type3A_140 = arith.extui %lt3A_139 : i1 to i32
      %cond3A_141 = arith.constant 0 : i32
      %cond3A_142 = arith.cmpi ne, %convert_element_type3A_140, %cond3A_141 : i32
      scf.if %cond3A_142 {
        %dma_wait3A_156 = tpu.memref_slice %arg3[%mul3A_29] : memref<327680xi32, #tpu.memory_space<hbm>> -> memref<128xi32, #tpu.memory_space<hbm>>
        %dma_wait3A_157 = tpu.memref_slice %arg3[%mul3A_29] : memref<327680xi32, #tpu.memory_space<hbm>> -> memref<128xi32, #tpu.memory_space<hbm>>
        tpu.wait_dma2 semaphore(%arg18 : memref<!tpu.dma_semaphore, #tpu.memory_space<semaphore_mem>>) src(%dma_wait3A_157 : memref<128xi32, #tpu.memory_space<hbm>>) dst(%arg7 : memref<128xi32, #tpu.memory_space<vmem>>)
        %dma_wait3A_158 = tpu.memref_slice %arg4[%mul3A_29] : memref<327680xi32, #tpu.memory_space<hbm>> -> memref<128xi32, #tpu.memory_space<hbm>>
        %dma_wait3A_159 = tpu.memref_slice %arg4[%mul3A_29] : memref<327680xi32, #tpu.memory_space<hbm>> -> memref<128xi32, #tpu.memory_space<hbm>>
        tpu.wait_dma2 semaphore(%arg18 : memref<!tpu.dma_semaphore, #tpu.memory_space<semaphore_mem>>) src(%dma_wait3A_159 : memref<128xi32, #tpu.memory_space<hbm>>) dst(%arg11 : memref<128xi32, #tpu.memory_space<vmem>>)
        %ge3A = arith.constant 1 : i32
        %ge3A_160 = arith.cmpi sge, %add3A_136, %ge3A : i32
        %convert_element_type3A_161 = arith.extui %ge3A_160 : i1 to i32
        %cond3A_162 = arith.constant 0 : i32
        %cond3A_163 = arith.cmpi ne, %convert_element_type3A_161, %cond3A_162 : i32
        scf.if %cond3A_163 {
          %dma_wait3A_167 = arith.constant 0 : i32
          %dma_wait3A_168 = arith.constant 0 : i32
          %dma_wait3A_169 = tpu.memref_slice %arg17[%dma_wait3A_167, %dma_wait3A_168] : memref<10240x128xf32, #tpu.memory_space<vmem_shared>> -> memref<10240x128xf32, #tpu.memory_space<vmem_shared>>
          tpu.wait_indirect_dma semaphore(%arg24 : memref<!tpu.dma_semaphore, #tpu.memory_space<semaphore_mem>>) src(%arg15 : memref<128x128xf32, #tpu.memory_space<vmem>>) dst(%dma_wait3A_169 : memref<10240x128xf32, #tpu.memory_space<vmem_shared>>)
        } else {
        }
        %dma_start3A_164 = arith.constant 0 : i32
        %dma_start3A_165 = arith.constant 0 : i32
        %dma_start3A_166 = tpu.memref_slice %arg2[%dma_start3A_164, %dma_start3A_165] : memref<10000x128xf32, #tpu.memory_space<hbm>> -> memref<10000x128xf32, #tpu.memory_space<hbm>>
        tpu.enqueue_indirect_dma source(%dma_start3A_166 : memref<10000x128xf32, #tpu.memory_space<hbm>>) target(%arg15 : memref<128x128xf32, #tpu.memory_space<vmem>>) offsets(%arg7 : memref<128xi32, #tpu.memory_space<vmem>>) semaphore(%arg22 : memref<!tpu.dma_semaphore, #tpu.memory_space<semaphore_mem>>)
      } else {
      }
      %sub3A_143 = arith.constant 2 : i32
      %sub3A_144 = arith.subi %select_n3A, %sub3A_143 : i32
      %lt3A_145 = arith.cmpi slt, %add3A_136, %sub3A_144 : i32
      %convert_element_type3A_146 = arith.extui %lt3A_145 : i1 to i32
      %cond3A_147 = arith.constant 0 : i32
      %cond3A_148 = arith.cmpi ne, %convert_element_type3A_146, %cond3A_147 : i32
      scf.if %cond3A_148 {
        %add3A_156 = arith.constant 2 : i32
        %add3A_157 = arith.addi %add3A_136, %add3A_156 : i32
        %mul3A_158 = arith.constant 128 : i32
        %mul3A_159 = arith.muli %add3A_157, %mul3A_158 : i32
        %add3A_160 = arith.addi %mul3A_29, %mul3A_159 : i32
        %dma_start3A_161 = tpu.memref_slice %arg3[%add3A_160] : memref<327680xi32, #tpu.memory_space<hbm>> -> memref<128xi32, #tpu.memory_space<hbm>>
        %dma_start3A_162 = tpu.memref_slice %arg3[%add3A_160] : memref<327680xi32, #tpu.memory_space<hbm>> -> memref<128xi32, #tpu.memory_space<hbm>>
        tpu.enqueue_dma source(%dma_start3A_162 : memref<128xi32, #tpu.memory_space<hbm>>) target(%arg8 : memref<128xi32, #tpu.memory_space<vmem>>) target_semaphore(%arg19 : memref<!tpu.dma_semaphore, #tpu.memory_space<semaphore_mem>>)
        %mul3A_163 = arith.constant 128 : i32
        %mul3A_164 = arith.muli %add3A_157, %mul3A_163 : i32
        %add3A_165 = arith.addi %mul3A_29, %mul3A_164 : i32
        %dma_start3A_166 = tpu.memref_slice %arg4[%add3A_165] : memref<327680xi32, #tpu.memory_space<hbm>> -> memref<128xi32, #tpu.memory_space<hbm>>
        %dma_start3A_167 = tpu.memref_slice %arg4[%add3A_165] : memref<327680xi32, #tpu.memory_space<hbm>> -> memref<128xi32, #tpu.memory_space<hbm>>
        tpu.enqueue_dma source(%dma_start3A_167 : memref<128xi32, #tpu.memory_space<hbm>>) target(%arg12 : memref<128xi32, #tpu.memory_space<vmem>>) target_semaphore(%arg19 : memref<!tpu.dma_semaphore, #tpu.memory_space<semaphore_mem>>)
      } else {
      }
      %dma_wait3A_149 = arith.constant 0 : i32
      %dma_wait3A_150 = arith.constant 0 : i32
      %dma_wait3A_151 = tpu.memref_slice %arg2[%dma_wait3A_149, %dma_wait3A_150] : memref<10000x128xf32, #tpu.memory_space<hbm>> -> memref<10000x128xf32, #tpu.memory_space<hbm>>
      tpu.wait_indirect_dma semaphore(%arg23 : memref<!tpu.dma_semaphore, #tpu.memory_space<semaphore_mem>>) src(%dma_wait3A_151 : memref<10000x128xf32, #tpu.memory_space<hbm>>) dst(%arg16 : memref<128x128xf32, #tpu.memory_space<vmem>>)
      %dma_start3A_152 = arith.constant 0 : i32
      %dma_start3A_153 = arith.constant 0 : i32
      %dma_start3A_154 = tpu.memref_slice %arg17[%dma_start3A_152, %dma_start3A_153] : memref<10240x128xf32, #tpu.memory_space<vmem_shared>> -> memref<10240x128xf32, #tpu.memory_space<vmem_shared>>
      tpu.enqueue_indirect_dma source(%arg16 : memref<128x128xf32, #tpu.memory_space<vmem>>) target(%dma_start3A_154 : memref<10240x128xf32, #tpu.memory_space<vmem_shared>>) offsets(%arg14 : memref<128xi32, #tpu.memory_space<vmem>>) semaphore(%arg25 : memref<!tpu.dma_semaphore, #tpu.memory_space<semaphore_mem>>) {add = true}
      %while3A_155 = arith.constant 0 : i32
      scf.yield %while3A_155 : i32
    }
    %while3A_60 = arith.constant 1 : i32
    %while3A_61 = scf.for %while3A_69 = %while3A_57 to %while3A_53 step %while3A_60 iter_args(%while3A_70 = %while3A_59) -> (i32)  : i32 {
      %mul3A_71 = arith.constant 4 : i32
      %mul3A_72 = arith.muli %while3A_69, %mul3A_71 : i32
      %add3A_73 = arith.constant 0 : i32
      %add3A_74 = arith.addi %mul3A_72, %add3A_73 : i32
      %add3A_75 = arith.constant 1 : i32
      %add3A_76 = arith.addi %add3A_74, %add3A_75 : i32
      %lt3A = arith.cmpi slt, %add3A_76, %select_n3A : i32
      %convert_element_type3A = arith.extui %lt3A : i1 to i32
      %cond3A = arith.constant 0 : i32
      %cond3A_77 = arith.cmpi ne, %convert_element_type3A, %cond3A : i32
      scf.if %cond3A_77 {
        %dma_wait3A_156 = tpu.memref_slice %arg3[%mul3A_29] : memref<327680xi32, #tpu.memory_space<hbm>> -> memref<128xi32, #tpu.memory_space<hbm>>
        %dma_wait3A_157 = tpu.memref_slice %arg3[%mul3A_29] : memref<327680xi32, #tpu.memory_space<hbm>> -> memref<128xi32, #tpu.memory_space<hbm>>
        tpu.wait_dma2 semaphore(%arg19 : memref<!tpu.dma_semaphore, #tpu.memory_space<semaphore_mem>>) src(%dma_wait3A_157 : memref<128xi32, #tpu.memory_space<hbm>>) dst(%arg8 : memref<128xi32, #tpu.memory_space<vmem>>)
        %dma_wait3A_158 = tpu.memref_slice %arg4[%mul3A_29] : memref<327680xi32, #tpu.memory_space<hbm>> -> memref<128xi32, #tpu.memory_space<hbm>>
        %dma_wait3A_159 = tpu.memref_slice %arg4[%mul3A_29] : memref<327680xi32, #tpu.memory_space<hbm>> -> memref<128xi32, #tpu.memory_space<hbm>>
        tpu.wait_dma2 semaphore(%arg19 : memref<!tpu.dma_semaphore, #tpu.memory_space<semaphore_mem>>) src(%dma_wait3A_159 : memref<128xi32, #tpu.memory_space<hbm>>) dst(%arg12 : memref<128xi32, #tpu.memory_space<vmem>>)
        %ge3A = arith.constant 1 : i32
        %ge3A_160 = arith.cmpi sge, %add3A_74, %ge3A : i32
        %convert_element_type3A_161 = arith.extui %ge3A_160 : i1 to i32
        %cond3A_162 = arith.constant 0 : i32
        %cond3A_163 = arith.cmpi ne, %convert_element_type3A_161, %cond3A_162 : i32
        scf.if %cond3A_163 {
          %dma_wait3A_167 = arith.constant 0 : i32
          %dma_wait3A_168 = arith.constant 0 : i32
          %dma_wait3A_169 = tpu.memref_slice %arg17[%dma_wait3A_167, %dma_wait3A_168] : memref<10240x128xf32, #tpu.memory_space<vmem_shared>> -> memref<10240x128xf32, #tpu.memory_space<vmem_shared>>
          tpu.wait_indirect_dma semaphore(%arg25 : memref<!tpu.dma_semaphore, #tpu.memory_space<semaphore_mem>>) src(%arg16 : memref<128x128xf32, #tpu.memory_space<vmem>>) dst(%dma_wait3A_169 : memref<10240x128xf32, #tpu.memory_space<vmem_shared>>)
        } else {
        }
        %dma_start3A_164 = arith.constant 0 : i32
        %dma_start3A_165 = arith.constant 0 : i32
        %dma_start3A_166 = tpu.memref_slice %arg2[%dma_start3A_164, %dma_start3A_165] : memref<10000x128xf32, #tpu.memory_space<hbm>> -> memref<10000x128xf32, #tpu.memory_space<hbm>>
        tpu.enqueue_indirect_dma source(%dma_start3A_166 : memref<10000x128xf32, #tpu.memory_space<hbm>>) target(%arg16 : memref<128x128xf32, #tpu.memory_space<vmem>>) offsets(%arg8 : memref<128xi32, #tpu.memory_space<vmem>>) semaphore(%arg23 : memref<!tpu.dma_semaphore, #tpu.memory_space<semaphore_mem>>)
      } else {
      }
      %sub3A = arith.constant 2 : i32
      %sub3A_78 = arith.subi %select_n3A, %sub3A : i32
      %lt3A_79 = arith.cmpi slt, %add3A_74, %sub3A_78 : i32
      %convert_element_type3A_80 = arith.extui %lt3A_79 : i1 to i32
      %cond3A_81 = arith.constant 0 : i32
      %cond3A_82 = arith.cmpi ne, %convert_element_type3A_80, %cond3A_81 : i32
      scf.if %cond3A_82 {
        %add3A_156 = arith.constant 2 : i32
        %add3A_157 = arith.addi %add3A_74, %add3A_156 : i32
        %mul3A_158 = arith.constant 128 : i32
        %mul3A_159 = arith.muli %add3A_157, %mul3A_158 : i32
        %add3A_160 = arith.addi %mul3A_29, %mul3A_159 : i32
        %dma_start3A_161 = tpu.memref_slice %arg3[%add3A_160] : memref<327680xi32, #tpu.memory_space<hbm>> -> memref<128xi32, #tpu.memory_space<hbm>>
        %dma_start3A_162 = tpu.memref_slice %arg3[%add3A_160] : memref<327680xi32, #tpu.memory_space<hbm>> -> memref<128xi32, #tpu.memory_space<hbm>>
        tpu.enqueue_dma source(%dma_start3A_162 : memref<128xi32, #tpu.memory_space<hbm>>) target(%arg9 : memref<128xi32, #tpu.memory_space<vmem>>) target_semaphore(%arg20 : memref<!tpu.dma_semaphore, #tpu.memory_space<semaphore_mem>>)
        %mul3A_163 = arith.constant 128 : i32
        %mul3A_164 = arith.muli %add3A_157, %mul3A_163 : i32
        %add3A_165 = arith.addi %mul3A_29, %mul3A_164 : i32
        %dma_start3A_166 = tpu.memref_slice %arg4[%add3A_165] : memref<327680xi32, #tpu.memory_space<hbm>> -> memref<128xi32, #tpu.memory_space<hbm>>
        %dma_start3A_167 = tpu.memref_slice %arg4[%add3A_165] : memref<327680xi32, #tpu.memory_space<hbm>> -> memref<128xi32, #tpu.memory_space<hbm>>
        tpu.enqueue_dma source(%dma_start3A_167 : memref<128xi32, #tpu.memory_space<hbm>>) target(%arg13 : memref<128xi32, #tpu.memory_space<vmem>>) target_semaphore(%arg20 : memref<!tpu.dma_semaphore, #tpu.memory_space<semaphore_mem>>)
      } else {
      }
      %dma_wait3A_83 = arith.constant 0 : i32
      %dma_wait3A_84 = arith.constant 0 : i32
      %dma_wait3A_85 = tpu.memref_slice %arg2[%dma_wait3A_83, %dma_wait3A_84] : memref<10000x128xf32, #tpu.memory_space<hbm>> -> memref<10000x128xf32, #tpu.memory_space<hbm>>
      tpu.wait_indirect_dma semaphore(%arg22 : memref<!tpu.dma_semaphore, #tpu.memory_space<semaphore_mem>>) src(%dma_wait3A_85 : memref<10000x128xf32, #tpu.memory_space<hbm>>) dst(%arg15 : memref<128x128xf32, #tpu.memory_space<vmem>>)
      %dma_start3A_86 = arith.constant 0 : i32
      %dma_start3A_87 = arith.constant 0 : i32
      %dma_start3A_88 = tpu.memref_slice %arg17[%dma_start3A_86, %dma_start3A_87] : memref<10240x128xf32, #tpu.memory_space<vmem_shared>> -> memref<10240x128xf32, #tpu.memory_space<vmem_shared>>
      tpu.enqueue_indirect_dma source(%arg15 : memref<128x128xf32, #tpu.memory_space<vmem>>) target(%dma_start3A_88 : memref<10240x128xf32, #tpu.memory_space<vmem_shared>>) offsets(%arg11 : memref<128xi32, #tpu.memory_space<vmem>>) semaphore(%arg24 : memref<!tpu.dma_semaphore, #tpu.memory_space<semaphore_mem>>) {add = true}
      %mul3A_89 = arith.constant 4 : i32
      %mul3A_90 = arith.muli %while3A_69, %mul3A_89 : i32
      %add3A_91 = arith.constant 1 : i32
      %add3A_92 = arith.addi %mul3A_90, %add3A_91 : i32
      %add3A_93 = arith.constant 1 : i32
      %add3A_94 = arith.addi %add3A_92, %add3A_93 : i32
      %lt3A_95 = arith.cmpi slt, %add3A_94, %select_n3A : i32
      %convert_element_type3A_96 = arith.extui %lt3A_95 : i1 to i32
      %cond3A_97 = arith.constant 0 : i32
      %cond3A_98 = arith.cmpi ne, %convert_element_type3A_96, %cond3A_97 : i32
      scf.if %cond3A_98 {
        %dma_wait3A_156 = tpu.memref_slice %arg3[%mul3A_29] : memref<327680xi32, #tpu.memory_space<hbm>> -> memref<128xi32, #tpu.memory_space<hbm>>
        %dma_wait3A_157 = tpu.memref_slice %arg3[%mul3A_29] : memref<327680xi32, #tpu.memory_space<hbm>> -> memref<128xi32, #tpu.memory_space<hbm>>
        tpu.wait_dma2 semaphore(%arg20 : memref<!tpu.dma_semaphore, #tpu.memory_space<semaphore_mem>>) src(%dma_wait3A_157 : memref<128xi32, #tpu.memory_space<hbm>>) dst(%arg9 : memref<128xi32, #tpu.memory_space<vmem>>)
        %dma_wait3A_158 = tpu.memref_slice %arg4[%mul3A_29] : memref<327680xi32, #tpu.memory_space<hbm>> -> memref<128xi32, #tpu.memory_space<hbm>>
        %dma_wait3A_159 = tpu.memref_slice %arg4[%mul3A_29] : memref<327680xi32, #tpu.memory_space<hbm>> -> memref<128xi32, #tpu.memory_space<hbm>>
        tpu.wait_dma2 semaphore(%arg20 : memref<!tpu.dma_semaphore, #tpu.memory_space<semaphore_mem>>) src(%dma_wait3A_159 : memref<128xi32, #tpu.memory_space<hbm>>) dst(%arg13 : memref<128xi32, #tpu.memory_space<vmem>>)
        %ge3A = arith.constant 1 : i32
        %ge3A_160 = arith.cmpi sge, %add3A_92, %ge3A : i32
        %convert_element_type3A_161 = arith.extui %ge3A_160 : i1 to i32
        %cond3A_162 = arith.constant 0 : i32
        %cond3A_163 = arith.cmpi ne, %convert_element_type3A_161, %cond3A_162 : i32
        scf.if %cond3A_163 {
          %dma_wait3A_167 = arith.constant 0 : i32
          %dma_wait3A_168 = arith.constant 0 : i32
          %dma_wait3A_169 = tpu.memref_slice %arg17[%dma_wait3A_167, %dma_wait3A_168] : memref<10240x128xf32, #tpu.memory_space<vmem_shared>> -> memref<10240x128xf32, #tpu.memory_space<vmem_shared>>
          tpu.wait_indirect_dma semaphore(%arg24 : memref<!tpu.dma_semaphore, #tpu.memory_space<semaphore_mem>>) src(%arg15 : memref<128x128xf32, #tpu.memory_space<vmem>>) dst(%dma_wait3A_169 : memref<10240x128xf32, #tpu.memory_space<vmem_shared>>)
        } else {
        }
        %dma_start3A_164 = arith.constant 0 : i32
        %dma_start3A_165 = arith.constant 0 : i32
        %dma_start3A_166 = tpu.memref_slice %arg2[%dma_start3A_164, %dma_start3A_165] : memref<10000x128xf32, #tpu.memory_space<hbm>> -> memref<10000x128xf32, #tpu.memory_space<hbm>>
        tpu.enqueue_indirect_dma source(%dma_start3A_166 : memref<10000x128xf32, #tpu.memory_space<hbm>>) target(%arg15 : memref<128x128xf32, #tpu.memory_space<vmem>>) offsets(%arg9 : memref<128xi32, #tpu.memory_space<vmem>>) semaphore(%arg22 : memref<!tpu.dma_semaphore, #tpu.memory_space<semaphore_mem>>)
      } else {
      }
      %sub3A_99 = arith.constant 2 : i32
      %sub3A_100 = arith.subi %select_n3A, %sub3A_99 : i32
      %lt3A_101 = arith.cmpi slt, %add3A_92, %sub3A_100 : i32
      %convert_element_type3A_102 = arith.extui %lt3A_101 : i1 to i32
      %cond3A_103 = arith.constant 0 : i32
      %cond3A_104 = arith.cmpi ne, %convert_element_type3A_102, %cond3A_103 : i32
      scf.if %cond3A_104 {
        %add3A_156 = arith.constant 2 : i32
        %add3A_157 = arith.addi %add3A_92, %add3A_156 : i32
        %mul3A_158 = arith.constant 128 : i32
        %mul3A_159 = arith.muli %add3A_157, %mul3A_158 : i32
        %add3A_160 = arith.addi %mul3A_29, %mul3A_159 : i32
        %dma_start3A_161 = tpu.memref_slice %arg3[%add3A_160] : memref<327680xi32, #tpu.memory_space<hbm>> -> memref<128xi32, #tpu.memory_space<hbm>>
        %dma_start3A_162 = tpu.memref_slice %arg3[%add3A_160] : memref<327680xi32, #tpu.memory_space<hbm>> -> memref<128xi32, #tpu.memory_space<hbm>>
        tpu.enqueue_dma source(%dma_start3A_162 : memref<128xi32, #tpu.memory_space<hbm>>) target(%arg10 : memref<128xi32, #tpu.memory_space<vmem>>) target_semaphore(%arg21 : memref<!tpu.dma_semaphore, #tpu.memory_space<semaphore_mem>>)
        %mul3A_163 = arith.constant 128 : i32
        %mul3A_164 = arith.muli %add3A_157, %mul3A_163 : i32
        %add3A_165 = arith.addi %mul3A_29, %mul3A_164 : i32
        %dma_start3A_166 = tpu.memref_slice %arg4[%add3A_165] : memref<327680xi32, #tpu.memory_space<hbm>> -> memref<128xi32, #tpu.memory_space<hbm>>
        %dma_start3A_167 = tpu.memref_slice %arg4[%add3A_165] : memref<327680xi32, #tpu.memory_space<hbm>> -> memref<128xi32, #tpu.memory_space<hbm>>
        tpu.enqueue_dma source(%dma_start3A_167 : memref<128xi32, #tpu.memory_space<hbm>>) target(%arg14 : memref<128xi32, #tpu.memory_space<vmem>>) target_semaphore(%arg21 : memref<!tpu.dma_semaphore, #tpu.memory_space<semaphore_mem>>)
      } else {
      }
      %dma_wait3A_105 = arith.constant 0 : i32
      %dma_wait3A_106 = arith.constant 0 : i32
      %dma_wait3A_107 = tpu.memref_slice %arg2[%dma_wait3A_105, %dma_wait3A_106] : memref<10000x128xf32, #tpu.memory_space<hbm>> -> memref<10000x128xf32, #tpu.memory_space<hbm>>
      tpu.wait_indirect_dma semaphore(%arg23 : memref<!tpu.dma_semaphore, #tpu.memory_space<semaphore_mem>>) src(%dma_wait3A_107 : memref<10000x128xf32, #tpu.memory_space<hbm>>) dst(%arg16 : memref<128x128xf32, #tpu.memory_space<vmem>>)
      %dma_start3A_108 = arith.constant 0 : i32
      %dma_start3A_109 = arith.constant 0 : i32
      %dma_start3A_110 = tpu.memref_slice %arg17[%dma_start3A_108, %dma_start3A_109] : memref<10240x128xf32, #tpu.memory_space<vmem_shared>> -> memref<10240x128xf32, #tpu.memory_space<vmem_shared>>
      tpu.enqueue_indirect_dma source(%arg16 : memref<128x128xf32, #tpu.memory_space<vmem>>) target(%dma_start3A_110 : memref<10240x128xf32, #tpu.memory_space<vmem_shared>>) offsets(%arg12 : memref<128xi32, #tpu.memory_space<vmem>>) semaphore(%arg25 : memref<!tpu.dma_semaphore, #tpu.memory_space<semaphore_mem>>) {add = true}
      %mul3A_111 = arith.constant 4 : i32
      %mul3A_112 = arith.muli %while3A_69, %mul3A_111 : i32
      %add3A_113 = arith.constant 2 : i32
      %add3A_114 = arith.addi %mul3A_112, %add3A_113 : i32
      %add3A_115 = arith.constant 1 : i32
      %add3A_116 = arith.addi %add3A_114, %add3A_115 : i32
      %lt3A_117 = arith.cmpi slt, %add3A_116, %select_n3A : i32
      %convert_element_type3A_118 = arith.extui %lt3A_117 : i1 to i32
      %cond3A_119 = arith.constant 0 : i32
      %cond3A_120 = arith.cmpi ne, %convert_element_type3A_118, %cond3A_119 : i32
      scf.if %cond3A_120 {
        %dma_wait3A_156 = tpu.memref_slice %arg3[%mul3A_29] : memref<327680xi32, #tpu.memory_space<hbm>> -> memref<128xi32, #tpu.memory_space<hbm>>
        %dma_wait3A_157 = tpu.memref_slice %arg3[%mul3A_29] : memref<327680xi32, #tpu.memory_space<hbm>> -> memref<128xi32, #tpu.memory_space<hbm>>
        tpu.wait_dma2 semaphore(%arg21 : memref<!tpu.dma_semaphore, #tpu.memory_space<semaphore_mem>>) src(%dma_wait3A_157 : memref<128xi32, #tpu.memory_space<hbm>>) dst(%arg10 : memref<128xi32, #tpu.memory_space<vmem>>)
        %dma_wait3A_158 = tpu.memref_slice %arg4[%mul3A_29] : memref<327680xi32, #tpu.memory_space<hbm>> -> memref<128xi32, #tpu.memory_space<hbm>>
        %dma_wait3A_159 = tpu.memref_slice %arg4[%mul3A_29] : memref<327680xi32, #tpu.memory_space<hbm>> -> memref<128xi32, #tpu.memory_space<hbm>>
        tpu.wait_dma2 semaphore(%arg21 : memref<!tpu.dma_semaphore, #tpu.memory_space<semaphore_mem>>) src(%dma_wait3A_159 : memref<128xi32, #tpu.memory_space<hbm>>) dst(%arg14 : memref<128xi32, #tpu.memory_space<vmem>>)
        %ge3A = arith.constant 1 : i32
        %ge3A_160 = arith.cmpi sge, %add3A_114, %ge3A : i32
        %convert_element_type3A_161 = arith.extui %ge3A_160 : i1 to i32
        %cond3A_162 = arith.constant 0 : i32
        %cond3A_163 = arith.cmpi ne, %convert_element_type3A_161, %cond3A_162 : i32
        scf.if %cond3A_163 {
          %dma_wait3A_167 = arith.constant 0 : i32
          %dma_wait3A_168 = arith.constant 0 : i32
          %dma_wait3A_169 = tpu.memref_slice %arg17[%dma_wait3A_167, %dma_wait3A_168] : memref<10240x128xf32, #tpu.memory_space<vmem_shared>> -> memref<10240x128xf32, #tpu.memory_space<vmem_shared>>
          tpu.wait_indirect_dma semaphore(%arg25 : memref<!tpu.dma_semaphore, #tpu.memory_space<semaphore_mem>>) src(%arg16 : memref<128x128xf32, #tpu.memory_space<vmem>>) dst(%dma_wait3A_169 : memref<10240x128xf32, #tpu.memory_space<vmem_shared>>)
        } else {
        }
        %dma_start3A_164 = arith.constant 0 : i32
        %dma_start3A_165 = arith.constant 0 : i32
        %dma_start3A_166 = tpu.memref_slice %arg2[%dma_start3A_164, %dma_start3A_165] : memref<10000x128xf32, #tpu.memory_space<hbm>> -> memref<10000x128xf32, #tpu.memory_space<hbm>>
        tpu.enqueue_indirect_dma source(%dma_start3A_166 : memref<10000x128xf32, #tpu.memory_space<hbm>>) target(%arg16 : memref<128x128xf32, #tpu.memory_space<vmem>>) offsets(%arg10 : memref<128xi32, #tpu.memory_space<vmem>>) semaphore(%arg23 : memref<!tpu.dma_semaphore, #tpu.memory_space<semaphore_mem>>)
      } else {
      }
      %sub3A_121 = arith.constant 2 : i32
      %sub3A_122 = arith.subi %select_n3A, %sub3A_121 : i32
      %lt3A_123 = arith.cmpi slt, %add3A_114, %sub3A_122 : i32
      %convert_element_type3A_124 = arith.extui %lt3A_123 : i1 to i32
      %cond3A_125 = arith.constant 0 : i32
      %cond3A_126 = arith.cmpi ne, %convert_element_type3A_124, %cond3A_125 : i32
      scf.if %cond3A_126 {
        %add3A_156 = arith.constant 2 : i32
        %add3A_157 = arith.addi %add3A_114, %add3A_156 : i32
        %mul3A_158 = arith.constant 128 : i32
        %mul3A_159 = arith.muli %add3A_157, %mul3A_158 : i32
        %add3A_160 = arith.addi %mul3A_29, %mul3A_159 : i32
        %dma_start3A_161 = tpu.memref_slice %arg3[%add3A_160] : memref<327680xi32, #tpu.memory_space<hbm>> -> memref<128xi32, #tpu.memory_space<hbm>>
        %dma_start3A_162 = tpu.memref_slice %arg3[%add3A_160] : memref<327680xi32, #tpu.memory_space<hbm>> -> memref<128xi32, #tpu.memory_space<hbm>>
        tpu.enqueue_dma source(%dma_start3A_162 : memref<128xi32, #tpu.memory_space<hbm>>) target(%arg7 : memref<128xi32, #tpu.memory_space<vmem>>) target_semaphore(%arg18 : memref<!tpu.dma_semaphore, #tpu.memory_space<semaphore_mem>>)
        %mul3A_163 = arith.constant 128 : i32
        %mul3A_164 = arith.muli %add3A_157, %mul3A_163 : i32
        %add3A_165 = arith.addi %mul3A_29, %mul3A_164 : i32
        %dma_start3A_166 = tpu.memref_slice %arg4[%add3A_165] : memref<327680xi32, #tpu.memory_space<hbm>> -> memref<128xi32, #tpu.memory_space<hbm>>
        %dma_start3A_167 = tpu.memref_slice %arg4[%add3A_165] : memref<327680xi32, #tpu.memory_space<hbm>> -> memref<128xi32, #tpu.memory_space<hbm>>
        tpu.enqueue_dma source(%dma_start3A_167 : memref<128xi32, #tpu.memory_space<hbm>>) target(%arg11 : memref<128xi32, #tpu.memory_space<vmem>>) target_semaphore(%arg18 : memref<!tpu.dma_semaphore, #tpu.memory_space<semaphore_mem>>)
      } else {
      }
      %dma_wait3A_127 = arith.constant 0 : i32
      %dma_wait3A_128 = arith.constant 0 : i32
      %dma_wait3A_129 = tpu.memref_slice %arg2[%dma_wait3A_127, %dma_wait3A_128] : memref<10000x128xf32, #tpu.memory_space<hbm>> -> memref<10000x128xf32, #tpu.memory_space<hbm>>
      tpu.wait_indirect_dma semaphore(%arg22 : memref<!tpu.dma_semaphore, #tpu.memory_space<semaphore_mem>>) src(%dma_wait3A_129 : memref<10000x128xf32, #tpu.memory_space<hbm>>) dst(%arg15 : memref<128x128xf32, #tpu.memory_space<vmem>>)
      %dma_start3A_130 = arith.constant 0 : i32
      %dma_start3A_131 = arith.constant 0 : i32
      %dma_start3A_132 = tpu.memref_slice %arg17[%dma_start3A_130, %dma_start3A_131] : memref<10240x128xf32, #tpu.memory_space<vmem_shared>> -> memref<10240x128xf32, #tpu.memory_space<vmem_shared>>
      tpu.enqueue_indirect_dma source(%arg15 : memref<128x128xf32, #tpu.memory_space<vmem>>) target(%dma_start3A_132 : memref<10240x128xf32, #tpu.memory_space<vmem_shared>>) offsets(%arg13 : memref<128xi32, #tpu.memory_space<vmem>>) semaphore(%arg24 : memref<!tpu.dma_semaphore, #tpu.memory_space<semaphore_mem>>) {add = true}
      %mul3A_133 = arith.constant 4 : i32
      %mul3A_134 = arith.muli %while3A_69, %mul3A_133 : i32
      %add3A_135 = arith.constant 3 : i32
      %add3A_136 = arith.addi %mul3A_134, %add3A_135 : i32
      %add3A_137 = arith.constant 1 : i32
      %add3A_138 = arith.addi %add3A_136, %add3A_137 : i32
      %lt3A_139 = arith.cmpi slt, %add3A_138, %select_n3A : i32
      %convert_element_type3A_140 = arith.extui %lt3A_139 : i1 to i32
      %cond3A_141 = arith.constant 0 : i32
      %cond3A_142 = arith.cmpi ne, %convert_element_type3A_140, %cond3A_141 : i32
      scf.if %cond3A_142 {
        %dma_wait3A_156 = tpu.memref_slice %arg3[%mul3A_29] : memref<327680xi32, #tpu.memory_space<hbm>> -> memref<128xi32, #tpu.memory_space<hbm>>
        %dma_wait3A_157 = tpu.memref_slice %arg3[%mul3A_29] : memref<327680xi32, #tpu.memory_space<hbm>> -> memref<128xi32, #tpu.memory_space<hbm>>
        tpu.wait_dma2 semaphore(%arg18 : memref<!tpu.dma_semaphore, #tpu.memory_space<semaphore_mem>>) src(%dma_wait3A_157 : memref<128xi32, #tpu.memory_space<hbm>>) dst(%arg7 : memref<128xi32, #tpu.memory_space<vmem>>)
        %dma_wait3A_158 = tpu.memref_slice %arg4[%mul3A_29] : memref<327680xi32, #tpu.memory_space<hbm>> -> memref<128xi32, #tpu.memory_space<hbm>>
        %dma_wait3A_159 = tpu.memref_slice %arg4[%mul3A_29] : memref<327680xi32, #tpu.memory_space<hbm>> -> memref<128xi32, #tpu.memory_space<hbm>>
        tpu.wait_dma2 semaphore(%arg18 : memref<!tpu.dma_semaphore, #tpu.memory_space<semaphore_mem>>) src(%dma_wait3A_159 : memref<128xi32, #tpu.memory_space<hbm>>) dst(%arg11 : memref<128xi32, #tpu.memory_space<vmem>>)
        %ge3A = arith.constant 1 : i32
        %ge3A_160 = arith.cmpi sge, %add3A_136, %ge3A : i32
        %convert_element_type3A_161 = arith.extui %ge3A_160 : i1 to i32
        %cond3A_162 = arith.constant 0 : i32
        %cond3A_163 = arith.cmpi ne, %convert_element_type3A_161, %cond3A_162 : i32
        scf.if %cond3A_163 {
          %dma_wait3A_167 = arith.constant 0 : i32
          %dma_wait3A_168 = arith.constant 0 : i32
          %dma_wait3A_169 = tpu.memref_slice %arg17[%dma_wait3A_167, %dma_wait3A_168] : memref<10240x128xf32, #tpu.memory_space<vmem_shared>> -> memref<10240x128xf32, #tpu.memory_space<vmem_shared>>
          tpu.wait_indirect_dma semaphore(%arg24 : memref<!tpu.dma_semaphore, #tpu.memory_space<semaphore_mem>>) src(%arg15 : memref<128x128xf32, #tpu.memory_space<vmem>>) dst(%dma_wait3A_169 : memref<10240x128xf32, #tpu.memory_space<vmem_shared>>)
        } else {
        }
        %dma_start3A_164 = arith.constant 0 : i32
        %dma_start3A_165 = arith.constant 0 : i32
        %dma_start3A_166 = tpu.memref_slice %arg2[%dma_start3A_164, %dma_start3A_165] : memref<10000x128xf32, #tpu.memory_space<hbm>> -> memref<10000x128xf32, #tpu.memory_space<hbm>>
        tpu.enqueue_indirect_dma source(%dma_start3A_166 : memref<10000x128xf32, #tpu.memory_space<hbm>>) target(%arg15 : memref<128x128xf32, #tpu.memory_space<vmem>>) offsets(%arg7 : memref<128xi32, #tpu.memory_space<vmem>>) semaphore(%arg22 : memref<!tpu.dma_semaphore, #tpu.memory_space<semaphore_mem>>)
      } else {
      }
      %sub3A_143 = arith.constant 2 : i32
      %sub3A_144 = arith.subi %select_n3A, %sub3A_143 : i32
      %lt3A_145 = arith.cmpi slt, %add3A_136, %sub3A_144 : i32
      %convert_element_type3A_146 = arith.extui %lt3A_145 : i1 to i32
      %cond3A_147 = arith.constant 0 : i32
      %cond3A_148 = arith.cmpi ne, %convert_element_type3A_146, %cond3A_147 : i32
      scf.if %cond3A_148 {
        %add3A_156 = arith.constant 2 : i32
        %add3A_157 = arith.addi %add3A_136, %add3A_156 : i32
        %mul3A_158 = arith.constant 128 : i32
        %mul3A_159 = arith.muli %add3A_157, %mul3A_158 : i32
        %add3A_160 = arith.addi %mul3A_29, %mul3A_159 : i32
        %dma_start3A_161 = tpu.memref_slice %arg3[%add3A_160] : memref<327680xi32, #tpu.memory_space<hbm>> -> memref<128xi32, #tpu.memory_space<hbm>>
        %dma_start3A_162 = tpu.memref_slice %arg3[%add3A_160] : memref<327680xi32, #tpu.memory_space<hbm>> -> memref<128xi32, #tpu.memory_space<hbm>>
        tpu.enqueue_dma source(%dma_start3A_162 : memref<128xi32, #tpu.memory_space<hbm>>) target(%arg8 : memref<128xi32, #tpu.memory_space<vmem>>) target_semaphore(%arg19 : memref<!tpu.dma_semaphore, #tpu.memory_space<semaphore_mem>>)
        %mul3A_163 = arith.constant 128 : i32
        %mul3A_164 = arith.muli %add3A_157, %mul3A_163 : i32
        %add3A_165 = arith.addi %mul3A_29, %mul3A_164 : i32
        %dma_start3A_166 = tpu.memref_slice %arg4[%add3A_165] : memref<327680xi32, #tpu.memory_space<hbm>> -> memref<128xi32, #tpu.memory_space<hbm>>
        %dma_start3A_167 = tpu.memref_slice %arg4[%add3A_165] : memref<327680xi32, #tpu.memory_space<hbm>> -> memref<128xi32, #tpu.memory_space<hbm>>
        tpu.enqueue_dma source(%dma_start3A_167 : memref<128xi32, #tpu.memory_space<hbm>>) target(%arg12 : memref<128xi32, #tpu.memory_space<vmem>>) target_semaphore(%arg19 : memref<!tpu.dma_semaphore, #tpu.memory_space<semaphore_mem>>)
      } else {
      }
      %dma_wait3A_149 = arith.constant 0 : i32
      %dma_wait3A_150 = arith.constant 0 : i32
      %dma_wait3A_151 = tpu.memref_slice %arg2[%dma_wait3A_149, %dma_wait3A_150] : memref<10000x128xf32, #tpu.memory_space<hbm>> -> memref<10000x128xf32, #tpu.memory_space<hbm>>
      tpu.wait_indirect_dma semaphore(%arg23 : memref<!tpu.dma_semaphore, #tpu.memory_space<semaphore_mem>>) src(%dma_wait3A_151 : memref<10000x128xf32, #tpu.memory_space<hbm>>) dst(%arg16 : memref<128x128xf32, #tpu.memory_space<vmem>>)
      %dma_start3A_152 = arith.constant 0 : i32
      %dma_start3A_153 = arith.constant 0 : i32
      %dma_start3A_154 = tpu.memref_slice %arg17[%dma_start3A_152, %dma_start3A_153] : memref<10240x128xf32, #tpu.memory_space<vmem_shared>> -> memref<10240x128xf32, #tpu.memory_space<vmem_shared>>
      tpu.enqueue_indirect_dma source(%arg16 : memref<128x128xf32, #tpu.memory_space<vmem>>) target(%dma_start3A_154 : memref<10240x128xf32, #tpu.memory_space<vmem_shared>>) offsets(%arg14 : memref<128xi32, #tpu.memory_space<vmem>>) semaphore(%arg25 : memref<!tpu.dma_semaphore, #tpu.memory_space<semaphore_mem>>) {add = true}
      %while3A_155 = arith.constant 0 : i32
      scf.yield %while3A_155 : i32
    }
    %dma_wait3A_62 = arith.constant 0 : i32
    %dma_wait3A_63 = arith.constant 0 : i32
    %dma_wait3A_64 = tpu.memref_slice %arg17[%dma_wait3A_62, %dma_wait3A_63] : memref<10240x128xf32, #tpu.memory_space<vmem_shared>> -> memref<10240x128xf32, #tpu.memory_space<vmem_shared>>
    tpu.wait_indirect_dma semaphore(%arg24 : memref<!tpu.dma_semaphore, #tpu.memory_space<semaphore_mem>>) src(%arg15 : memref<128x128xf32, #tpu.memory_space<vmem>>) dst(%dma_wait3A_64 : memref<10240x128xf32, #tpu.memory_space<vmem_shared>>)
    %dma_wait3A_65 = arith.constant 0 : i32
    %dma_wait3A_66 = arith.constant 0 : i32
    %dma_wait3A_67 = tpu.memref_slice %arg17[%dma_wait3A_65, %dma_wait3A_66] : memref<10240x128xf32, #tpu.memory_space<vmem_shared>> -> memref<10240x128xf32, #tpu.memory_space<vmem_shared>>
    tpu.wait_indirect_dma semaphore(%arg25 : memref<!tpu.dma_semaphore, #tpu.memory_space<semaphore_mem>>) src(%arg16 : memref<128x128xf32, #tpu.memory_space<vmem>>) dst(%dma_wait3A_67 : memref<10240x128xf32, #tpu.memory_space<vmem_shared>>)
    %barrier3A_68 = arith.constant 0 : index
    tpu.barrier barrier_id(%barrier3A_68)
    "tpu.region"() ({
      %run_scoped3A = tpu.sem_alloc : memref<!tpu.dma_semaphore, #tpu.memory_space<semaphore_mem>>
      %dma_start3A_69 = arith.constant 0 : i32
      %dma_start3A_70 = tpu.memref_slice %arg6[%arg0, %mul3A_0, %dma_start3A_69] : memref<2x10240x128xf32, #tpu.memory_space<hbm>> -> memref<1x640x128xf32, #tpu.memory_space<hbm>>
      %dma_start3A_71 = tpu.memref_squeeze %dma_start3A_70 : memref<1x640x128xf32, #tpu.memory_space<hbm>> -> memref<640x128xf32, #tpu.memory_space<hbm>>
      %dma_start3A_72 = arith.constant 0 : i32
      %dma_start3A_73 = tpu.memref_slice %arg17[%mul3A_0, %dma_start3A_72] : memref<10240x128xf32, #tpu.memory_space<vmem_shared>> -> memref<640x128xf32, #tpu.memory_space<vmem_shared>>
      tpu.enqueue_dma source(%dma_start3A_73 : memref<640x128xf32, #tpu.memory_space<vmem_shared>>) target(%dma_start3A_71 : memref<640x128xf32, #tpu.memory_space<hbm>>) target_semaphore(%run_scoped3A : memref<!tpu.dma_semaphore, #tpu.memory_space<semaphore_mem>>)
      %dma_wait3A_74 = arith.constant 0 : i32
      %dma_wait3A_75 = tpu.memref_slice %arg6[%arg0, %mul3A_0, %dma_wait3A_74] : memref<2x10240x128xf32, #tpu.memory_space<hbm>> -> memref<1x640x128xf32, #tpu.memory_space<hbm>>
      %dma_wait3A_76 = tpu.memref_squeeze %dma_wait3A_75 : memref<1x640x128xf32, #tpu.memory_space<hbm>> -> memref<640x128xf32, #tpu.memory_space<hbm>>
      %dma_wait3A_77 = arith.constant 0 : i32
      %dma_wait3A_78 = tpu.memref_slice %arg17[%mul3A_0, %dma_wait3A_77] : memref<10240x128xf32, #tpu.memory_space<vmem_shared>> -> memref<640x128xf32, #tpu.memory_space<vmem_shared>>
      tpu.wait_dma2 semaphore(%run_scoped3A : memref<!tpu.dma_semaphore, #tpu.memory_space<semaphore_mem>>) src(%dma_wait3A_78 : memref<640x128xf32, #tpu.memory_space<vmem_shared>>) dst(%dma_wait3A_76 : memref<640x128xf32, #tpu.memory_space<hbm>>)
      tpu.yield
    }) : () -> ()
    return
  }
}

#map = affine_map<(d0, d1) -> (0, 0)>
#map1 = affine_map<(d0, d1) -> (0)>
#map2 = affine_map<(d0, d1) -> (0, 0, 0)>
module attributes {stable_mosaic.version = 14 : i64} {
  func.func @_seg_body(%arg0: i32, %arg1: i32, %arg2: memref<10000x128xf32, #tpu.memory_space<hbm>>, %arg3: memref<327680xi32, #tpu.memory_space<hbm>>, %arg4: memref<327680xi32, #tpu.memory_space<hbm>>, %arg5: memref<10240x128xf32, #tpu.memory_space<hbm>>, %arg6: memref<2x10240x128xf32, #tpu.memory_space<hbm>>, %arg7: memref<128xi32, #tpu.memory_space<vmem>>, %arg8: memref<128xi32, #tpu.memory_space<vmem>>, %arg9: memref<128xi32, #tpu.memory_space<vmem>>, %arg10: memref<128xi32, #tpu.memory_space<vmem>>, %arg11: memref<128xi32, #tpu.memory_space<vmem>>, %arg12: memref<128xi32, #tpu.memory_space<vmem>>, %arg13: memref<128xi32, #tpu.memory_space<vmem>>, %arg14: memref<128xi32, #tpu.memory_space<vmem>>, %arg15: memref<128x128xf32, #tpu.memory_space<vmem>>, %arg16: memref<128x128xf32, #tpu.memory_space<vmem>>, %arg17: memref<10240x128xf32, #tpu.memory_space<vmem_shared>>, %arg18: memref<!tpu.dma_semaphore, #tpu.memory_space<semaphore_mem>>, %arg19: memref<!tpu.dma_semaphore, #tpu.memory_space<semaphore_mem>>, %arg20: memref<!tpu.dma_semaphore, #tpu.memory_space<semaphore_mem>>, %arg21: memref<!tpu.dma_semaphore, #tpu.memory_space<semaphore_mem>>, %arg22: memref<!tpu.dma_semaphore, #tpu.memory_space<semaphore_mem>>, %arg23: memref<!tpu.dma_semaphore, #tpu.memory_space<semaphore_mem>>, %arg24: memref<!tpu.dma_semaphore, #tpu.memory_space<semaphore_mem>>, %arg25: memref<!tpu.dma_semaphore, #tpu.memory_space<semaphore_mem>>) attributes {dimension_semantics = [#tpu.dimension_semantics<core_parallel>, #tpu.dimension_semantics<subcore_parallel>], iteration_bounds = array<i64: 2, 16>, scalar_prefetch = 0 : i64, scratch_operands = 19 : i64, tpu.core_type = #tpu.core_type<sc_vector_subcore>, window_params = [{transform_indices = #map}, {transform_indices = #map1}, {transform_indices = #map1}, {transform_indices = #map}, {transform_indices = #map2}]} {
    %mul3A = arith.constant 640 : i32
    %mul3A_0 = arith.muli %arg1, %mul3A : i32
    "tpu.region"() ({
      %run_scoped3A = tpu.sem_alloc : memref<!tpu.dma_semaphore, #tpu.memory_space<semaphore_mem>>
      %dma_start3A_69 = arith.constant 0 : i32
      %dma_start3A_70 = tpu.memref_slice %arg17[%mul3A_0, %dma_start3A_69] : memref<10240x128xf32, #tpu.memory_space<vmem_shared>> -> memref<640x128xf32, #tpu.memory_space<vmem_shared>>
      %dma_start3A_71 = arith.constant 0 : i32
      %dma_start3A_72 = tpu.memref_slice %arg5[%mul3A_0, %dma_start3A_71] : memref<10240x128xf32, #tpu.memory_space<hbm>> -> memref<640x128xf32, #tpu.memory_space<hbm>>
      tpu.enqueue_dma source(%dma_start3A_72 : memref<640x128xf32, #tpu.memory_space<hbm>>) target(%dma_start3A_70 : memref<640x128xf32, #tpu.memory_space<vmem_shared>>) target_semaphore(%run_scoped3A : memref<!tpu.dma_semaphore, #tpu.memory_space<semaphore_mem>>)
      %dma_wait3A_73 = arith.constant 0 : i32
      %dma_wait3A_74 = tpu.memref_slice %arg17[%mul3A_0, %dma_wait3A_73] : memref<10240x128xf32, #tpu.memory_space<vmem_shared>> -> memref<640x128xf32, #tpu.memory_space<vmem_shared>>
      %dma_wait3A_75 = arith.constant 0 : i32
      %dma_wait3A_76 = tpu.memref_slice %arg5[%mul3A_0, %dma_wait3A_75] : memref<10240x128xf32, #tpu.memory_space<hbm>> -> memref<640x128xf32, #tpu.memory_space<hbm>>
      tpu.wait_dma2 semaphore(%run_scoped3A : memref<!tpu.dma_semaphore, #tpu.memory_space<semaphore_mem>>) src(%dma_wait3A_76 : memref<640x128xf32, #tpu.memory_space<hbm>>) dst(%dma_wait3A_74 : memref<640x128xf32, #tpu.memory_space<vmem_shared>>)
      tpu.yield
    }) : () -> ()
    %barrier3A = arith.constant 0 : index
    tpu.barrier barrier_id(%barrier3A)
    %eq3A = arith.constant 1 : i32
    %eq3A_1 = arith.cmpi eq, %arg0, %eq3A : i32
    %jit3A = arith.constant 48 : i32
    %jit3A_2 = arith.constant 112 : i32
    %select_n3A = arith.select %eq3A_1, %jit3A, %jit3A_2 : i32
    %eq3A_3 = arith.constant 1 : i32
    %eq3A_4 = arith.cmpi eq, %arg0, %eq3A_3 : i32
    %jit3A_5 = arith.constant 12 : i32
    %jit3A_6 = arith.constant 28 : i32
    %select_n3A_7 = arith.select %eq3A_4, %jit3A_5, %jit3A_6 : i32
    %eq3A_8 = arith.constant 1 : i32
    %eq3A_9 = arith.cmpi eq, %arg0, %eq3A_8 : i32
    %eq3A_10 = arith.constant 0 : i32
    %eq3A_11 = arith.cmpi eq, %arg0, %eq3A_10 : i32
    %mul3A_12 = arith.constant 48 : i32
    %mul3A_13 = arith.muli %arg1, %mul3A_12 : i32
    %mul3A_14 = arith.constant 48 : i32
    %mul3A_15 = arith.muli %arg1, %mul3A_14 : i32
    %add3A = arith.constant 1792 : i32
    %add3A_16 = arith.addi %add3A, %mul3A_15 : i32
    %select_n3A_17 = arith.select %eq3A_11, %mul3A_13, %add3A_16 : i32
    %eq3A_18 = arith.constant 0 : i32
    %eq3A_19 = arith.cmpi eq, %arg0, %eq3A_18 : i32
    %mul3A_20 = arith.constant 112 : i32
    %mul3A_21 = arith.muli %arg1, %mul3A_20 : i32
    %mul3A_22 = arith.constant 112 : i32
    %mul3A_23 = arith.muli %arg1, %mul3A_22 : i32
    %add3A_24 = arith.constant 768 : i32
    %add3A_25 = arith.addi %add3A_24, %mul3A_23 : i32
    %select_n3A_26 = arith.select %eq3A_19, %mul3A_21, %add3A_25 : i32
    %select_n3A_27 = arith.select %eq3A_9, %select_n3A_17, %select_n3A_26 : i32
    %mul3A_28 = arith.constant 128 : i32
    %mul3A_29 = arith.muli %select_n3A_27, %mul3A_28 : i32
    %add3A_30 = arith.constant 0 : i32
    %add3A_31 = arith.addi %mul3A_29, %add3A_30 : i32
    %dma_start3A = tpu.memref_slice %arg3[%add3A_31] : memref<327680xi32, #tpu.memory_space<hbm>> -> memref<128xi32, #tpu.memory_space<hbm>>
    %dma_start3A_32 = tpu.memref_slice %arg3[%add3A_31] : memref<327680xi32, #tpu.memory_space<hbm>> -> memref<128xi32, #tpu.memory_space<hbm>>
    tpu.enqueue_dma source(%dma_start3A_32 : memref<128xi32, #tpu.memory_space<hbm>>) target(%arg7 : memref<128xi32, #tpu.memory_space<vmem>>) target_semaphore(%arg18 : memref<!tpu.dma_semaphore, #tpu.memory_space<semaphore_mem>>)
    %add3A_33 = arith.constant 0 : i32
    %add3A_34 = arith.addi %mul3A_29, %add3A_33 : i32
    %dma_start3A_35 = tpu.memref_slice %arg4[%add3A_34] : memref<327680xi32, #tpu.memory_space<hbm>> -> memref<128xi32, #tpu.memory_space<hbm>>
    %dma_start3A_36 = tpu.memref_slice %arg4[%add3A_34] : memref<327680xi32, #tpu.memory_space<hbm>> -> memref<128xi32, #tpu.memory_space<hbm>>
    tpu.enqueue_dma source(%dma_start3A_36 : memref<128xi32, #tpu.memory_space<hbm>>) target(%arg11 : memref<128xi32, #tpu.memory_space<vmem>>) target_semaphore(%arg18 : memref<!tpu.dma_semaphore, #tpu.memory_space<semaphore_mem>>)
    %add3A_37 = arith.constant 128 : i32
    %add3A_38 = arith.addi %mul3A_29, %add3A_37 : i32
    %dma_start3A_39 = tpu.memref_slice %arg3[%add3A_38] : memref<327680xi32, #tpu.memory_space<hbm>> -> memref<128xi32, #tpu.memory_space<hbm>>
    %dma_start3A_40 = tpu.memref_slice %arg3[%add3A_38] : memref<327680xi32, #tpu.memory_space<hbm>> -> memref<128xi32, #tpu.memory_space<hbm>>
    tpu.enqueue_dma source(%dma_start3A_40 : memref<128xi32, #tpu.memory_space<hbm>>) target(%arg8 : memref<128xi32, #tpu.memory_space<vmem>>) target_semaphore(%arg19 : memref<!tpu.dma_semaphore, #tpu.memory_space<semaphore_mem>>)
    %add3A_41 = arith.constant 128 : i32
    %add3A_42 = arith.addi %mul3A_29, %add3A_41 : i32
    %dma_start3A_43 = tpu.memref_slice %arg4[%add3A_42] : memref<327680xi32, #tpu.memory_space<hbm>> -> memref<128xi32, #tpu.memory_space<hbm>>
    %dma_start3A_44 = tpu.memref_slice %arg4[%add3A_42] : memref<327680xi32, #tpu.memory_space<hbm>> -> memref<128xi32, #tpu.memory_space<hbm>>
    tpu.enqueue_dma source(%dma_start3A_44 : memref<128xi32, #tpu.memory_space<hbm>>) target(%arg12 : memref<128xi32, #tpu.memory_space<vmem>>) target_semaphore(%arg19 : memref<!tpu.dma_semaphore, #tpu.memory_space<semaphore_mem>>)
    %dma_wait3A = tpu.memref_slice %arg3[%mul3A_29] : memref<327680xi32, #tpu.memory_space<hbm>> -> memref<128xi32, #tpu.memory_space<hbm>>
    %dma_wait3A_45 = tpu.memref_slice %arg3[%mul3A_29] : memref<327680xi32, #tpu.memory_space<hbm>> -> memref<128xi32, #tpu.memory_space<hbm>>
    tpu.wait_dma2 semaphore(%arg18 : memref<!tpu.dma_semaphore, #tpu.memory_space<semaphore_mem>>) src(%dma_wait3A_45 : memref<128xi32, #tpu.memory_space<hbm>>) dst(%arg7 : memref<128xi32, #tpu.memory_space<vmem>>)
    %dma_wait3A_46 = tpu.memref_slice %arg4[%mul3A_29] : memref<327680xi32, #tpu.memory_space<hbm>> -> memref<128xi32, #tpu.memory_space<hbm>>
    %dma_wait3A_47 = tpu.memref_slice %arg4[%mul3A_29] : memref<327680xi32, #tpu.memory_space<hbm>> -> memref<128xi32, #tpu.memory_space<hbm>>
    tpu.wait_dma2 semaphore(%arg18 : memref<!tpu.dma_semaphore, #tpu.memory_space<semaphore_mem>>) src(%dma_wait3A_47 : memref<128xi32, #tpu.memory_space<hbm>>) dst(%arg11 : memref<128xi32, #tpu.memory_space<vmem>>)
    %dma_start3A_48 = arith.constant 0 : i32
    %dma_start3A_49 = arith.constant 0 : i32
    %dma_start3A_50 = tpu.memref_slice %arg2[%dma_start3A_48, %dma_start3A_49] : memref<10000x128xf32, #tpu.memory_space<hbm>> -> memref<10000x128xf32, #tpu.memory_space<hbm>>
    tpu.enqueue_indirect_dma source(%dma_start3A_50 : memref<10000x128xf32, #tpu.memory_space<hbm>>) target(%arg15 : memref<128x128xf32, #tpu.memory_space<vmem>>) offsets(%arg7 : memref<128xi32, #tpu.memory_space<vmem>>) semaphore(%arg22 : memref<!tpu.dma_semaphore, #tpu.memory_space<semaphore_mem>>)
    %while3A = arith.constant 0 : i32
    %while3A_51 = arith.constant 0 : i32
    %while3A_52 = arith.subi %select_n3A_7, %while3A : i32
    %while3A_53 = arith.addi %while3A, %while3A_52 : i32
    %while3A_54 = arith.constant 1 : i32
    %while3A_55 = arith.divsi %while3A_52, %while3A_54 : i32
    %while3A_56 = arith.muli %while3A_55, %while3A_54 : i32
    %while3A_57 = arith.addi %while3A, %while3A_56 : i32
    %while3A_58 = arith.constant 1 : i32
    %while3A_59 = scf.for %while3A_69 = %while3A to %while3A_57 step %while3A_58 iter_args(%while3A_70 = %while3A_51) -> (i32)  : i32 {
      %mul3A_71 = arith.constant 4 : i32
      %mul3A_72 = arith.muli %while3A_69, %mul3A_71 : i32
      %add3A_73 = arith.constant 0 : i32
      %add3A_74 = arith.addi %mul3A_72, %add3A_73 : i32
      %add3A_75 = arith.constant 1 : i32
      %add3A_76 = arith.addi %add3A_74, %add3A_75 : i32
      %lt3A = arith.cmpi slt, %add3A_76, %select_n3A : i32
      %convert_element_type3A = arith.extui %lt3A : i1 to i32
      %cond3A = arith.constant 0 : i32
      %cond3A_77 = arith.cmpi ne, %convert_element_type3A, %cond3A : i32
      scf.if %cond3A_77 {
        %dma_wait3A_156 = tpu.memref_slice %arg3[%mul3A_29] : memref<327680xi32, #tpu.memory_space<hbm>> -> memref<128xi32, #tpu.memory_space<hbm>>
        %dma_wait3A_157 = tpu.memref_slice %arg3[%mul3A_29] : memref<327680xi32, #tpu.memory_space<hbm>> -> memref<128xi32, #tpu.memory_space<hbm>>
        tpu.wait_dma2 semaphore(%arg19 : memref<!tpu.dma_semaphore, #tpu.memory_space<semaphore_mem>>) src(%dma_wait3A_157 : memref<128xi32, #tpu.memory_space<hbm>>) dst(%arg8 : memref<128xi32, #tpu.memory_space<vmem>>)
        %dma_wait3A_158 = tpu.memref_slice %arg4[%mul3A_29] : memref<327680xi32, #tpu.memory_space<hbm>> -> memref<128xi32, #tpu.memory_space<hbm>>
        %dma_wait3A_159 = tpu.memref_slice %arg4[%mul3A_29] : memref<327680xi32, #tpu.memory_space<hbm>> -> memref<128xi32, #tpu.memory_space<hbm>>
        tpu.wait_dma2 semaphore(%arg19 : memref<!tpu.dma_semaphore, #tpu.memory_space<semaphore_mem>>) src(%dma_wait3A_159 : memref<128xi32, #tpu.memory_space<hbm>>) dst(%arg12 : memref<128xi32, #tpu.memory_space<vmem>>)
        %ge3A = arith.constant 1 : i32
        %ge3A_160 = arith.cmpi sge, %add3A_74, %ge3A : i32
        %convert_element_type3A_161 = arith.extui %ge3A_160 : i1 to i32
        %cond3A_162 = arith.constant 0 : i32
        %cond3A_163 = arith.cmpi ne, %convert_element_type3A_161, %cond3A_162 : i32
        scf.if %cond3A_163 {
          %dma_wait3A_167 = arith.constant 0 : i32
          %dma_wait3A_168 = arith.constant 0 : i32
          %dma_wait3A_169 = tpu.memref_slice %arg17[%dma_wait3A_167, %dma_wait3A_168] : memref<10240x128xf32, #tpu.memory_space<vmem_shared>> -> memref<10240x128xf32, #tpu.memory_space<vmem_shared>>
          tpu.wait_indirect_dma semaphore(%arg25 : memref<!tpu.dma_semaphore, #tpu.memory_space<semaphore_mem>>) src(%arg16 : memref<128x128xf32, #tpu.memory_space<vmem>>) dst(%dma_wait3A_169 : memref<10240x128xf32, #tpu.memory_space<vmem_shared>>)
        } else {
        }
        %dma_start3A_164 = arith.constant 0 : i32
        %dma_start3A_165 = arith.constant 0 : i32
        %dma_start3A_166 = tpu.memref_slice %arg2[%dma_start3A_164, %dma_start3A_165] : memref<10000x128xf32, #tpu.memory_space<hbm>> -> memref<10000x128xf32, #tpu.memory_space<hbm>>
        tpu.enqueue_indirect_dma source(%dma_start3A_166 : memref<10000x128xf32, #tpu.memory_space<hbm>>) target(%arg16 : memref<128x128xf32, #tpu.memory_space<vmem>>) offsets(%arg8 : memref<128xi32, #tpu.memory_space<vmem>>) semaphore(%arg23 : memref<!tpu.dma_semaphore, #tpu.memory_space<semaphore_mem>>)
      } else {
      }
      %sub3A = arith.constant 2 : i32
      %sub3A_78 = arith.subi %select_n3A, %sub3A : i32
      %lt3A_79 = arith.cmpi slt, %add3A_74, %sub3A_78 : i32
      %convert_element_type3A_80 = arith.extui %lt3A_79 : i1 to i32
      %cond3A_81 = arith.constant 0 : i32
      %cond3A_82 = arith.cmpi ne, %convert_element_type3A_80, %cond3A_81 : i32
      scf.if %cond3A_82 {
        %add3A_156 = arith.constant 2 : i32
        %add3A_157 = arith.addi %add3A_74, %add3A_156 : i32
        %mul3A_158 = arith.constant 128 : i32
        %mul3A_159 = arith.muli %add3A_157, %mul3A_158 : i32
        %add3A_160 = arith.addi %mul3A_29, %mul3A_159 : i32
        %dma_start3A_161 = tpu.memref_slice %arg3[%add3A_160] : memref<327680xi32, #tpu.memory_space<hbm>> -> memref<128xi32, #tpu.memory_space<hbm>>
        %dma_start3A_162 = tpu.memref_slice %arg3[%add3A_160] : memref<327680xi32, #tpu.memory_space<hbm>> -> memref<128xi32, #tpu.memory_space<hbm>>
        tpu.enqueue_dma source(%dma_start3A_162 : memref<128xi32, #tpu.memory_space<hbm>>) target(%arg9 : memref<128xi32, #tpu.memory_space<vmem>>) target_semaphore(%arg20 : memref<!tpu.dma_semaphore, #tpu.memory_space<semaphore_mem>>)
        %mul3A_163 = arith.constant 128 : i32
        %mul3A_164 = arith.muli %add3A_157, %mul3A_163 : i32
        %add3A_165 = arith.addi %mul3A_29, %mul3A_164 : i32
        %dma_start3A_166 = tpu.memref_slice %arg4[%add3A_165] : memref<327680xi32, #tpu.memory_space<hbm>> -> memref<128xi32, #tpu.memory_space<hbm>>
        %dma_start3A_167 = tpu.memref_slice %arg4[%add3A_165] : memref<327680xi32, #tpu.memory_space<hbm>> -> memref<128xi32, #tpu.memory_space<hbm>>
        tpu.enqueue_dma source(%dma_start3A_167 : memref<128xi32, #tpu.memory_space<hbm>>) target(%arg13 : memref<128xi32, #tpu.memory_space<vmem>>) target_semaphore(%arg20 : memref<!tpu.dma_semaphore, #tpu.memory_space<semaphore_mem>>)
      } else {
      }
      %dma_wait3A_83 = arith.constant 0 : i32
      %dma_wait3A_84 = arith.constant 0 : i32
      %dma_wait3A_85 = tpu.memref_slice %arg2[%dma_wait3A_83, %dma_wait3A_84] : memref<10000x128xf32, #tpu.memory_space<hbm>> -> memref<10000x128xf32, #tpu.memory_space<hbm>>
      tpu.wait_indirect_dma semaphore(%arg22 : memref<!tpu.dma_semaphore, #tpu.memory_space<semaphore_mem>>) src(%dma_wait3A_85 : memref<10000x128xf32, #tpu.memory_space<hbm>>) dst(%arg15 : memref<128x128xf32, #tpu.memory_space<vmem>>)
      %dma_start3A_86 = arith.constant 0 : i32
      %dma_start3A_87 = arith.constant 0 : i32
      %dma_start3A_88 = tpu.memref_slice %arg17[%dma_start3A_86, %dma_start3A_87] : memref<10240x128xf32, #tpu.memory_space<vmem_shared>> -> memref<10240x128xf32, #tpu.memory_space<vmem_shared>>
      tpu.enqueue_indirect_dma source(%arg15 : memref<128x128xf32, #tpu.memory_space<vmem>>) target(%dma_start3A_88 : memref<10240x128xf32, #tpu.memory_space<vmem_shared>>) offsets(%arg11 : memref<128xi32, #tpu.memory_space<vmem>>) semaphore(%arg24 : memref<!tpu.dma_semaphore, #tpu.memory_space<semaphore_mem>>) {add = true}
      %mul3A_89 = arith.constant 4 : i32
      %mul3A_90 = arith.muli %while3A_69, %mul3A_89 : i32
      %add3A_91 = arith.constant 1 : i32
      %add3A_92 = arith.addi %mul3A_90, %add3A_91 : i32
      %add3A_93 = arith.constant 1 : i32
      %add3A_94 = arith.addi %add3A_92, %add3A_93 : i32
      %lt3A_95 = arith.cmpi slt, %add3A_94, %select_n3A : i32
      %convert_element_type3A_96 = arith.extui %lt3A_95 : i1 to i32
      %cond3A_97 = arith.constant 0 : i32
      %cond3A_98 = arith.cmpi ne, %convert_element_type3A_96, %cond3A_97 : i32
      scf.if %cond3A_98 {
        %dma_wait3A_156 = tpu.memref_slice %arg3[%mul3A_29] : memref<327680xi32, #tpu.memory_space<hbm>> -> memref<128xi32, #tpu.memory_space<hbm>>
        %dma_wait3A_157 = tpu.memref_slice %arg3[%mul3A_29] : memref<327680xi32, #tpu.memory_space<hbm>> -> memref<128xi32, #tpu.memory_space<hbm>>
        tpu.wait_dma2 semaphore(%arg20 : memref<!tpu.dma_semaphore, #tpu.memory_space<semaphore_mem>>) src(%dma_wait3A_157 : memref<128xi32, #tpu.memory_space<hbm>>) dst(%arg9 : memref<128xi32, #tpu.memory_space<vmem>>)
        %dma_wait3A_158 = tpu.memref_slice %arg4[%mul3A_29] : memref<327680xi32, #tpu.memory_space<hbm>> -> memref<128xi32, #tpu.memory_space<hbm>>
        %dma_wait3A_159 = tpu.memref_slice %arg4[%mul3A_29] : memref<327680xi32, #tpu.memory_space<hbm>> -> memref<128xi32, #tpu.memory_space<hbm>>
        tpu.wait_dma2 semaphore(%arg20 : memref<!tpu.dma_semaphore, #tpu.memory_space<semaphore_mem>>) src(%dma_wait3A_159 : memref<128xi32, #tpu.memory_space<hbm>>) dst(%arg13 : memref<128xi32, #tpu.memory_space<vmem>>)
        %ge3A = arith.constant 1 : i32
        %ge3A_160 = arith.cmpi sge, %add3A_92, %ge3A : i32
        %convert_element_type3A_161 = arith.extui %ge3A_160 : i1 to i32
        %cond3A_162 = arith.constant 0 : i32
        %cond3A_163 = arith.cmpi ne, %convert_element_type3A_161, %cond3A_162 : i32
        scf.if %cond3A_163 {
          %dma_wait3A_167 = arith.constant 0 : i32
          %dma_wait3A_168 = arith.constant 0 : i32
          %dma_wait3A_169 = tpu.memref_slice %arg17[%dma_wait3A_167, %dma_wait3A_168] : memref<10240x128xf32, #tpu.memory_space<vmem_shared>> -> memref<10240x128xf32, #tpu.memory_space<vmem_shared>>
          tpu.wait_indirect_dma semaphore(%arg24 : memref<!tpu.dma_semaphore, #tpu.memory_space<semaphore_mem>>) src(%arg15 : memref<128x128xf32, #tpu.memory_space<vmem>>) dst(%dma_wait3A_169 : memref<10240x128xf32, #tpu.memory_space<vmem_shared>>)
        } else {
        }
        %dma_start3A_164 = arith.constant 0 : i32
        %dma_start3A_165 = arith.constant 0 : i32
        %dma_start3A_166 = tpu.memref_slice %arg2[%dma_start3A_164, %dma_start3A_165] : memref<10000x128xf32, #tpu.memory_space<hbm>> -> memref<10000x128xf32, #tpu.memory_space<hbm>>
        tpu.enqueue_indirect_dma source(%dma_start3A_166 : memref<10000x128xf32, #tpu.memory_space<hbm>>) target(%arg15 : memref<128x128xf32, #tpu.memory_space<vmem>>) offsets(%arg9 : memref<128xi32, #tpu.memory_space<vmem>>) semaphore(%arg22 : memref<!tpu.dma_semaphore, #tpu.memory_space<semaphore_mem>>)
      } else {
      }
      %sub3A_99 = arith.constant 2 : i32
      %sub3A_100 = arith.subi %select_n3A, %sub3A_99 : i32
      %lt3A_101 = arith.cmpi slt, %add3A_92, %sub3A_100 : i32
      %convert_element_type3A_102 = arith.extui %lt3A_101 : i1 to i32
      %cond3A_103 = arith.constant 0 : i32
      %cond3A_104 = arith.cmpi ne, %convert_element_type3A_102, %cond3A_103 : i32
      scf.if %cond3A_104 {
        %add3A_156 = arith.constant 2 : i32
        %add3A_157 = arith.addi %add3A_92, %add3A_156 : i32
        %mul3A_158 = arith.constant 128 : i32
        %mul3A_159 = arith.muli %add3A_157, %mul3A_158 : i32
        %add3A_160 = arith.addi %mul3A_29, %mul3A_159 : i32
        %dma_start3A_161 = tpu.memref_slice %arg3[%add3A_160] : memref<327680xi32, #tpu.memory_space<hbm>> -> memref<128xi32, #tpu.memory_space<hbm>>
        %dma_start3A_162 = tpu.memref_slice %arg3[%add3A_160] : memref<327680xi32, #tpu.memory_space<hbm>> -> memref<128xi32, #tpu.memory_space<hbm>>
        tpu.enqueue_dma source(%dma_start3A_162 : memref<128xi32, #tpu.memory_space<hbm>>) target(%arg10 : memref<128xi32, #tpu.memory_space<vmem>>) target_semaphore(%arg21 : memref<!tpu.dma_semaphore, #tpu.memory_space<semaphore_mem>>)
        %mul3A_163 = arith.constant 128 : i32
        %mul3A_164 = arith.muli %add3A_157, %mul3A_163 : i32
        %add3A_165 = arith.addi %mul3A_29, %mul3A_164 : i32
        %dma_start3A_166 = tpu.memref_slice %arg4[%add3A_165] : memref<327680xi32, #tpu.memory_space<hbm>> -> memref<128xi32, #tpu.memory_space<hbm>>
        %dma_start3A_167 = tpu.memref_slice %arg4[%add3A_165] : memref<327680xi32, #tpu.memory_space<hbm>> -> memref<128xi32, #tpu.memory_space<hbm>>
        tpu.enqueue_dma source(%dma_start3A_167 : memref<128xi32, #tpu.memory_space<hbm>>) target(%arg14 : memref<128xi32, #tpu.memory_space<vmem>>) target_semaphore(%arg21 : memref<!tpu.dma_semaphore, #tpu.memory_space<semaphore_mem>>)
      } else {
      }
      %dma_wait3A_105 = arith.constant 0 : i32
      %dma_wait3A_106 = arith.constant 0 : i32
      %dma_wait3A_107 = tpu.memref_slice %arg2[%dma_wait3A_105, %dma_wait3A_106] : memref<10000x128xf32, #tpu.memory_space<hbm>> -> memref<10000x128xf32, #tpu.memory_space<hbm>>
      tpu.wait_indirect_dma semaphore(%arg23 : memref<!tpu.dma_semaphore, #tpu.memory_space<semaphore_mem>>) src(%dma_wait3A_107 : memref<10000x128xf32, #tpu.memory_space<hbm>>) dst(%arg16 : memref<128x128xf32, #tpu.memory_space<vmem>>)
      %dma_start3A_108 = arith.constant 0 : i32
      %dma_start3A_109 = arith.constant 0 : i32
      %dma_start3A_110 = tpu.memref_slice %arg17[%dma_start3A_108, %dma_start3A_109] : memref<10240x128xf32, #tpu.memory_space<vmem_shared>> -> memref<10240x128xf32, #tpu.memory_space<vmem_shared>>
      tpu.enqueue_indirect_dma source(%arg16 : memref<128x128xf32, #tpu.memory_space<vmem>>) target(%dma_start3A_110 : memref<10240x128xf32, #tpu.memory_space<vmem_shared>>) offsets(%arg12 : memref<128xi32, #tpu.memory_space<vmem>>) semaphore(%arg25 : memref<!tpu.dma_semaphore, #tpu.memory_space<semaphore_mem>>) {add = true}
      %mul3A_111 = arith.constant 4 : i32
      %mul3A_112 = arith.muli %while3A_69, %mul3A_111 : i32
      %add3A_113 = arith.constant 2 : i32
      %add3A_114 = arith.addi %mul3A_112, %add3A_113 : i32
      %add3A_115 = arith.constant 1 : i32
      %add3A_116 = arith.addi %add3A_114, %add3A_115 : i32
      %lt3A_117 = arith.cmpi slt, %add3A_116, %select_n3A : i32
      %convert_element_type3A_118 = arith.extui %lt3A_117 : i1 to i32
      %cond3A_119 = arith.constant 0 : i32
      %cond3A_120 = arith.cmpi ne, %convert_element_type3A_118, %cond3A_119 : i32
      scf.if %cond3A_120 {
        %dma_wait3A_156 = tpu.memref_slice %arg3[%mul3A_29] : memref<327680xi32, #tpu.memory_space<hbm>> -> memref<128xi32, #tpu.memory_space<hbm>>
        %dma_wait3A_157 = tpu.memref_slice %arg3[%mul3A_29] : memref<327680xi32, #tpu.memory_space<hbm>> -> memref<128xi32, #tpu.memory_space<hbm>>
        tpu.wait_dma2 semaphore(%arg21 : memref<!tpu.dma_semaphore, #tpu.memory_space<semaphore_mem>>) src(%dma_wait3A_157 : memref<128xi32, #tpu.memory_space<hbm>>) dst(%arg10 : memref<128xi32, #tpu.memory_space<vmem>>)
        %dma_wait3A_158 = tpu.memref_slice %arg4[%mul3A_29] : memref<327680xi32, #tpu.memory_space<hbm>> -> memref<128xi32, #tpu.memory_space<hbm>>
        %dma_wait3A_159 = tpu.memref_slice %arg4[%mul3A_29] : memref<327680xi32, #tpu.memory_space<hbm>> -> memref<128xi32, #tpu.memory_space<hbm>>
        tpu.wait_dma2 semaphore(%arg21 : memref<!tpu.dma_semaphore, #tpu.memory_space<semaphore_mem>>) src(%dma_wait3A_159 : memref<128xi32, #tpu.memory_space<hbm>>) dst(%arg14 : memref<128xi32, #tpu.memory_space<vmem>>)
        %ge3A = arith.constant 1 : i32
        %ge3A_160 = arith.cmpi sge, %add3A_114, %ge3A : i32
        %convert_element_type3A_161 = arith.extui %ge3A_160 : i1 to i32
        %cond3A_162 = arith.constant 0 : i32
        %cond3A_163 = arith.cmpi ne, %convert_element_type3A_161, %cond3A_162 : i32
        scf.if %cond3A_163 {
          %dma_wait3A_167 = arith.constant 0 : i32
          %dma_wait3A_168 = arith.constant 0 : i32
          %dma_wait3A_169 = tpu.memref_slice %arg17[%dma_wait3A_167, %dma_wait3A_168] : memref<10240x128xf32, #tpu.memory_space<vmem_shared>> -> memref<10240x128xf32, #tpu.memory_space<vmem_shared>>
          tpu.wait_indirect_dma semaphore(%arg25 : memref<!tpu.dma_semaphore, #tpu.memory_space<semaphore_mem>>) src(%arg16 : memref<128x128xf32, #tpu.memory_space<vmem>>) dst(%dma_wait3A_169 : memref<10240x128xf32, #tpu.memory_space<vmem_shared>>)
        } else {
        }
        %dma_start3A_164 = arith.constant 0 : i32
        %dma_start3A_165 = arith.constant 0 : i32
        %dma_start3A_166 = tpu.memref_slice %arg2[%dma_start3A_164, %dma_start3A_165] : memref<10000x128xf32, #tpu.memory_space<hbm>> -> memref<10000x128xf32, #tpu.memory_space<hbm>>
        tpu.enqueue_indirect_dma source(%dma_start3A_166 : memref<10000x128xf32, #tpu.memory_space<hbm>>) target(%arg16 : memref<128x128xf32, #tpu.memory_space<vmem>>) offsets(%arg10 : memref<128xi32, #tpu.memory_space<vmem>>) semaphore(%arg23 : memref<!tpu.dma_semaphore, #tpu.memory_space<semaphore_mem>>)
      } else {
      }
      %sub3A_121 = arith.constant 2 : i32
      %sub3A_122 = arith.subi %select_n3A, %sub3A_121 : i32
      %lt3A_123 = arith.cmpi slt, %add3A_114, %sub3A_122 : i32
      %convert_element_type3A_124 = arith.extui %lt3A_123 : i1 to i32
      %cond3A_125 = arith.constant 0 : i32
      %cond3A_126 = arith.cmpi ne, %convert_element_type3A_124, %cond3A_125 : i32
      scf.if %cond3A_126 {
        %add3A_156 = arith.constant 2 : i32
        %add3A_157 = arith.addi %add3A_114, %add3A_156 : i32
        %mul3A_158 = arith.constant 128 : i32
        %mul3A_159 = arith.muli %add3A_157, %mul3A_158 : i32
        %add3A_160 = arith.addi %mul3A_29, %mul3A_159 : i32
        %dma_start3A_161 = tpu.memref_slice %arg3[%add3A_160] : memref<327680xi32, #tpu.memory_space<hbm>> -> memref<128xi32, #tpu.memory_space<hbm>>
        %dma_start3A_162 = tpu.memref_slice %arg3[%add3A_160] : memref<327680xi32, #tpu.memory_space<hbm>> -> memref<128xi32, #tpu.memory_space<hbm>>
        tpu.enqueue_dma source(%dma_start3A_162 : memref<128xi32, #tpu.memory_space<hbm>>) target(%arg7 : memref<128xi32, #tpu.memory_space<vmem>>) target_semaphore(%arg18 : memref<!tpu.dma_semaphore, #tpu.memory_space<semaphore_mem>>)
        %mul3A_163 = arith.constant 128 : i32
        %mul3A_164 = arith.muli %add3A_157, %mul3A_163 : i32
        %add3A_165 = arith.addi %mul3A_29, %mul3A_164 : i32
        %dma_start3A_166 = tpu.memref_slice %arg4[%add3A_165] : memref<327680xi32, #tpu.memory_space<hbm>> -> memref<128xi32, #tpu.memory_space<hbm>>
        %dma_start3A_167 = tpu.memref_slice %arg4[%add3A_165] : memref<327680xi32, #tpu.memory_space<hbm>> -> memref<128xi32, #tpu.memory_space<hbm>>
        tpu.enqueue_dma source(%dma_start3A_167 : memref<128xi32, #tpu.memory_space<hbm>>) target(%arg11 : memref<128xi32, #tpu.memory_space<vmem>>) target_semaphore(%arg18 : memref<!tpu.dma_semaphore, #tpu.memory_space<semaphore_mem>>)
      } else {
      }
      %dma_wait3A_127 = arith.constant 0 : i32
      %dma_wait3A_128 = arith.constant 0 : i32
      %dma_wait3A_129 = tpu.memref_slice %arg2[%dma_wait3A_127, %dma_wait3A_128] : memref<10000x128xf32, #tpu.memory_space<hbm>> -> memref<10000x128xf32, #tpu.memory_space<hbm>>
      tpu.wait_indirect_dma semaphore(%arg22 : memref<!tpu.dma_semaphore, #tpu.memory_space<semaphore_mem>>) src(%dma_wait3A_129 : memref<10000x128xf32, #tpu.memory_space<hbm>>) dst(%arg15 : memref<128x128xf32, #tpu.memory_space<vmem>>)
      %dma_start3A_130 = arith.constant 0 : i32
      %dma_start3A_131 = arith.constant 0 : i32
      %dma_start3A_132 = tpu.memref_slice %arg17[%dma_start3A_130, %dma_start3A_131] : memref<10240x128xf32, #tpu.memory_space<vmem_shared>> -> memref<10240x128xf32, #tpu.memory_space<vmem_shared>>
      tpu.enqueue_indirect_dma source(%arg15 : memref<128x128xf32, #tpu.memory_space<vmem>>) target(%dma_start3A_132 : memref<10240x128xf32, #tpu.memory_space<vmem_shared>>) offsets(%arg13 : memref<128xi32, #tpu.memory_space<vmem>>) semaphore(%arg24 : memref<!tpu.dma_semaphore, #tpu.memory_space<semaphore_mem>>) {add = true}
      %mul3A_133 = arith.constant 4 : i32
      %mul3A_134 = arith.muli %while3A_69, %mul3A_133 : i32
      %add3A_135 = arith.constant 3 : i32
      %add3A_136 = arith.addi %mul3A_134, %add3A_135 : i32
      %add3A_137 = arith.constant 1 : i32
      %add3A_138 = arith.addi %add3A_136, %add3A_137 : i32
      %lt3A_139 = arith.cmpi slt, %add3A_138, %select_n3A : i32
      %convert_element_type3A_140 = arith.extui %lt3A_139 : i1 to i32
      %cond3A_141 = arith.constant 0 : i32
      %cond3A_142 = arith.cmpi ne, %convert_element_type3A_140, %cond3A_141 : i32
      scf.if %cond3A_142 {
        %dma_wait3A_156 = tpu.memref_slice %arg3[%mul3A_29] : memref<327680xi32, #tpu.memory_space<hbm>> -> memref<128xi32, #tpu.memory_space<hbm>>
        %dma_wait3A_157 = tpu.memref_slice %arg3[%mul3A_29] : memref<327680xi32, #tpu.memory_space<hbm>> -> memref<128xi32, #tpu.memory_space<hbm>>
        tpu.wait_dma2 semaphore(%arg18 : memref<!tpu.dma_semaphore, #tpu.memory_space<semaphore_mem>>) src(%dma_wait3A_157 : memref<128xi32, #tpu.memory_space<hbm>>) dst(%arg7 : memref<128xi32, #tpu.memory_space<vmem>>)
        %dma_wait3A_158 = tpu.memref_slice %arg4[%mul3A_29] : memref<327680xi32, #tpu.memory_space<hbm>> -> memref<128xi32, #tpu.memory_space<hbm>>
        %dma_wait3A_159 = tpu.memref_slice %arg4[%mul3A_29] : memref<327680xi32, #tpu.memory_space<hbm>> -> memref<128xi32, #tpu.memory_space<hbm>>
        tpu.wait_dma2 semaphore(%arg18 : memref<!tpu.dma_semaphore, #tpu.memory_space<semaphore_mem>>) src(%dma_wait3A_159 : memref<128xi32, #tpu.memory_space<hbm>>) dst(%arg11 : memref<128xi32, #tpu.memory_space<vmem>>)
        %ge3A = arith.constant 1 : i32
        %ge3A_160 = arith.cmpi sge, %add3A_136, %ge3A : i32
        %convert_element_type3A_161 = arith.extui %ge3A_160 : i1 to i32
        %cond3A_162 = arith.constant 0 : i32
        %cond3A_163 = arith.cmpi ne, %convert_element_type3A_161, %cond3A_162 : i32
        scf.if %cond3A_163 {
          %dma_wait3A_167 = arith.constant 0 : i32
          %dma_wait3A_168 = arith.constant 0 : i32
          %dma_wait3A_169 = tpu.memref_slice %arg17[%dma_wait3A_167, %dma_wait3A_168] : memref<10240x128xf32, #tpu.memory_space<vmem_shared>> -> memref<10240x128xf32, #tpu.memory_space<vmem_shared>>
          tpu.wait_indirect_dma semaphore(%arg24 : memref<!tpu.dma_semaphore, #tpu.memory_space<semaphore_mem>>) src(%arg15 : memref<128x128xf32, #tpu.memory_space<vmem>>) dst(%dma_wait3A_169 : memref<10240x128xf32, #tpu.memory_space<vmem_shared>>)
        } else {
        }
        %dma_start3A_164 = arith.constant 0 : i32
        %dma_start3A_165 = arith.constant 0 : i32
        %dma_start3A_166 = tpu.memref_slice %arg2[%dma_start3A_164, %dma_start3A_165] : memref<10000x128xf32, #tpu.memory_space<hbm>> -> memref<10000x128xf32, #tpu.memory_space<hbm>>
        tpu.enqueue_indirect_dma source(%dma_start3A_166 : memref<10000x128xf32, #tpu.memory_space<hbm>>) target(%arg15 : memref<128x128xf32, #tpu.memory_space<vmem>>) offsets(%arg7 : memref<128xi32, #tpu.memory_space<vmem>>) semaphore(%arg22 : memref<!tpu.dma_semaphore, #tpu.memory_space<semaphore_mem>>)
      } else {
      }
      %sub3A_143 = arith.constant 2 : i32
      %sub3A_144 = arith.subi %select_n3A, %sub3A_143 : i32
      %lt3A_145 = arith.cmpi slt, %add3A_136, %sub3A_144 : i32
      %convert_element_type3A_146 = arith.extui %lt3A_145 : i1 to i32
      %cond3A_147 = arith.constant 0 : i32
      %cond3A_148 = arith.cmpi ne, %convert_element_type3A_146, %cond3A_147 : i32
      scf.if %cond3A_148 {
        %add3A_156 = arith.constant 2 : i32
        %add3A_157 = arith.addi %add3A_136, %add3A_156 : i32
        %mul3A_158 = arith.constant 128 : i32
        %mul3A_159 = arith.muli %add3A_157, %mul3A_158 : i32
        %add3A_160 = arith.addi %mul3A_29, %mul3A_159 : i32
        %dma_start3A_161 = tpu.memref_slice %arg3[%add3A_160] : memref<327680xi32, #tpu.memory_space<hbm>> -> memref<128xi32, #tpu.memory_space<hbm>>
        %dma_start3A_162 = tpu.memref_slice %arg3[%add3A_160] : memref<327680xi32, #tpu.memory_space<hbm>> -> memref<128xi32, #tpu.memory_space<hbm>>
        tpu.enqueue_dma source(%dma_start3A_162 : memref<128xi32, #tpu.memory_space<hbm>>) target(%arg8 : memref<128xi32, #tpu.memory_space<vmem>>) target_semaphore(%arg19 : memref<!tpu.dma_semaphore, #tpu.memory_space<semaphore_mem>>)
        %mul3A_163 = arith.constant 128 : i32
        %mul3A_164 = arith.muli %add3A_157, %mul3A_163 : i32
        %add3A_165 = arith.addi %mul3A_29, %mul3A_164 : i32
        %dma_start3A_166 = tpu.memref_slice %arg4[%add3A_165] : memref<327680xi32, #tpu.memory_space<hbm>> -> memref<128xi32, #tpu.memory_space<hbm>>
        %dma_start3A_167 = tpu.memref_slice %arg4[%add3A_165] : memref<327680xi32, #tpu.memory_space<hbm>> -> memref<128xi32, #tpu.memory_space<hbm>>
        tpu.enqueue_dma source(%dma_start3A_167 : memref<128xi32, #tpu.memory_space<hbm>>) target(%arg12 : memref<128xi32, #tpu.memory_space<vmem>>) target_semaphore(%arg19 : memref<!tpu.dma_semaphore, #tpu.memory_space<semaphore_mem>>)
      } else {
      }
      %dma_wait3A_149 = arith.constant 0 : i32
      %dma_wait3A_150 = arith.constant 0 : i32
      %dma_wait3A_151 = tpu.memref_slice %arg2[%dma_wait3A_149, %dma_wait3A_150] : memref<10000x128xf32, #tpu.memory_space<hbm>> -> memref<10000x128xf32, #tpu.memory_space<hbm>>
      tpu.wait_indirect_dma semaphore(%arg23 : memref<!tpu.dma_semaphore, #tpu.memory_space<semaphore_mem>>) src(%dma_wait3A_151 : memref<10000x128xf32, #tpu.memory_space<hbm>>) dst(%arg16 : memref<128x128xf32, #tpu.memory_space<vmem>>)
      %dma_start3A_152 = arith.constant 0 : i32
      %dma_start3A_153 = arith.constant 0 : i32
      %dma_start3A_154 = tpu.memref_slice %arg17[%dma_start3A_152, %dma_start3A_153] : memref<10240x128xf32, #tpu.memory_space<vmem_shared>> -> memref<10240x128xf32, #tpu.memory_space<vmem_shared>>
      tpu.enqueue_indirect_dma source(%arg16 : memref<128x128xf32, #tpu.memory_space<vmem>>) target(%dma_start3A_154 : memref<10240x128xf32, #tpu.memory_space<vmem_shared>>) offsets(%arg14 : memref<128xi32, #tpu.memory_space<vmem>>) semaphore(%arg25 : memref<!tpu.dma_semaphore, #tpu.memory_space<semaphore_mem>>) {add = true}
      %while3A_155 = arith.constant 0 : i32
      scf.yield %while3A_155 : i32
    }
    %while3A_60 = arith.constant 1 : i32
    %while3A_61 = scf.for %while3A_69 = %while3A_57 to %while3A_53 step %while3A_60 iter_args(%while3A_70 = %while3A_59) -> (i32)  : i32 {
      %mul3A_71 = arith.constant 4 : i32
      %mul3A_72 = arith.muli %while3A_69, %mul3A_71 : i32
      %add3A_73 = arith.constant 0 : i32
      %add3A_74 = arith.addi %mul3A_72, %add3A_73 : i32
      %add3A_75 = arith.constant 1 : i32
      %add3A_76 = arith.addi %add3A_74, %add3A_75 : i32
      %lt3A = arith.cmpi slt, %add3A_76, %select_n3A : i32
      %convert_element_type3A = arith.extui %lt3A : i1 to i32
      %cond3A = arith.constant 0 : i32
      %cond3A_77 = arith.cmpi ne, %convert_element_type3A, %cond3A : i32
      scf.if %cond3A_77 {
        %dma_wait3A_156 = tpu.memref_slice %arg3[%mul3A_29] : memref<327680xi32, #tpu.memory_space<hbm>> -> memref<128xi32, #tpu.memory_space<hbm>>
        %dma_wait3A_157 = tpu.memref_slice %arg3[%mul3A_29] : memref<327680xi32, #tpu.memory_space<hbm>> -> memref<128xi32, #tpu.memory_space<hbm>>
        tpu.wait_dma2 semaphore(%arg19 : memref<!tpu.dma_semaphore, #tpu.memory_space<semaphore_mem>>) src(%dma_wait3A_157 : memref<128xi32, #tpu.memory_space<hbm>>) dst(%arg8 : memref<128xi32, #tpu.memory_space<vmem>>)
        %dma_wait3A_158 = tpu.memref_slice %arg4[%mul3A_29] : memref<327680xi32, #tpu.memory_space<hbm>> -> memref<128xi32, #tpu.memory_space<hbm>>
        %dma_wait3A_159 = tpu.memref_slice %arg4[%mul3A_29] : memref<327680xi32, #tpu.memory_space<hbm>> -> memref<128xi32, #tpu.memory_space<hbm>>
        tpu.wait_dma2 semaphore(%arg19 : memref<!tpu.dma_semaphore, #tpu.memory_space<semaphore_mem>>) src(%dma_wait3A_159 : memref<128xi32, #tpu.memory_space<hbm>>) dst(%arg12 : memref<128xi32, #tpu.memory_space<vmem>>)
        %ge3A = arith.constant 1 : i32
        %ge3A_160 = arith.cmpi sge, %add3A_74, %ge3A : i32
        %convert_element_type3A_161 = arith.extui %ge3A_160 : i1 to i32
        %cond3A_162 = arith.constant 0 : i32
        %cond3A_163 = arith.cmpi ne, %convert_element_type3A_161, %cond3A_162 : i32
        scf.if %cond3A_163 {
          %dma_wait3A_167 = arith.constant 0 : i32
          %dma_wait3A_168 = arith.constant 0 : i32
          %dma_wait3A_169 = tpu.memref_slice %arg17[%dma_wait3A_167, %dma_wait3A_168] : memref<10240x128xf32, #tpu.memory_space<vmem_shared>> -> memref<10240x128xf32, #tpu.memory_space<vmem_shared>>
          tpu.wait_indirect_dma semaphore(%arg25 : memref<!tpu.dma_semaphore, #tpu.memory_space<semaphore_mem>>) src(%arg16 : memref<128x128xf32, #tpu.memory_space<vmem>>) dst(%dma_wait3A_169 : memref<10240x128xf32, #tpu.memory_space<vmem_shared>>)
        } else {
        }
        %dma_start3A_164 = arith.constant 0 : i32
        %dma_start3A_165 = arith.constant 0 : i32
        %dma_start3A_166 = tpu.memref_slice %arg2[%dma_start3A_164, %dma_start3A_165] : memref<10000x128xf32, #tpu.memory_space<hbm>> -> memref<10000x128xf32, #tpu.memory_space<hbm>>
        tpu.enqueue_indirect_dma source(%dma_start3A_166 : memref<10000x128xf32, #tpu.memory_space<hbm>>) target(%arg16 : memref<128x128xf32, #tpu.memory_space<vmem>>) offsets(%arg8 : memref<128xi32, #tpu.memory_space<vmem>>) semaphore(%arg23 : memref<!tpu.dma_semaphore, #tpu.memory_space<semaphore_mem>>)
      } else {
      }
      %sub3A = arith.constant 2 : i32
      %sub3A_78 = arith.subi %select_n3A, %sub3A : i32
      %lt3A_79 = arith.cmpi slt, %add3A_74, %sub3A_78 : i32
      %convert_element_type3A_80 = arith.extui %lt3A_79 : i1 to i32
      %cond3A_81 = arith.constant 0 : i32
      %cond3A_82 = arith.cmpi ne, %convert_element_type3A_80, %cond3A_81 : i32
      scf.if %cond3A_82 {
        %add3A_156 = arith.constant 2 : i32
        %add3A_157 = arith.addi %add3A_74, %add3A_156 : i32
        %mul3A_158 = arith.constant 128 : i32
        %mul3A_159 = arith.muli %add3A_157, %mul3A_158 : i32
        %add3A_160 = arith.addi %mul3A_29, %mul3A_159 : i32
        %dma_start3A_161 = tpu.memref_slice %arg3[%add3A_160] : memref<327680xi32, #tpu.memory_space<hbm>> -> memref<128xi32, #tpu.memory_space<hbm>>
        %dma_start3A_162 = tpu.memref_slice %arg3[%add3A_160] : memref<327680xi32, #tpu.memory_space<hbm>> -> memref<128xi32, #tpu.memory_space<hbm>>
        tpu.enqueue_dma source(%dma_start3A_162 : memref<128xi32, #tpu.memory_space<hbm>>) target(%arg9 : memref<128xi32, #tpu.memory_space<vmem>>) target_semaphore(%arg20 : memref<!tpu.dma_semaphore, #tpu.memory_space<semaphore_mem>>)
        %mul3A_163 = arith.constant 128 : i32
        %mul3A_164 = arith.muli %add3A_157, %mul3A_163 : i32
        %add3A_165 = arith.addi %mul3A_29, %mul3A_164 : i32
        %dma_start3A_166 = tpu.memref_slice %arg4[%add3A_165] : memref<327680xi32, #tpu.memory_space<hbm>> -> memref<128xi32, #tpu.memory_space<hbm>>
        %dma_start3A_167 = tpu.memref_slice %arg4[%add3A_165] : memref<327680xi32, #tpu.memory_space<hbm>> -> memref<128xi32, #tpu.memory_space<hbm>>
        tpu.enqueue_dma source(%dma_start3A_167 : memref<128xi32, #tpu.memory_space<hbm>>) target(%arg13 : memref<128xi32, #tpu.memory_space<vmem>>) target_semaphore(%arg20 : memref<!tpu.dma_semaphore, #tpu.memory_space<semaphore_mem>>)
      } else {
      }
      %dma_wait3A_83 = arith.constant 0 : i32
      %dma_wait3A_84 = arith.constant 0 : i32
      %dma_wait3A_85 = tpu.memref_slice %arg2[%dma_wait3A_83, %dma_wait3A_84] : memref<10000x128xf32, #tpu.memory_space<hbm>> -> memref<10000x128xf32, #tpu.memory_space<hbm>>
      tpu.wait_indirect_dma semaphore(%arg22 : memref<!tpu.dma_semaphore, #tpu.memory_space<semaphore_mem>>) src(%dma_wait3A_85 : memref<10000x128xf32, #tpu.memory_space<hbm>>) dst(%arg15 : memref<128x128xf32, #tpu.memory_space<vmem>>)
      %dma_start3A_86 = arith.constant 0 : i32
      %dma_start3A_87 = arith.constant 0 : i32
      %dma_start3A_88 = tpu.memref_slice %arg17[%dma_start3A_86, %dma_start3A_87] : memref<10240x128xf32, #tpu.memory_space<vmem_shared>> -> memref<10240x128xf32, #tpu.memory_space<vmem_shared>>
      tpu.enqueue_indirect_dma source(%arg15 : memref<128x128xf32, #tpu.memory_space<vmem>>) target(%dma_start3A_88 : memref<10240x128xf32, #tpu.memory_space<vmem_shared>>) offsets(%arg11 : memref<128xi32, #tpu.memory_space<vmem>>) semaphore(%arg24 : memref<!tpu.dma_semaphore, #tpu.memory_space<semaphore_mem>>) {add = true}
      %mul3A_89 = arith.constant 4 : i32
      %mul3A_90 = arith.muli %while3A_69, %mul3A_89 : i32
      %add3A_91 = arith.constant 1 : i32
      %add3A_92 = arith.addi %mul3A_90, %add3A_91 : i32
      %add3A_93 = arith.constant 1 : i32
      %add3A_94 = arith.addi %add3A_92, %add3A_93 : i32
      %lt3A_95 = arith.cmpi slt, %add3A_94, %select_n3A : i32
      %convert_element_type3A_96 = arith.extui %lt3A_95 : i1 to i32
      %cond3A_97 = arith.constant 0 : i32
      %cond3A_98 = arith.cmpi ne, %convert_element_type3A_96, %cond3A_97 : i32
      scf.if %cond3A_98 {
        %dma_wait3A_156 = tpu.memref_slice %arg3[%mul3A_29] : memref<327680xi32, #tpu.memory_space<hbm>> -> memref<128xi32, #tpu.memory_space<hbm>>
        %dma_wait3A_157 = tpu.memref_slice %arg3[%mul3A_29] : memref<327680xi32, #tpu.memory_space<hbm>> -> memref<128xi32, #tpu.memory_space<hbm>>
        tpu.wait_dma2 semaphore(%arg20 : memref<!tpu.dma_semaphore, #tpu.memory_space<semaphore_mem>>) src(%dma_wait3A_157 : memref<128xi32, #tpu.memory_space<hbm>>) dst(%arg9 : memref<128xi32, #tpu.memory_space<vmem>>)
        %dma_wait3A_158 = tpu.memref_slice %arg4[%mul3A_29] : memref<327680xi32, #tpu.memory_space<hbm>> -> memref<128xi32, #tpu.memory_space<hbm>>
        %dma_wait3A_159 = tpu.memref_slice %arg4[%mul3A_29] : memref<327680xi32, #tpu.memory_space<hbm>> -> memref<128xi32, #tpu.memory_space<hbm>>
        tpu.wait_dma2 semaphore(%arg20 : memref<!tpu.dma_semaphore, #tpu.memory_space<semaphore_mem>>) src(%dma_wait3A_159 : memref<128xi32, #tpu.memory_space<hbm>>) dst(%arg13 : memref<128xi32, #tpu.memory_space<vmem>>)
        %ge3A = arith.constant 1 : i32
        %ge3A_160 = arith.cmpi sge, %add3A_92, %ge3A : i32
        %convert_element_type3A_161 = arith.extui %ge3A_160 : i1 to i32
        %cond3A_162 = arith.constant 0 : i32
        %cond3A_163 = arith.cmpi ne, %convert_element_type3A_161, %cond3A_162 : i32
        scf.if %cond3A_163 {
          %dma_wait3A_167 = arith.constant 0 : i32
          %dma_wait3A_168 = arith.constant 0 : i32
          %dma_wait3A_169 = tpu.memref_slice %arg17[%dma_wait3A_167, %dma_wait3A_168] : memref<10240x128xf32, #tpu.memory_space<vmem_shared>> -> memref<10240x128xf32, #tpu.memory_space<vmem_shared>>
          tpu.wait_indirect_dma semaphore(%arg24 : memref<!tpu.dma_semaphore, #tpu.memory_space<semaphore_mem>>) src(%arg15 : memref<128x128xf32, #tpu.memory_space<vmem>>) dst(%dma_wait3A_169 : memref<10240x128xf32, #tpu.memory_space<vmem_shared>>)
        } else {
        }
        %dma_start3A_164 = arith.constant 0 : i32
        %dma_start3A_165 = arith.constant 0 : i32
        %dma_start3A_166 = tpu.memref_slice %arg2[%dma_start3A_164, %dma_start3A_165] : memref<10000x128xf32, #tpu.memory_space<hbm>> -> memref<10000x128xf32, #tpu.memory_space<hbm>>
        tpu.enqueue_indirect_dma source(%dma_start3A_166 : memref<10000x128xf32, #tpu.memory_space<hbm>>) target(%arg15 : memref<128x128xf32, #tpu.memory_space<vmem>>) offsets(%arg9 : memref<128xi32, #tpu.memory_space<vmem>>) semaphore(%arg22 : memref<!tpu.dma_semaphore, #tpu.memory_space<semaphore_mem>>)
      } else {
      }
      %sub3A_99 = arith.constant 2 : i32
      %sub3A_100 = arith.subi %select_n3A, %sub3A_99 : i32
      %lt3A_101 = arith.cmpi slt, %add3A_92, %sub3A_100 : i32
      %convert_element_type3A_102 = arith.extui %lt3A_101 : i1 to i32
      %cond3A_103 = arith.constant 0 : i32
      %cond3A_104 = arith.cmpi ne, %convert_element_type3A_102, %cond3A_103 : i32
      scf.if %cond3A_104 {
        %add3A_156 = arith.constant 2 : i32
        %add3A_157 = arith.addi %add3A_92, %add3A_156 : i32
        %mul3A_158 = arith.constant 128 : i32
        %mul3A_159 = arith.muli %add3A_157, %mul3A_158 : i32
        %add3A_160 = arith.addi %mul3A_29, %mul3A_159 : i32
        %dma_start3A_161 = tpu.memref_slice %arg3[%add3A_160] : memref<327680xi32, #tpu.memory_space<hbm>> -> memref<128xi32, #tpu.memory_space<hbm>>
        %dma_start3A_162 = tpu.memref_slice %arg3[%add3A_160] : memref<327680xi32, #tpu.memory_space<hbm>> -> memref<128xi32, #tpu.memory_space<hbm>>
        tpu.enqueue_dma source(%dma_start3A_162 : memref<128xi32, #tpu.memory_space<hbm>>) target(%arg10 : memref<128xi32, #tpu.memory_space<vmem>>) target_semaphore(%arg21 : memref<!tpu.dma_semaphore, #tpu.memory_space<semaphore_mem>>)
        %mul3A_163 = arith.constant 128 : i32
        %mul3A_164 = arith.muli %add3A_157, %mul3A_163 : i32
        %add3A_165 = arith.addi %mul3A_29, %mul3A_164 : i32
        %dma_start3A_166 = tpu.memref_slice %arg4[%add3A_165] : memref<327680xi32, #tpu.memory_space<hbm>> -> memref<128xi32, #tpu.memory_space<hbm>>
        %dma_start3A_167 = tpu.memref_slice %arg4[%add3A_165] : memref<327680xi32, #tpu.memory_space<hbm>> -> memref<128xi32, #tpu.memory_space<hbm>>
        tpu.enqueue_dma source(%dma_start3A_167 : memref<128xi32, #tpu.memory_space<hbm>>) target(%arg14 : memref<128xi32, #tpu.memory_space<vmem>>) target_semaphore(%arg21 : memref<!tpu.dma_semaphore, #tpu.memory_space<semaphore_mem>>)
      } else {
      }
      %dma_wait3A_105 = arith.constant 0 : i32
      %dma_wait3A_106 = arith.constant 0 : i32
      %dma_wait3A_107 = tpu.memref_slice %arg2[%dma_wait3A_105, %dma_wait3A_106] : memref<10000x128xf32, #tpu.memory_space<hbm>> -> memref<10000x128xf32, #tpu.memory_space<hbm>>
      tpu.wait_indirect_dma semaphore(%arg23 : memref<!tpu.dma_semaphore, #tpu.memory_space<semaphore_mem>>) src(%dma_wait3A_107 : memref<10000x128xf32, #tpu.memory_space<hbm>>) dst(%arg16 : memref<128x128xf32, #tpu.memory_space<vmem>>)
      %dma_start3A_108 = arith.constant 0 : i32
      %dma_start3A_109 = arith.constant 0 : i32
      %dma_start3A_110 = tpu.memref_slice %arg17[%dma_start3A_108, %dma_start3A_109] : memref<10240x128xf32, #tpu.memory_space<vmem_shared>> -> memref<10240x128xf32, #tpu.memory_space<vmem_shared>>
      tpu.enqueue_indirect_dma source(%arg16 : memref<128x128xf32, #tpu.memory_space<vmem>>) target(%dma_start3A_110 : memref<10240x128xf32, #tpu.memory_space<vmem_shared>>) offsets(%arg12 : memref<128xi32, #tpu.memory_space<vmem>>) semaphore(%arg25 : memref<!tpu.dma_semaphore, #tpu.memory_space<semaphore_mem>>) {add = true}
      %mul3A_111 = arith.constant 4 : i32
      %mul3A_112 = arith.muli %while3A_69, %mul3A_111 : i32
      %add3A_113 = arith.constant 2 : i32
      %add3A_114 = arith.addi %mul3A_112, %add3A_113 : i32
      %add3A_115 = arith.constant 1 : i32
      %add3A_116 = arith.addi %add3A_114, %add3A_115 : i32
      %lt3A_117 = arith.cmpi slt, %add3A_116, %select_n3A : i32
      %convert_element_type3A_118 = arith.extui %lt3A_117 : i1 to i32
      %cond3A_119 = arith.constant 0 : i32
      %cond3A_120 = arith.cmpi ne, %convert_element_type3A_118, %cond3A_119 : i32
      scf.if %cond3A_120 {
        %dma_wait3A_156 = tpu.memref_slice %arg3[%mul3A_29] : memref<327680xi32, #tpu.memory_space<hbm>> -> memref<128xi32, #tpu.memory_space<hbm>>
        %dma_wait3A_157 = tpu.memref_slice %arg3[%mul3A_29] : memref<327680xi32, #tpu.memory_space<hbm>> -> memref<128xi32, #tpu.memory_space<hbm>>
        tpu.wait_dma2 semaphore(%arg21 : memref<!tpu.dma_semaphore, #tpu.memory_space<semaphore_mem>>) src(%dma_wait3A_157 : memref<128xi32, #tpu.memory_space<hbm>>) dst(%arg10 : memref<128xi32, #tpu.memory_space<vmem>>)
        %dma_wait3A_158 = tpu.memref_slice %arg4[%mul3A_29] : memref<327680xi32, #tpu.memory_space<hbm>> -> memref<128xi32, #tpu.memory_space<hbm>>
        %dma_wait3A_159 = tpu.memref_slice %arg4[%mul3A_29] : memref<327680xi32, #tpu.memory_space<hbm>> -> memref<128xi32, #tpu.memory_space<hbm>>
        tpu.wait_dma2 semaphore(%arg21 : memref<!tpu.dma_semaphore, #tpu.memory_space<semaphore_mem>>) src(%dma_wait3A_159 : memref<128xi32, #tpu.memory_space<hbm>>) dst(%arg14 : memref<128xi32, #tpu.memory_space<vmem>>)
        %ge3A = arith.constant 1 : i32
        %ge3A_160 = arith.cmpi sge, %add3A_114, %ge3A : i32
        %convert_element_type3A_161 = arith.extui %ge3A_160 : i1 to i32
        %cond3A_162 = arith.constant 0 : i32
        %cond3A_163 = arith.cmpi ne, %convert_element_type3A_161, %cond3A_162 : i32
        scf.if %cond3A_163 {
          %dma_wait3A_167 = arith.constant 0 : i32
          %dma_wait3A_168 = arith.constant 0 : i32
          %dma_wait3A_169 = tpu.memref_slice %arg17[%dma_wait3A_167, %dma_wait3A_168] : memref<10240x128xf32, #tpu.memory_space<vmem_shared>> -> memref<10240x128xf32, #tpu.memory_space<vmem_shared>>
          tpu.wait_indirect_dma semaphore(%arg25 : memref<!tpu.dma_semaphore, #tpu.memory_space<semaphore_mem>>) src(%arg16 : memref<128x128xf32, #tpu.memory_space<vmem>>) dst(%dma_wait3A_169 : memref<10240x128xf32, #tpu.memory_space<vmem_shared>>)
        } else {
        }
        %dma_start3A_164 = arith.constant 0 : i32
        %dma_start3A_165 = arith.constant 0 : i32
        %dma_start3A_166 = tpu.memref_slice %arg2[%dma_start3A_164, %dma_start3A_165] : memref<10000x128xf32, #tpu.memory_space<hbm>> -> memref<10000x128xf32, #tpu.memory_space<hbm>>
        tpu.enqueue_indirect_dma source(%dma_start3A_166 : memref<10000x128xf32, #tpu.memory_space<hbm>>) target(%arg16 : memref<128x128xf32, #tpu.memory_space<vmem>>) offsets(%arg10 : memref<128xi32, #tpu.memory_space<vmem>>) semaphore(%arg23 : memref<!tpu.dma_semaphore, #tpu.memory_space<semaphore_mem>>)
      } else {
      }
      %sub3A_121 = arith.constant 2 : i32
      %sub3A_122 = arith.subi %select_n3A, %sub3A_121 : i32
      %lt3A_123 = arith.cmpi slt, %add3A_114, %sub3A_122 : i32
      %convert_element_type3A_124 = arith.extui %lt3A_123 : i1 to i32
      %cond3A_125 = arith.constant 0 : i32
      %cond3A_126 = arith.cmpi ne, %convert_element_type3A_124, %cond3A_125 : i32
      scf.if %cond3A_126 {
        %add3A_156 = arith.constant 2 : i32
        %add3A_157 = arith.addi %add3A_114, %add3A_156 : i32
        %mul3A_158 = arith.constant 128 : i32
        %mul3A_159 = arith.muli %add3A_157, %mul3A_158 : i32
        %add3A_160 = arith.addi %mul3A_29, %mul3A_159 : i32
        %dma_start3A_161 = tpu.memref_slice %arg3[%add3A_160] : memref<327680xi32, #tpu.memory_space<hbm>> -> memref<128xi32, #tpu.memory_space<hbm>>
        %dma_start3A_162 = tpu.memref_slice %arg3[%add3A_160] : memref<327680xi32, #tpu.memory_space<hbm>> -> memref<128xi32, #tpu.memory_space<hbm>>
        tpu.enqueue_dma source(%dma_start3A_162 : memref<128xi32, #tpu.memory_space<hbm>>) target(%arg7 : memref<128xi32, #tpu.memory_space<vmem>>) target_semaphore(%arg18 : memref<!tpu.dma_semaphore, #tpu.memory_space<semaphore_mem>>)
        %mul3A_163 = arith.constant 128 : i32
        %mul3A_164 = arith.muli %add3A_157, %mul3A_163 : i32
        %add3A_165 = arith.addi %mul3A_29, %mul3A_164 : i32
        %dma_start3A_166 = tpu.memref_slice %arg4[%add3A_165] : memref<327680xi32, #tpu.memory_space<hbm>> -> memref<128xi32, #tpu.memory_space<hbm>>
        %dma_start3A_167 = tpu.memref_slice %arg4[%add3A_165] : memref<327680xi32, #tpu.memory_space<hbm>> -> memref<128xi32, #tpu.memory_space<hbm>>
        tpu.enqueue_dma source(%dma_start3A_167 : memref<128xi32, #tpu.memory_space<hbm>>) target(%arg11 : memref<128xi32, #tpu.memory_space<vmem>>) target_semaphore(%arg18 : memref<!tpu.dma_semaphore, #tpu.memory_space<semaphore_mem>>)
      } else {
      }
      %dma_wait3A_127 = arith.constant 0 : i32
      %dma_wait3A_128 = arith.constant 0 : i32
      %dma_wait3A_129 = tpu.memref_slice %arg2[%dma_wait3A_127, %dma_wait3A_128] : memref<10000x128xf32, #tpu.memory_space<hbm>> -> memref<10000x128xf32, #tpu.memory_space<hbm>>
      tpu.wait_indirect_dma semaphore(%arg22 : memref<!tpu.dma_semaphore, #tpu.memory_space<semaphore_mem>>) src(%dma_wait3A_129 : memref<10000x128xf32, #tpu.memory_space<hbm>>) dst(%arg15 : memref<128x128xf32, #tpu.memory_space<vmem>>)
      %dma_start3A_130 = arith.constant 0 : i32
      %dma_start3A_131 = arith.constant 0 : i32
      %dma_start3A_132 = tpu.memref_slice %arg17[%dma_start3A_130, %dma_start3A_131] : memref<10240x128xf32, #tpu.memory_space<vmem_shared>> -> memref<10240x128xf32, #tpu.memory_space<vmem_shared>>
      tpu.enqueue_indirect_dma source(%arg15 : memref<128x128xf32, #tpu.memory_space<vmem>>) target(%dma_start3A_132 : memref<10240x128xf32, #tpu.memory_space<vmem_shared>>) offsets(%arg13 : memref<128xi32, #tpu.memory_space<vmem>>) semaphore(%arg24 : memref<!tpu.dma_semaphore, #tpu.memory_space<semaphore_mem>>) {add = true}
      %mul3A_133 = arith.constant 4 : i32
      %mul3A_134 = arith.muli %while3A_69, %mul3A_133 : i32
      %add3A_135 = arith.constant 3 : i32
      %add3A_136 = arith.addi %mul3A_134, %add3A_135 : i32
      %add3A_137 = arith.constant 1 : i32
      %add3A_138 = arith.addi %add3A_136, %add3A_137 : i32
      %lt3A_139 = arith.cmpi slt, %add3A_138, %select_n3A : i32
      %convert_element_type3A_140 = arith.extui %lt3A_139 : i1 to i32
      %cond3A_141 = arith.constant 0 : i32
      %cond3A_142 = arith.cmpi ne, %convert_element_type3A_140, %cond3A_141 : i32
      scf.if %cond3A_142 {
        %dma_wait3A_156 = tpu.memref_slice %arg3[%mul3A_29] : memref<327680xi32, #tpu.memory_space<hbm>> -> memref<128xi32, #tpu.memory_space<hbm>>
        %dma_wait3A_157 = tpu.memref_slice %arg3[%mul3A_29] : memref<327680xi32, #tpu.memory_space<hbm>> -> memref<128xi32, #tpu.memory_space<hbm>>
        tpu.wait_dma2 semaphore(%arg18 : memref<!tpu.dma_semaphore, #tpu.memory_space<semaphore_mem>>) src(%dma_wait3A_157 : memref<128xi32, #tpu.memory_space<hbm>>) dst(%arg7 : memref<128xi32, #tpu.memory_space<vmem>>)
        %dma_wait3A_158 = tpu.memref_slice %arg4[%mul3A_29] : memref<327680xi32, #tpu.memory_space<hbm>> -> memref<128xi32, #tpu.memory_space<hbm>>
        %dma_wait3A_159 = tpu.memref_slice %arg4[%mul3A_29] : memref<327680xi32, #tpu.memory_space<hbm>> -> memref<128xi32, #tpu.memory_space<hbm>>
        tpu.wait_dma2 semaphore(%arg18 : memref<!tpu.dma_semaphore, #tpu.memory_space<semaphore_mem>>) src(%dma_wait3A_159 : memref<128xi32, #tpu.memory_space<hbm>>) dst(%arg11 : memref<128xi32, #tpu.memory_space<vmem>>)
        %ge3A = arith.constant 1 : i32
        %ge3A_160 = arith.cmpi sge, %add3A_136, %ge3A : i32
        %convert_element_type3A_161 = arith.extui %ge3A_160 : i1 to i32
        %cond3A_162 = arith.constant 0 : i32
        %cond3A_163 = arith.cmpi ne, %convert_element_type3A_161, %cond3A_162 : i32
        scf.if %cond3A_163 {
          %dma_wait3A_167 = arith.constant 0 : i32
          %dma_wait3A_168 = arith.constant 0 : i32
          %dma_wait3A_169 = tpu.memref_slice %arg17[%dma_wait3A_167, %dma_wait3A_168] : memref<10240x128xf32, #tpu.memory_space<vmem_shared>> -> memref<10240x128xf32, #tpu.memory_space<vmem_shared>>
          tpu.wait_indirect_dma semaphore(%arg24 : memref<!tpu.dma_semaphore, #tpu.memory_space<semaphore_mem>>) src(%arg15 : memref<128x128xf32, #tpu.memory_space<vmem>>) dst(%dma_wait3A_169 : memref<10240x128xf32, #tpu.memory_space<vmem_shared>>)
        } else {
        }
        %dma_start3A_164 = arith.constant 0 : i32
        %dma_start3A_165 = arith.constant 0 : i32
        %dma_start3A_166 = tpu.memref_slice %arg2[%dma_start3A_164, %dma_start3A_165] : memref<10000x128xf32, #tpu.memory_space<hbm>> -> memref<10000x128xf32, #tpu.memory_space<hbm>>
        tpu.enqueue_indirect_dma source(%dma_start3A_166 : memref<10000x128xf32, #tpu.memory_space<hbm>>) target(%arg15 : memref<128x128xf32, #tpu.memory_space<vmem>>) offsets(%arg7 : memref<128xi32, #tpu.memory_space<vmem>>) semaphore(%arg22 : memref<!tpu.dma_semaphore, #tpu.memory_space<semaphore_mem>>)
      } else {
      }
      %sub3A_143 = arith.constant 2 : i32
      %sub3A_144 = arith.subi %select_n3A, %sub3A_143 : i32
      %lt3A_145 = arith.cmpi slt, %add3A_136, %sub3A_144 : i32
      %convert_element_type3A_146 = arith.extui %lt3A_145 : i1 to i32
      %cond3A_147 = arith.constant 0 : i32
      %cond3A_148 = arith.cmpi ne, %convert_element_type3A_146, %cond3A_147 : i32
      scf.if %cond3A_148 {
        %add3A_156 = arith.constant 2 : i32
        %add3A_157 = arith.addi %add3A_136, %add3A_156 : i32
        %mul3A_158 = arith.constant 128 : i32
        %mul3A_159 = arith.muli %add3A_157, %mul3A_158 : i32
        %add3A_160 = arith.addi %mul3A_29, %mul3A_159 : i32
        %dma_start3A_161 = tpu.memref_slice %arg3[%add3A_160] : memref<327680xi32, #tpu.memory_space<hbm>> -> memref<128xi32, #tpu.memory_space<hbm>>
        %dma_start3A_162 = tpu.memref_slice %arg3[%add3A_160] : memref<327680xi32, #tpu.memory_space<hbm>> -> memref<128xi32, #tpu.memory_space<hbm>>
        tpu.enqueue_dma source(%dma_start3A_162 : memref<128xi32, #tpu.memory_space<hbm>>) target(%arg8 : memref<128xi32, #tpu.memory_space<vmem>>) target_semaphore(%arg19 : memref<!tpu.dma_semaphore, #tpu.memory_space<semaphore_mem>>)
        %mul3A_163 = arith.constant 128 : i32
        %mul3A_164 = arith.muli %add3A_157, %mul3A_163 : i32
        %add3A_165 = arith.addi %mul3A_29, %mul3A_164 : i32
        %dma_start3A_166 = tpu.memref_slice %arg4[%add3A_165] : memref<327680xi32, #tpu.memory_space<hbm>> -> memref<128xi32, #tpu.memory_space<hbm>>
        %dma_start3A_167 = tpu.memref_slice %arg4[%add3A_165] : memref<327680xi32, #tpu.memory_space<hbm>> -> memref<128xi32, #tpu.memory_space<hbm>>
        tpu.enqueue_dma source(%dma_start3A_167 : memref<128xi32, #tpu.memory_space<hbm>>) target(%arg12 : memref<128xi32, #tpu.memory_space<vmem>>) target_semaphore(%arg19 : memref<!tpu.dma_semaphore, #tpu.memory_space<semaphore_mem>>)
      } else {
      }
      %dma_wait3A_149 = arith.constant 0 : i32
      %dma_wait3A_150 = arith.constant 0 : i32
      %dma_wait3A_151 = tpu.memref_slice %arg2[%dma_wait3A_149, %dma_wait3A_150] : memref<10000x128xf32, #tpu.memory_space<hbm>> -> memref<10000x128xf32, #tpu.memory_space<hbm>>
      tpu.wait_indirect_dma semaphore(%arg23 : memref<!tpu.dma_semaphore, #tpu.memory_space<semaphore_mem>>) src(%dma_wait3A_151 : memref<10000x128xf32, #tpu.memory_space<hbm>>) dst(%arg16 : memref<128x128xf32, #tpu.memory_space<vmem>>)
      %dma_start3A_152 = arith.constant 0 : i32
      %dma_start3A_153 = arith.constant 0 : i32
      %dma_start3A_154 = tpu.memref_slice %arg17[%dma_start3A_152, %dma_start3A_153] : memref<10240x128xf32, #tpu.memory_space<vmem_shared>> -> memref<10240x128xf32, #tpu.memory_space<vmem_shared>>
      tpu.enqueue_indirect_dma source(%arg16 : memref<128x128xf32, #tpu.memory_space<vmem>>) target(%dma_start3A_154 : memref<10240x128xf32, #tpu.memory_space<vmem_shared>>) offsets(%arg14 : memref<128xi32, #tpu.memory_space<vmem>>) semaphore(%arg25 : memref<!tpu.dma_semaphore, #tpu.memory_space<semaphore_mem>>) {add = true}
      %while3A_155 = arith.constant 0 : i32
      scf.yield %while3A_155 : i32
    }
    %dma_wait3A_62 = arith.constant 0 : i32
    %dma_wait3A_63 = arith.constant 0 : i32
    %dma_wait3A_64 = tpu.memref_slice %arg17[%dma_wait3A_62, %dma_wait3A_63] : memref<10240x128xf32, #tpu.memory_space<vmem_shared>> -> memref<10240x128xf32, #tpu.memory_space<vmem_shared>>
    tpu.wait_indirect_dma semaphore(%arg24 : memref<!tpu.dma_semaphore, #tpu.memory_space<semaphore_mem>>) src(%arg15 : memref<128x128xf32, #tpu.memory_space<vmem>>) dst(%dma_wait3A_64 : memref<10240x128xf32, #tpu.memory_space<vmem_shared>>)
    %dma_wait3A_65 = arith.constant 0 : i32
    %dma_wait3A_66 = arith.constant 0 : i32
    %dma_wait3A_67 = tpu.memref_slice %arg17[%dma_wait3A_65, %dma_wait3A_66] : memref<10240x128xf32, #tpu.memory_space<vmem_shared>> -> memref<10240x128xf32, #tpu.memory_space<vmem_shared>>
    tpu.wait_indirect_dma semaphore(%arg25 : memref<!tpu.dma_semaphore, #tpu.memory_space<semaphore_mem>>) src(%arg16 : memref<128x128xf32, #tpu.memory_space<vmem>>) dst(%dma_wait3A_67 : memref<10240x128xf32, #tpu.memory_space<vmem_shared>>)
    %barrier3A_68 = arith.constant 0 : index
    tpu.barrier barrier_id(%barrier3A_68)
    "tpu.region"() ({
      %run_scoped3A = tpu.sem_alloc : memref<!tpu.dma_semaphore, #tpu.memory_space<semaphore_mem>>
      %dma_start3A_69 = arith.constant 0 : i32
      %dma_start3A_70 = tpu.memref_slice %arg6[%arg0, %mul3A_0, %dma_start3A_69] : memref<2x10240x128xf32, #tpu.memory_space<hbm>> -> memref<1x640x128xf32, #tpu.memory_space<hbm>>
      %dma_start3A_71 = tpu.memref_squeeze %dma_start3A_70 : memref<1x640x128xf32, #tpu.memory_space<hbm>> -> memref<640x128xf32, #tpu.memory_space<hbm>>
      %dma_start3A_72 = arith.constant 0 : i32
      %dma_start3A_73 = tpu.memref_slice %arg17[%mul3A_0, %dma_start3A_72] : memref<10240x128xf32, #tpu.memory_space<vmem_shared>> -> memref<640x128xf32, #tpu.memory_space<vmem_shared>>
      tpu.enqueue_dma source(%dma_start3A_73 : memref<640x128xf32, #tpu.memory_space<vmem_shared>>) target(%dma_start3A_71 : memref<640x128xf32, #tpu.memory_space<hbm>>) target_semaphore(%run_scoped3A : memref<!tpu.dma_semaphore, #tpu.memory_space<semaphore_mem>>)
      %dma_wait3A_74 = arith.constant 0 : i32
      %dma_wait3A_75 = tpu.memref_slice %arg6[%arg0, %mul3A_0, %dma_wait3A_74] : memref<2x10240x128xf32, #tpu.memory_space<hbm>> -> memref<1x640x128xf32, #tpu.memory_space<hbm>>
      %dma_wait3A_76 = tpu.memref_squeeze %dma_wait3A_75 : memref<1x640x128xf32, #tpu.memory_space<hbm>> -> memref<640x128xf32, #tpu.memory_space<hbm>>
      %dma_wait3A_77 = arith.constant 0 : i32
      %dma_wait3A_78 = tpu.memref_slice %arg17[%mul3A_0, %dma_wait3A_77] : memref<10240x128xf32, #tpu.memory_space<vmem_shared>> -> memref<640x128xf32, #tpu.memory_space<vmem_shared>>
      tpu.wait_dma2 semaphore(%run_scoped3A : memref<!tpu.dma_semaphore, #tpu.memory_space<semaphore_mem>>) src(%dma_wait3A_78 : memref<640x128xf32, #tpu.memory_space<vmem_shared>>) dst(%dma_wait3A_76 : memref<640x128xf32, #tpu.memory_space<hbm>>)
      tpu.yield
    }) : () -> ()
    return
  }
}

#map = affine_map<(d0, d1) -> (0, 0)>
#map1 = affine_map<(d0, d1) -> (0)>
module attributes {stable_mosaic.version = 14 : i64} {
  func.func @_cls_body(%arg0: i32, %arg1: i32, %arg2: memref<10240x128xf32, #tpu.memory_space<hbm>>, %arg3: memref<106496xi32, #tpu.memory_space<hbm>>, %arg4: memref<106496xi32, #tpu.memory_space<hbm>>, %arg5: memref<106496xf32, #tpu.memory_space<hbm>>, %arg6: memref<3328xi32, #tpu.memory_space<vmem>>, %arg7: memref<3328xi32, #tpu.memory_space<vmem>>, %arg8: memref<128x128xf32, #tpu.memory_space<vmem>>, %arg9: memref<128x128xf32, #tpu.memory_space<vmem>>, %arg10: memref<3328xf32, #tpu.memory_space<vmem>>, %arg11: memref<10240x128xf32, #tpu.memory_space<vmem_shared>>, %arg12: memref<!tpu.dma_semaphore, #tpu.memory_space<semaphore_mem>>, %arg13: memref<!tpu.dma_semaphore, #tpu.memory_space<semaphore_mem>>) attributes {dimension_semantics = [#tpu.dimension_semantics<core_parallel>, #tpu.dimension_semantics<subcore_parallel>], iteration_bounds = array<i64: 2, 16>, scalar_prefetch = 0 : i64, scratch_operands = 8 : i64, tpu.core_type = #tpu.core_type<sc_vector_subcore>, window_params = [{transform_indices = #map}, {transform_indices = #map1}, {transform_indices = #map1}, {transform_indices = #map1}]} {
    %mul3A = arith.constant 16 : i32
    %mul3A_0 = arith.muli %arg0, %mul3A : i32
    %add3A = arith.addi %mul3A_0, %arg1 : i32
    %mul3A_1 = arith.constant 640 : i32
    %mul3A_2 = arith.muli %arg1, %mul3A_1 : i32
    "tpu.region"() ({
      %run_scoped3A = tpu.sem_alloc : memref<!tpu.dma_semaphore, #tpu.memory_space<semaphore_mem>>
      %dma_start3A = arith.constant 0 : i32
      %dma_start3A_15 = tpu.memref_slice %arg11[%mul3A_2, %dma_start3A] : memref<10240x128xf32, #tpu.memory_space<vmem_shared>> -> memref<640x128xf32, #tpu.memory_space<vmem_shared>>
      %dma_start3A_16 = arith.constant 0 : i32
      %dma_start3A_17 = tpu.memref_slice %arg2[%mul3A_2, %dma_start3A_16] : memref<10240x128xf32, #tpu.memory_space<hbm>> -> memref<640x128xf32, #tpu.memory_space<hbm>>
      tpu.enqueue_dma source(%dma_start3A_17 : memref<640x128xf32, #tpu.memory_space<hbm>>) target(%dma_start3A_15 : memref<640x128xf32, #tpu.memory_space<vmem_shared>>) target_semaphore(%run_scoped3A : memref<!tpu.dma_semaphore, #tpu.memory_space<semaphore_mem>>)
      %dma_wait3A = arith.constant 0 : i32
      %dma_wait3A_18 = tpu.memref_slice %arg11[%mul3A_2, %dma_wait3A] : memref<10240x128xf32, #tpu.memory_space<vmem_shared>> -> memref<640x128xf32, #tpu.memory_space<vmem_shared>>
      %dma_wait3A_19 = arith.constant 0 : i32
      %dma_wait3A_20 = tpu.memref_slice %arg2[%mul3A_2, %dma_wait3A_19] : memref<10240x128xf32, #tpu.memory_space<hbm>> -> memref<640x128xf32, #tpu.memory_space<hbm>>
      tpu.wait_dma2 semaphore(%run_scoped3A : memref<!tpu.dma_semaphore, #tpu.memory_space<semaphore_mem>>) src(%dma_wait3A_20 : memref<640x128xf32, #tpu.memory_space<hbm>>) dst(%dma_wait3A_18 : memref<640x128xf32, #tpu.memory_space<vmem_shared>>)
      tpu.yield
    }) : () -> ()
    %mul3A_3 = arith.constant 3328 : i32
    %mul3A_4 = arith.muli %add3A, %mul3A_3 : i32
    "tpu.region"() ({
      %run_scoped3A = tpu.sem_alloc : memref<!tpu.dma_semaphore, #tpu.memory_space<semaphore_mem>>
      %dma_start3A = tpu.memref_slice %arg3[%mul3A_4] : memref<106496xi32, #tpu.memory_space<hbm>> -> memref<3328xi32, #tpu.memory_space<hbm>>
      %dma_start3A_15 = tpu.memref_slice %arg3[%mul3A_4] : memref<106496xi32, #tpu.memory_space<hbm>> -> memref<3328xi32, #tpu.memory_space<hbm>>
      tpu.enqueue_dma source(%dma_start3A_15 : memref<3328xi32, #tpu.memory_space<hbm>>) target(%arg6 : memref<3328xi32, #tpu.memory_space<vmem>>) target_semaphore(%run_scoped3A : memref<!tpu.dma_semaphore, #tpu.memory_space<semaphore_mem>>)
      %dma_wait3A = tpu.memref_slice %arg3[%mul3A_4] : memref<106496xi32, #tpu.memory_space<hbm>> -> memref<3328xi32, #tpu.memory_space<hbm>>
      %dma_wait3A_16 = tpu.memref_slice %arg3[%mul3A_4] : memref<106496xi32, #tpu.memory_space<hbm>> -> memref<3328xi32, #tpu.memory_space<hbm>>
      tpu.wait_dma2 semaphore(%run_scoped3A : memref<!tpu.dma_semaphore, #tpu.memory_space<semaphore_mem>>) src(%dma_wait3A_16 : memref<3328xi32, #tpu.memory_space<hbm>>) dst(%arg6 : memref<3328xi32, #tpu.memory_space<vmem>>)
      tpu.yield
    }) : () -> ()
    %mul3A_5 = arith.constant 3328 : i32
    %mul3A_6 = arith.muli %add3A, %mul3A_5 : i32
    "tpu.region"() ({
      %run_scoped3A = tpu.sem_alloc : memref<!tpu.dma_semaphore, #tpu.memory_space<semaphore_mem>>
      %dma_start3A = tpu.memref_slice %arg4[%mul3A_6] : memref<106496xi32, #tpu.memory_space<hbm>> -> memref<3328xi32, #tpu.memory_space<hbm>>
      %dma_start3A_15 = tpu.memref_slice %arg4[%mul3A_6] : memref<106496xi32, #tpu.memory_space<hbm>> -> memref<3328xi32, #tpu.memory_space<hbm>>
      tpu.enqueue_dma source(%dma_start3A_15 : memref<3328xi32, #tpu.memory_space<hbm>>) target(%arg7 : memref<3328xi32, #tpu.memory_space<vmem>>) target_semaphore(%run_scoped3A : memref<!tpu.dma_semaphore, #tpu.memory_space<semaphore_mem>>)
      %dma_wait3A = tpu.memref_slice %arg4[%mul3A_6] : memref<106496xi32, #tpu.memory_space<hbm>> -> memref<3328xi32, #tpu.memory_space<hbm>>
      %dma_wait3A_16 = tpu.memref_slice %arg4[%mul3A_6] : memref<106496xi32, #tpu.memory_space<hbm>> -> memref<3328xi32, #tpu.memory_space<hbm>>
      tpu.wait_dma2 semaphore(%run_scoped3A : memref<!tpu.dma_semaphore, #tpu.memory_space<semaphore_mem>>) src(%dma_wait3A_16 : memref<3328xi32, #tpu.memory_space<hbm>>) dst(%arg7 : memref<3328xi32, #tpu.memory_space<vmem>>)
      tpu.yield
    }) : () -> ()
    %barrier3A = arith.constant 0 : index
    tpu.barrier barrier_id(%barrier3A)
    %iota3A = tpu.iota {dimensions = array<i32: 0>} : vector<16xi32>
    %scan3A = arith.constant 0 : i32
    %scan3A_7 = arith.constant 0 : i32
    %scan3A_8 = arith.constant 26 : i32
    %scan3A_9 = arith.addi %scan3A_7, %scan3A_8 : i32
    %scan3A_10 = arith.constant 1 : i32
    %scan3A_11 = scf.for %scan3A_15 = %scan3A_7 to %scan3A_9 step %scan3A_10 iter_args(%scan3A_16 = %scan3A) -> (i32)  : i32 {
      %mul3A_17 = arith.constant 128 : i32
      %mul3A_18 = arith.muli %scan3A_15, %mul3A_17 : i32
      %dma_start3A = tpu.memref_slice %arg6[%mul3A_18] : memref<3328xi32, #tpu.memory_space<vmem>> -> memref<128xi32, #tpu.memory_space<vmem>>
      %dma_start3A_19 = arith.constant 0 : i32
      %dma_start3A_20 = arith.constant 0 : i32
      %dma_start3A_21 = tpu.memref_slice %arg11[%dma_start3A_19, %dma_start3A_20] : memref<10240x128xf32, #tpu.memory_space<vmem_shared>> -> memref<10240x128xf32, #tpu.memory_space<vmem_shared>>
      tpu.enqueue_indirect_dma source(%dma_start3A_21 : memref<10240x128xf32, #tpu.memory_space<vmem_shared>>) target(%arg8 : memref<128x128xf32, #tpu.memory_space<vmem>>) offsets(%dma_start3A : memref<128xi32, #tpu.memory_space<vmem>>) semaphore(%arg12 : memref<!tpu.dma_semaphore, #tpu.memory_space<semaphore_mem>>)
      %mul3A_22 = arith.constant 128 : i32
      %mul3A_23 = arith.muli %scan3A_15, %mul3A_22 : i32
      %dma_start3A_24 = tpu.memref_slice %arg7[%mul3A_23] : memref<3328xi32, #tpu.memory_space<vmem>> -> memref<128xi32, #tpu.memory_space<vmem>>
      %dma_start3A_25 = arith.constant 0 : i32
      %dma_start3A_26 = arith.constant 0 : i32
      %dma_start3A_27 = tpu.memref_slice %arg11[%dma_start3A_25, %dma_start3A_26] : memref<10240x128xf32, #tpu.memory_space<vmem_shared>> -> memref<10240x128xf32, #tpu.memory_space<vmem_shared>>
      tpu.enqueue_indirect_dma source(%dma_start3A_27 : memref<10240x128xf32, #tpu.memory_space<vmem_shared>>) target(%arg9 : memref<128x128xf32, #tpu.memory_space<vmem>>) offsets(%dma_start3A_24 : memref<128xi32, #tpu.memory_space<vmem>>) semaphore(%arg13 : memref<!tpu.dma_semaphore, #tpu.memory_space<semaphore_mem>>)
      %dma_wait3A = arith.constant 0 : i32
      %dma_wait3A_28 = tpu.memref_slice %arg6[%dma_wait3A] : memref<3328xi32, #tpu.memory_space<vmem>> -> memref<128xi32, #tpu.memory_space<vmem>>
      %dma_wait3A_29 = arith.constant 0 : i32
      %dma_wait3A_30 = arith.constant 0 : i32
      %dma_wait3A_31 = tpu.memref_slice %arg11[%dma_wait3A_29, %dma_wait3A_30] : memref<10240x128xf32, #tpu.memory_space<vmem_shared>> -> memref<10240x128xf32, #tpu.memory_space<vmem_shared>>
      tpu.wait_indirect_dma semaphore(%arg12 : memref<!tpu.dma_semaphore, #tpu.memory_space<semaphore_mem>>) src(%dma_wait3A_31 : memref<10240x128xf32, #tpu.memory_space<vmem_shared>>) dst(%arg8 : memref<128x128xf32, #tpu.memory_space<vmem>>)
      %dma_wait3A_32 = arith.constant 0 : i32
      %dma_wait3A_33 = tpu.memref_slice %arg7[%dma_wait3A_32] : memref<3328xi32, #tpu.memory_space<vmem>> -> memref<128xi32, #tpu.memory_space<vmem>>
      %dma_wait3A_34 = arith.constant 0 : i32
      %dma_wait3A_35 = arith.constant 0 : i32
      %dma_wait3A_36 = tpu.memref_slice %arg11[%dma_wait3A_34, %dma_wait3A_35] : memref<10240x128xf32, #tpu.memory_space<vmem_shared>> -> memref<10240x128xf32, #tpu.memory_space<vmem_shared>>
      tpu.wait_indirect_dma semaphore(%arg13 : memref<!tpu.dma_semaphore, #tpu.memory_space<semaphore_mem>>) src(%dma_wait3A_36 : memref<10240x128xf32, #tpu.memory_space<vmem_shared>>) dst(%arg9 : memref<128x128xf32, #tpu.memory_space<vmem>>)
      %scan3A_37 = arith.constant 0 : i32
      %scan3A_38 = arith.constant 0 : i32
      %scan3A_39 = arith.constant 8 : i32
      %scan3A_40 = arith.addi %scan3A_38, %scan3A_39 : i32
      %scan3A_41 = arith.constant 1 : i32
      %scan3A_42 = scf.for %scan3A_45 = %scan3A_38 to %scan3A_40 step %scan3A_41 iter_args(%scan3A_46 = %scan3A_37) -> (i32)  : i32 {
        %broadcast_in_dim3A = arith.constant 0.000000e+00 : f32
        %broadcast_in_dim3A_47 = vector.broadcast %broadcast_in_dim3A : f32 to vector<16xf32>
        %scan3A_48 = arith.constant 0 : i32
        %scan3A_49 = arith.constant 16 : i32
        %scan3A_50 = arith.addi %scan3A_48, %scan3A_49 : i32
        %scan3A_51 = arith.constant 1 : i32
        %scan3A_52 = scf.for %scan3A_61 = %scan3A_48 to %scan3A_50 step %scan3A_51 iter_args(%scan3A_62 = %broadcast_in_dim3A_47) -> (vector<16xf32>)  : i32 {
          %mul3A_63 = arith.constant 16 : i32
          %mul3A_64 = arith.muli %scan3A_45, %mul3A_63 : i32
          %add3A_65 = arith.addi %mul3A_64, %scan3A_61 : i32
          %get3A = arith.index_cast %add3A_65 : i32 to index
          %get3A_66 = arith.constant 0 : index
          %get3A_67 = tpu.vector_load %arg8[%get3A, %get3A_66] {strides = array<i32>} : memref<128x128xf32, #tpu.memory_space<vmem>>, vector<16xf32>,
          %get3A_68 = arith.index_cast %add3A_65 : i32 to index
          %get3A_69 = arith.constant 0 : index
          %get3A_70 = tpu.vector_load %arg9[%get3A_68, %get3A_69] {strides = array<i32>} : memref<128x128xf32, #tpu.memory_space<vmem>>, vector<16xf32>,
          %mul3A_71 = arith.mulf %get3A_67, %get3A_70 : vector<16xf32>
          %get3A_72 = arith.index_cast %add3A_65 : i32 to index
          %get3A_73 = arith.constant 16 : index
          %get3A_74 = tpu.vector_load %arg8[%get3A_72, %get3A_73] {strides = array<i32>} : memref<128x128xf32, #tpu.memory_space<vmem>>, vector<16xf32>,
          %get3A_75 = arith.index_cast %add3A_65 : i32 to index
          %get3A_76 = arith.constant 16 : index
          %get3A_77 = tpu.vector_load %arg9[%get3A_75, %get3A_76] {strides = array<i32>} : memref<128x128xf32, #tpu.memory_space<vmem>>, vector<16xf32>,
          %mul3A_78 = arith.mulf %get3A_74, %get3A_77 : vector<16xf32>
          %add3A_79 = arith.addf %mul3A_71, %mul3A_78 : vector<16xf32>
          %get3A_80 = arith.index_cast %add3A_65 : i32 to index
          %get3A_81 = arith.constant 32 : index
          %get3A_82 = tpu.vector_load %arg8[%get3A_80, %get3A_81] {strides = array<i32>} : memref<128x128xf32, #tpu.memory_space<vmem>>, vector<16xf32>,
          %get3A_83 = arith.index_cast %add3A_65 : i32 to index
          %get3A_84 = arith.constant 32 : index
          %get3A_85 = tpu.vector_load %arg9[%get3A_83, %get3A_84] {strides = array<i32>} : memref<128x128xf32, #tpu.memory_space<vmem>>, vector<16xf32>,
          %mul3A_86 = arith.mulf %get3A_82, %get3A_85 : vector<16xf32>
          %add3A_87 = arith.addf %add3A_79, %mul3A_86 : vector<16xf32>
          %get3A_88 = arith.index_cast %add3A_65 : i32 to index
          %get3A_89 = arith.constant 48 : index
          %get3A_90 = tpu.vector_load %arg8[%get3A_88, %get3A_89] {strides = array<i32>} : memref<128x128xf32, #tpu.memory_space<vmem>>, vector<16xf32>,
          %get3A_91 = arith.index_cast %add3A_65 : i32 to index
          %get3A_92 = arith.constant 48 : index
          %get3A_93 = tpu.vector_load %arg9[%get3A_91, %get3A_92] {strides = array<i32>} : memref<128x128xf32, #tpu.memory_space<vmem>>, vector<16xf32>,
          %mul3A_94 = arith.mulf %get3A_90, %get3A_93 : vector<16xf32>
          %add3A_95 = arith.addf %add3A_87, %mul3A_94 : vector<16xf32>
          %get3A_96 = arith.index_cast %add3A_65 : i32 to index
          %get3A_97 = arith.constant 64 : index
          %get3A_98 = tpu.vector_load %arg8[%get3A_96, %get3A_97] {strides = array<i32>} : memref<128x128xf32, #tpu.memory_space<vmem>>, vector<16xf32>,
          %get3A_99 = arith.index_cast %add3A_65 : i32 to index
          %get3A_100 = arith.constant 64 : index
          %get3A_101 = tpu.vector_load %arg9[%get3A_99, %get3A_100] {strides = array<i32>} : memref<128x128xf32, #tpu.memory_space<vmem>>, vector<16xf32>,
          %mul3A_102 = arith.mulf %get3A_98, %get3A_101 : vector<16xf32>
          %add3A_103 = arith.addf %add3A_95, %mul3A_102 : vector<16xf32>
          %get3A_104 = arith.index_cast %add3A_65 : i32 to index
          %get3A_105 = arith.constant 80 : index
          %get3A_106 = tpu.vector_load %arg8[%get3A_104, %get3A_105] {strides = array<i32>} : memref<128x128xf32, #tpu.memory_space<vmem>>, vector<16xf32>,
          %get3A_107 = arith.index_cast %add3A_65 : i32 to index
          %get3A_108 = arith.constant 80 : index
          %get3A_109 = tpu.vector_load %arg9[%get3A_107, %get3A_108] {strides = array<i32>} : memref<128x128xf32, #tpu.memory_space<vmem>>, vector<16xf32>,
          %mul3A_110 = arith.mulf %get3A_106, %get3A_109 : vector<16xf32>
          %add3A_111 = arith.addf %add3A_103, %mul3A_110 : vector<16xf32>
          %get3A_112 = arith.index_cast %add3A_65 : i32 to index
          %get3A_113 = arith.constant 96 : index
          %get3A_114 = tpu.vector_load %arg8[%get3A_112, %get3A_113] {strides = array<i32>} : memref<128x128xf32, #tpu.memory_space<vmem>>, vector<16xf32>,
          %get3A_115 = arith.index_cast %add3A_65 : i32 to index
          %get3A_116 = arith.constant 96 : index
          %get3A_117 = tpu.vector_load %arg9[%get3A_115, %get3A_116] {strides = array<i32>} : memref<128x128xf32, #tpu.memory_space<vmem>>, vector<16xf32>,
          %mul3A_118 = arith.mulf %get3A_114, %get3A_117 : vector<16xf32>
          %add3A_119 = arith.addf %add3A_111, %mul3A_118 : vector<16xf32>
          %get3A_120 = arith.index_cast %add3A_65 : i32 to index
          %get3A_121 = arith.constant 112 : index
          %get3A_122 = tpu.vector_load %arg8[%get3A_120, %get3A_121] {strides = array<i32>} : memref<128x128xf32, #tpu.memory_space<vmem>>, vector<16xf32>,
          %get3A_123 = arith.index_cast %add3A_65 : i32 to index
          %get3A_124 = arith.constant 112 : index
          %get3A_125 = tpu.vector_load %arg9[%get3A_123, %get3A_124] {strides = array<i32>} : memref<128x128xf32, #tpu.memory_space<vmem>>, vector<16xf32>,
          %mul3A_126 = arith.mulf %get3A_122, %get3A_125 : vector<16xf32>
          %add3A_127 = arith.addf %add3A_119, %mul3A_126 : vector<16xf32>
          %eq3A = vector.broadcast %scan3A_61 : i32 to vector<16xi32>
          %eq3A_128 = arith.cmpi eq, %iota3A, %eq3A : vector<16xi32>
          %reduce_sum3A = arith.constant true
          %reduce_sum3A_129 = vector.broadcast %reduce_sum3A : i1 to vector<16xi1>
          %reduce_sum3A_130 = tpu.scan <sum>, %add3A_127 masked %reduce_sum3A_129 : vector<16xf32>, vector<16xi1> -> vector<16xf32>
          %reduce_sum3A_131 = vector.extract %reduce_sum3A_130[15] : f32 from vector<16xf32>
          %broadcast_in_dim3A_132 = vector.broadcast %reduce_sum3A_131 : f32 to vector<16xf32>
          %select_n3A = arith.select %eq3A_128, %broadcast_in_dim3A_132, %scan3A_62 : vector<16xi1>, vector<16xf32>
          scf.yield %select_n3A : vector<16xf32>
        }
        %scan3A_53 = arith.constant 16 : i32
        %mul3A_54 = arith.constant 128 : i32
        %mul3A_55 = arith.muli %scan3A_15, %mul3A_54 : i32
        %mul3A_56 = arith.constant 16 : i32
        %mul3A_57 = arith.muli %scan3A_45, %mul3A_56 : i32
        %add3A_58 = arith.addi %mul3A_55, %mul3A_57 : i32
        %swap3A = arith.index_cast %add3A_58 : i32 to index
        %swap3A_59 = tpu.vector_load %arg10[%swap3A] {strides = array<i32>} : memref<3328xf32, #tpu.memory_space<vmem>>, vector<16xf32>,
        tpu.vector_store %arg10[%swap3A], %scan3A_52 {strides = array<i32>} : memref<3328xf32, #tpu.memory_space<vmem>>, vector<16xf32>,
        %scan3A_60 = arith.constant 0 : i32
        scf.yield %scan3A_60 : i32
      }
      %scan3A_43 = arith.constant 8 : i32
      %scan3A_44 = arith.constant 0 : i32
      scf.yield %scan3A_44 : i32
    }
    %scan3A_12 = arith.constant 26 : i32
    %mul3A_13 = arith.constant 3328 : i32
    %mul3A_14 = arith.muli %add3A, %mul3A_13 : i32
    "tpu.region"() ({
      %run_scoped3A = tpu.sem_alloc : memref<!tpu.dma_semaphore, #tpu.memory_space<semaphore_mem>>
      %dma_start3A = tpu.memref_slice %arg5[%mul3A_14] : memref<106496xf32, #tpu.memory_space<hbm>> -> memref<3328xf32, #tpu.memory_space<hbm>>
      %dma_start3A_15 = tpu.memref_slice %arg5[%mul3A_14] : memref<106496xf32, #tpu.memory_space<hbm>> -> memref<3328xf32, #tpu.memory_space<hbm>>
      tpu.enqueue_dma source(%arg10 : memref<3328xf32, #tpu.memory_space<vmem>>) target(%dma_start3A_15 : memref<3328xf32, #tpu.memory_space<hbm>>) target_semaphore(%run_scoped3A : memref<!tpu.dma_semaphore, #tpu.memory_space<semaphore_mem>>)
      %dma_wait3A = tpu.memref_slice %arg5[%mul3A_14] : memref<106496xf32, #tpu.memory_space<hbm>> -> memref<3328xf32, #tpu.memory_space<hbm>>
      %dma_wait3A_16 = tpu.memref_slice %arg5[%mul3A_14] : memref<106496xf32, #tpu.memory_space<hbm>> -> memref<3328xf32, #tpu.memory_space<hbm>>
      tpu.wait_dma2 semaphore(%run_scoped3A : memref<!tpu.dma_semaphore, #tpu.memory_space<semaphore_mem>>) src(%arg10 : memref<3328xf32, #tpu.memory_space<vmem>>) dst(%dma_wait3A_16 : memref<3328xf32, #tpu.memory_space<hbm>>)
      tpu.yield
    }) : () -> ()
    return
  }
}

module attributes {stable_mosaic.version = 14 : i64} {
  func.func @_tc1_body(%arg0: i32, %arg1: memref<2000x384xf32, #tpu.memory_space<vmem>>, %arg2: memref<128x384xf32, #tpu.memory_space<vmem>>, %arg3: memref<1x128xf32, #tpu.memory_space<vmem>>, %arg4: memref<128x128xf32, #tpu.memory_space<vmem>>, %arg5: memref<1x128xf32, #tpu.memory_space<vmem>>, %arg6: memref<128x128xf32, #tpu.memory_space<vmem>>, %arg7: memref<2000x128xf32, #tpu.memory_space<vmem>>, %arg8: memref<2000x128xf32, #tpu.memory_space<vmem>>) attributes {dimension_semantics = [#tpu.dimension_semantics<arbitrary>], iteration_bounds = array<i64: 5>, scalar_prefetch = 0 : i64, scratch_operands = 0 : i64, tpu.core_type = #tpu.core_type<tc>, window_params = [{transform_indices = @transform_0, window_bounds = array<i64: 2000, 384>}, {pipeline_mode = #tpu.pipeline_mode<synchronous>, transform_indices = @transform_1, window_bounds = array<i64: 128, 384>}, {pipeline_mode = #tpu.pipeline_mode<synchronous>, transform_indices = @transform_2, window_bounds = array<i64: 1, 128>}, {pipeline_mode = #tpu.pipeline_mode<synchronous>, transform_indices = @transform_3, window_bounds = array<i64: 128, 128>}, {pipeline_mode = #tpu.pipeline_mode<synchronous>, transform_indices = @transform_4, window_bounds = array<i64: 1, 128>}, {pipeline_mode = #tpu.pipeline_mode<synchronous>, transform_indices = @transform_5, window_bounds = array<i64: 128, 128>}, {transform_indices = @transform_6, window_bounds = array<i64: 2000, 128>}, {transform_indices = @transform_7, window_bounds = array<i64: 2000, 128>}]} {
    %get3A = arith.constant 0 : index
    %get3A_0 = arith.constant 0 : index
    %get3A_1 = vector.load %arg1[%get3A, %get3A_0] : memref<2000x384xf32, #tpu.memory_space<vmem>>, vector<2000x384xf32>
    %get3A_2 = arith.constant 0 : index
    %get3A_3 = arith.constant 0 : index
    %get3A_4 = vector.load %arg2[%get3A_2, %get3A_3] : memref<128x384xf32, #tpu.memory_space<vmem>>, vector<128x384xf32>
    %dot_general3A = arith.constant dense<0.000000e+00> : vector<2000x128xf32>
    %dot_general3A_5 = tpu.matmul %get3A_1, %get3A_4, %dot_general3A {dimension_numbers = #tpu.dot_dimension_numbers<[1], [1], [0], [0], [0, 0, 1, 0], [], []>, transpose_lhs_hint = false} : vector<2000x384xf32>, vector<128x384xf32>, vector<2000x128xf32> -> vector<2000x128xf32>
    %get3A_6 = arith.constant 0 : index
    %get3A_7 = arith.constant 0 : index
    %get3A_8 = vector.load %arg3[%get3A_6, %get3A_7] : memref<1x128xf32, #tpu.memory_space<vmem>>, vector<1x128xf32>
    %add3A = vector.broadcast %get3A_8 : vector<1x128xf32> to vector<2000x128xf32>
    %add3A_9 = arith.addf %dot_general3A_5, %add3A : vector<2000x128xf32>
    %get3A_10 = arith.constant 0 : index
    %get3A_11 = arith.constant 0 : index
    %get3A_12 = vector.load %arg4[%get3A_10, %get3A_11] : memref<128x128xf32, #tpu.memory_space<vmem>>, vector<128x128xf32>
    %dot_general3A_13 = arith.constant dense<0.000000e+00> : vector<2000x128xf32>
    %dot_general3A_14 = tpu.matmul %add3A_9, %get3A_12, %dot_general3A_13 {dimension_numbers = #tpu.dot_dimension_numbers<[1], [1], [0], [0], [0, 0, 1, 0], [], []>, transpose_lhs_hint = false} : vector<2000x128xf32>, vector<128x128xf32>, vector<2000x128xf32> -> vector<2000x128xf32>
    %swap3A = arith.constant 0 : index
    %swap3A_15 = arith.constant 0 : index
    %swap3A_16 = vector.load %arg7[%swap3A, %swap3A_15] : memref<2000x128xf32, #tpu.memory_space<vmem>>, vector<2000x128xf32>
    tpu.vector_store %arg7[%swap3A, %swap3A_15], %dot_general3A_14 {strides = array<i32>} : memref<2000x128xf32, #tpu.memory_space<vmem>>, vector<2000x128xf32>,
    %get3A_17 = arith.constant 0 : index
    %get3A_18 = arith.constant 0 : index
    %get3A_19 = vector.load %arg6[%get3A_17, %get3A_18] : memref<128x128xf32, #tpu.memory_space<vmem>>, vector<128x128xf32>
    %dot_general3A_20 = arith.constant dense<0.000000e+00> : vector<2000x128xf32>
    %dot_general3A_21 = tpu.matmul %add3A_9, %get3A_19, %dot_general3A_20 {dimension_numbers = #tpu.dot_dimension_numbers<[1], [1], [0], [0], [0, 0, 1, 0], [], []>, transpose_lhs_hint = false} : vector<2000x128xf32>, vector<128x128xf32>, vector<2000x128xf32> -> vector<2000x128xf32>
    %get3A_22 = arith.constant 0 : index
    %get3A_23 = arith.constant 0 : index
    %get3A_24 = vector.load %arg5[%get3A_22, %get3A_23] : memref<1x128xf32, #tpu.memory_space<vmem>>, vector<1x128xf32>
    %add3A_25 = vector.broadcast %get3A_24 : vector<1x128xf32> to vector<2000x128xf32>
    %add3A_26 = arith.addf %dot_general3A_21, %add3A_25 : vector<2000x128xf32>
    %swap3A_27 = arith.constant 0 : index
    %swap3A_28 = arith.constant 0 : index
    %swap3A_29 = vector.load %arg8[%swap3A_27, %swap3A_28] : memref<2000x128xf32, #tpu.memory_space<vmem>>, vector<2000x128xf32>
    tpu.vector_store %arg8[%swap3A_27, %swap3A_28], %add3A_26 {strides = array<i32>} : memref<2000x128xf32, #tpu.memory_space<vmem>>, vector<2000x128xf32>,
    return
  }
  func.func @transform_0(%arg0: i32) -> (i32, i32) {
    %c0_i32 = arith.constant 0 : i32
    %c0_i32_0 = arith.constant 0 : i32
    return %arg0, %c0_i32 : i32, i32
  }
  func.func @transform_1(%arg0: i32) -> (i32, i32) {
    %c0_i32 = arith.constant 0 : i32
    %c0_i32_0 = arith.constant 0 : i32
    %c0_i32_1 = arith.constant 0 : i32
    return %c0_i32, %c0_i32_0 : i32, i32
  }
  func.func @transform_2(%arg0: i32) -> (i32, i32) {
    %c0_i32 = arith.constant 0 : i32
    %c0_i32_0 = arith.constant 0 : i32
    %c0_i32_1 = arith.constant 0 : i32
    return %c0_i32, %c0_i32_0 : i32, i32
  }
  func.func @transform_3(%arg0: i32) -> (i32, i32) {
    %c0_i32 = arith.constant 0 : i32
    %c0_i32_0 = arith.constant 0 : i32
    %c0_i32_1 = arith.constant 0 : i32
    return %c0_i32, %c0_i32_0 : i32, i32
  }
  func.func @transform_4(%arg0: i32) -> (i32, i32) {
    %c0_i32 = arith.constant 0 : i32
    %c0_i32_0 = arith.constant 0 : i32
    %c0_i32_1 = arith.constant 0 : i32
    return %c0_i32, %c0_i32_0 : i32, i32
  }
  func.func @transform_5(%arg0: i32) -> (i32, i32) {
    %c0_i32 = arith.constant 0 : i32
    %c0_i32_0 = arith.constant 0 : i32
    %c0_i32_1 = arith.constant 0 : i32
    return %c0_i32, %c0_i32_0 : i32, i32
  }
  func.func @transform_6(%arg0: i32) -> (i32, i32) {
    %c0_i32 = arith.constant 0 : i32
    %c0_i32_0 = arith.constant 0 : i32
    return %arg0, %c0_i32 : i32, i32
  }
  func.func @transform_7(%arg0: i32) -> (i32, i32) {
    %c0_i32 = arith.constant 0 : i32
    %c0_i32_0 = arith.constant 0 : i32
    return %arg0, %c0_i32 : i32, i32
  }
}

module attributes {stable_mosaic.version = 14 : i64} {
  func.func @_tc2_body(%arg0: i32, %arg1: memref<2x2000x128xf32, #tpu.memory_space<vmem>>, %arg2: memref<2x2000x128xf32, #tpu.memory_space<vmem>>, %arg3: memref<2000x128xf32, #tpu.memory_space<vmem>>, %arg4: memref<128x128xf32, #tpu.memory_space<vmem>>, %arg5: memref<1x128xf32, #tpu.memory_space<vmem>>, %arg6: memref<128x128xf32, #tpu.memory_space<vmem>>, %arg7: memref<2000x128xf32, #tpu.memory_space<vmem>>, %arg8: memref<2000x128xf32, #tpu.memory_space<vmem>>) attributes {dimension_semantics = [#tpu.dimension_semantics<arbitrary>], iteration_bounds = array<i64: 5>, scalar_prefetch = 0 : i64, scratch_operands = 0 : i64, tpu.core_type = #tpu.core_type<tc>, window_params = [{transform_indices = @transform_0, window_bounds = array<i64: 2, 2000, 128>}, {transform_indices = @transform_1, window_bounds = array<i64: 2, 2000, 128>}, {transform_indices = @transform_2, window_bounds = array<i64: 2000, 128>}, {pipeline_mode = #tpu.pipeline_mode<synchronous>, transform_indices = @transform_3, window_bounds = array<i64: 128, 128>}, {pipeline_mode = #tpu.pipeline_mode<synchronous>, transform_indices = @transform_4, window_bounds = array<i64: 1, 128>}, {pipeline_mode = #tpu.pipeline_mode<synchronous>, transform_indices = @transform_5, window_bounds = array<i64: 128, 128>}, {transform_indices = @transform_6, window_bounds = array<i64: 2000, 128>}, {transform_indices = @transform_7, window_bounds = array<i64: 2000, 128>}]} {
    %get3A = arith.constant 0 : index
    %get3A_0 = arith.constant 0 : index
    %get3A_1 = arith.constant 0 : index
    %get3A_2 = vector.load %arg1[%get3A, %get3A_0, %get3A_1] : memref<2x2000x128xf32, #tpu.memory_space<vmem>>, vector<1x2000x128xf32>
    %get3A_3 = vector.shape_cast %get3A_2 : vector<1x2000x128xf32> to vector<2000x128xf32>
    %get3A_4 = arith.constant 1 : index
    %get3A_5 = arith.constant 0 : index
    %get3A_6 = arith.constant 0 : index
    %get3A_7 = vector.load %arg1[%get3A_4, %get3A_5, %get3A_6] : memref<2x2000x128xf32, #tpu.memory_space<vmem>>, vector<1x2000x128xf32>
    %get3A_8 = vector.shape_cast %get3A_7 : vector<1x2000x128xf32> to vector<2000x128xf32>
    %add3A = arith.addf %get3A_3, %get3A_8 : vector<2000x128xf32>
    %get3A_9 = arith.constant 0 : index
    %get3A_10 = arith.constant 0 : index
    %get3A_11 = arith.constant 0 : index
    %get3A_12 = vector.load %arg2[%get3A_9, %get3A_10, %get3A_11] : memref<2x2000x128xf32, #tpu.memory_space<vmem>>, vector<1x2000x1xf32>
    %get3A_13 = vector.shape_cast %get3A_12 : vector<1x2000x1xf32> to vector<2000x1xf32>
    %get3A_14 = arith.constant 1 : index
    %get3A_15 = arith.constant 0 : index
    %get3A_16 = arith.constant 0 : index
    %get3A_17 = vector.load %arg2[%get3A_14, %get3A_15, %get3A_16] : memref<2x2000x128xf32, #tpu.memory_space<vmem>>, vector<1x2000x1xf32>
    %get3A_18 = vector.shape_cast %get3A_17 : vector<1x2000x1xf32> to vector<2000x1xf32>
    %add3A_19 = arith.addf %get3A_13, %get3A_18 : vector<2000x1xf32>
    %max3A = arith.constant 1.000000e+00 : f32
    %max3A_20 = vector.broadcast %max3A : f32 to vector<2000x1xf32>
    %max3A_21 = arith.maximumf %add3A_19, %max3A_20 : vector<2000x1xf32>
    %div3A = arith.constant 1.000000e+00 : f32
    %div3A_22 = vector.broadcast %div3A : f32 to vector<2000x1xf32>
    %div3A_23 = arith.divf %div3A_22, %max3A_21 : vector<2000x1xf32>
    %mul3A = vector.broadcast %div3A_23 : vector<2000x1xf32> to vector<2000x128xf32>
    %mul3A_24 = arith.mulf %add3A, %mul3A : vector<2000x128xf32>
    %get3A_25 = arith.constant 0 : index
    %get3A_26 = arith.constant 0 : index
    %get3A_27 = vector.load %arg3[%get3A_25, %get3A_26] : memref<2000x128xf32, #tpu.memory_space<vmem>>, vector<2000x128xf32>
    %add3A_28 = arith.addf %mul3A_24, %get3A_27 : vector<2000x128xf32>
    %max3A_29 = arith.constant 0.000000e+00 : f32
    %max3A_30 = vector.broadcast %max3A_29 : f32 to vector<2000x128xf32>
    %max3A_31 = arith.maximumf %add3A_28, %max3A_30 : vector<2000x128xf32>
    %get3A_32 = arith.constant 0 : index
    %get3A_33 = arith.constant 0 : index
    %get3A_34 = vector.load %arg4[%get3A_32, %get3A_33] : memref<128x128xf32, #tpu.memory_space<vmem>>, vector<128x128xf32>
    %dot_general3A = arith.constant dense<0.000000e+00> : vector<2000x128xf32>
    %dot_general3A_35 = tpu.matmul %max3A_31, %get3A_34, %dot_general3A {dimension_numbers = #tpu.dot_dimension_numbers<[1], [1], [0], [0], [0, 0, 1, 0], [], []>, transpose_lhs_hint = false} : vector<2000x128xf32>, vector<128x128xf32>, vector<2000x128xf32> -> vector<2000x128xf32>
    %swap3A = arith.constant 0 : index
    %swap3A_36 = arith.constant 0 : index
    %swap3A_37 = vector.load %arg7[%swap3A, %swap3A_36] : memref<2000x128xf32, #tpu.memory_space<vmem>>, vector<2000x128xf32>
    tpu.vector_store %arg7[%swap3A, %swap3A_36], %dot_general3A_35 {strides = array<i32>} : memref<2000x128xf32, #tpu.memory_space<vmem>>, vector<2000x128xf32>,
    %get3A_38 = arith.constant 0 : index
    %get3A_39 = arith.constant 0 : index
    %get3A_40 = vector.load %arg6[%get3A_38, %get3A_39] : memref<128x128xf32, #tpu.memory_space<vmem>>, vector<128x128xf32>
    %dot_general3A_41 = arith.constant dense<0.000000e+00> : vector<2000x128xf32>
    %dot_general3A_42 = tpu.matmul %max3A_31, %get3A_40, %dot_general3A_41 {dimension_numbers = #tpu.dot_dimension_numbers<[1], [1], [0], [0], [0, 0, 1, 0], [], []>, transpose_lhs_hint = false} : vector<2000x128xf32>, vector<128x128xf32>, vector<2000x128xf32> -> vector<2000x128xf32>
    %get3A_43 = arith.constant 0 : index
    %get3A_44 = arith.constant 0 : index
    %get3A_45 = vector.load %arg5[%get3A_43, %get3A_44] : memref<1x128xf32, #tpu.memory_space<vmem>>, vector<1x128xf32>
    %add3A_46 = vector.broadcast %get3A_45 : vector<1x128xf32> to vector<2000x128xf32>
    %add3A_47 = arith.addf %dot_general3A_42, %add3A_46 : vector<2000x128xf32>
    %swap3A_48 = arith.constant 0 : index
    %swap3A_49 = arith.constant 0 : index
    %swap3A_50 = vector.load %arg8[%swap3A_48, %swap3A_49] : memref<2000x128xf32, #tpu.memory_space<vmem>>, vector<2000x128xf32>
    tpu.vector_store %arg8[%swap3A_48, %swap3A_49], %add3A_47 {strides = array<i32>} : memref<2000x128xf32, #tpu.memory_space<vmem>>, vector<2000x128xf32>,
    return
  }
  func.func @transform_0(%arg0: i32) -> (i32, i32, i32) {
    %c0_i32 = arith.constant 0 : i32
    %c0_i32_0 = arith.constant 0 : i32
    %c0_i32_1 = arith.constant 0 : i32
    return %c0_i32, %arg0, %c0_i32_0 : i32, i32, i32
  }
  func.func @transform_1(%arg0: i32) -> (i32, i32, i32) {
    %c0_i32 = arith.constant 0 : i32
    %c0_i32_0 = arith.constant 0 : i32
    %c0_i32_1 = arith.constant 0 : i32
    return %c0_i32, %arg0, %c0_i32_0 : i32, i32, i32
  }
  func.func @transform_2(%arg0: i32) -> (i32, i32) {
    %c0_i32 = arith.constant 0 : i32
    %c0_i32_0 = arith.constant 0 : i32
    return %arg0, %c0_i32 : i32, i32
  }
  func.func @transform_3(%arg0: i32) -> (i32, i32) {
    %c0_i32 = arith.constant 0 : i32
    %c0_i32_0 = arith.constant 0 : i32
    %c0_i32_1 = arith.constant 0 : i32
    return %c0_i32, %c0_i32_0 : i32, i32
  }
  func.func @transform_4(%arg0: i32) -> (i32, i32) {
    %c0_i32 = arith.constant 0 : i32
    %c0_i32_0 = arith.constant 0 : i32
    %c0_i32_1 = arith.constant 0 : i32
    return %c0_i32, %c0_i32_0 : i32, i32
  }
  func.func @transform_5(%arg0: i32) -> (i32, i32) {
    %c0_i32 = arith.constant 0 : i32
    %c0_i32_0 = arith.constant 0 : i32
    %c0_i32_1 = arith.constant 0 : i32
    return %c0_i32, %c0_i32_0 : i32, i32
  }
  func.func @transform_6(%arg0: i32) -> (i32, i32) {
    %c0_i32 = arith.constant 0 : i32
    %c0_i32_0 = arith.constant 0 : i32
    return %arg0, %c0_i32 : i32, i32
  }
  func.func @transform_7(%arg0: i32) -> (i32, i32) {
    %c0_i32 = arith.constant 0 : i32
    %c0_i32_0 = arith.constant 0 : i32
    return %arg0, %c0_i32 : i32, i32
  }
}

module attributes {stable_mosaic.version = 14 : i64} {
  func.func @_tc3_body(%arg0: i32, %arg1: memref<2x2048x128xf32, #tpu.memory_space<vmem>>, %arg2: memref<2x2048x128xf32, #tpu.memory_space<vmem>>, %arg3: memref<2048x128xf32, #tpu.memory_space<vmem>>, %arg4: memref<2048x128xf32, #tpu.memory_space<vmem>>) attributes {dimension_semantics = [#tpu.dimension_semantics<arbitrary>], iteration_bounds = array<i64: 5>, scalar_prefetch = 0 : i64, scratch_operands = 0 : i64, tpu.core_type = #tpu.core_type<tc>, window_params = [{transform_indices = @transform_0, window_bounds = array<i64: 2, 2048, 128>}, {transform_indices = @transform_1, window_bounds = array<i64: 2, 2048, 128>}, {transform_indices = @transform_2, window_bounds = array<i64: 2048, 128>}, {transform_indices = @transform_3, window_bounds = array<i64: 2048, 128>}]} {
    %get3A = arith.constant 0 : index
    %get3A_0 = arith.constant 0 : index
    %get3A_1 = arith.constant 0 : index
    %get3A_2 = vector.load %arg1[%get3A, %get3A_0, %get3A_1] : memref<2x2048x128xf32, #tpu.memory_space<vmem>>, vector<1x2048x128xf32>
    %get3A_3 = vector.shape_cast %get3A_2 : vector<1x2048x128xf32> to vector<2048x128xf32>
    %get3A_4 = arith.constant 1 : index
    %get3A_5 = arith.constant 0 : index
    %get3A_6 = arith.constant 0 : index
    %get3A_7 = vector.load %arg1[%get3A_4, %get3A_5, %get3A_6] : memref<2x2048x128xf32, #tpu.memory_space<vmem>>, vector<1x2048x128xf32>
    %get3A_8 = vector.shape_cast %get3A_7 : vector<1x2048x128xf32> to vector<2048x128xf32>
    %add3A = arith.addf %get3A_3, %get3A_8 : vector<2048x128xf32>
    %get3A_9 = arith.constant 0 : index
    %get3A_10 = arith.constant 0 : index
    %get3A_11 = arith.constant 0 : index
    %get3A_12 = vector.load %arg2[%get3A_9, %get3A_10, %get3A_11] : memref<2x2048x128xf32, #tpu.memory_space<vmem>>, vector<1x2048x1xf32>
    %get3A_13 = vector.shape_cast %get3A_12 : vector<1x2048x1xf32> to vector<2048x1xf32>
    %get3A_14 = arith.constant 1 : index
    %get3A_15 = arith.constant 0 : index
    %get3A_16 = arith.constant 0 : index
    %get3A_17 = vector.load %arg2[%get3A_14, %get3A_15, %get3A_16] : memref<2x2048x128xf32, #tpu.memory_space<vmem>>, vector<1x2048x1xf32>
    %get3A_18 = vector.shape_cast %get3A_17 : vector<1x2048x1xf32> to vector<2048x1xf32>
    %add3A_19 = arith.addf %get3A_13, %get3A_18 : vector<2048x1xf32>
    %max3A = arith.constant 1.000000e+00 : f32
    %max3A_20 = vector.broadcast %max3A : f32 to vector<2048x1xf32>
    %max3A_21 = arith.maximumf %add3A_19, %max3A_20 : vector<2048x1xf32>
    %div3A = arith.constant 1.000000e+00 : f32
    %div3A_22 = vector.broadcast %div3A : f32 to vector<2048x1xf32>
    %div3A_23 = arith.divf %div3A_22, %max3A_21 : vector<2048x1xf32>
    %mul3A = vector.broadcast %div3A_23 : vector<2048x1xf32> to vector<2048x128xf32>
    %mul3A_24 = arith.mulf %add3A, %mul3A : vector<2048x128xf32>
    %get3A_25 = arith.constant 0 : index
    %get3A_26 = arith.constant 0 : index
    %get3A_27 = vector.load %arg3[%get3A_25, %get3A_26] : memref<2048x128xf32, #tpu.memory_space<vmem>>, vector<2048x128xf32>
    %add3A_28 = arith.addf %mul3A_24, %get3A_27 : vector<2048x128xf32>
    %swap3A = arith.constant 0 : index
    %swap3A_29 = arith.constant 0 : index
    %swap3A_30 = vector.load %arg4[%swap3A, %swap3A_29] : memref<2048x128xf32, #tpu.memory_space<vmem>>, vector<2048x128xf32>
    tpu.vector_store %arg4[%swap3A, %swap3A_29], %add3A_28 {strides = array<i32>} : memref<2048x128xf32, #tpu.memory_space<vmem>>, vector<2048x128xf32>,
    return
  }
  func.func @transform_0(%arg0: i32) -> (i32, i32, i32) {
    %c0_i32 = arith.constant 0 : i32
    %c0_i32_0 = arith.constant 0 : i32
    %c0_i32_1 = arith.constant 0 : i32
    return %c0_i32, %arg0, %c0_i32_0 : i32, i32, i32
  }
  func.func @transform_1(%arg0: i32) -> (i32, i32, i32) {
    %c0_i32 = arith.constant 0 : i32
    %c0_i32_0 = arith.constant 0 : i32
    %c0_i32_1 = arith.constant 0 : i32
    return %c0_i32, %arg0, %c0_i32_0 : i32, i32, i32
  }
  func.func @transform_2(%arg0: i32) -> (i32, i32) {
    %c0_i32 = arith.constant 0 : i32
    %c0_i32_0 = arith.constant 0 : i32
    return %arg0, %c0_i32 : i32, i32
  }
  func.func @transform_3(%arg0: i32) -> (i32, i32) {
    %c0_i32 = arith.constant 0 : i32
    %c0_i32_0 = arith.constant 0 : i32
    return %arg0, %c0_i32 : i32, i32
  }
}

</mosaic_0001>

<sc_bundles>
// kernel: kernel.12.cloned.1.call-start
scs
__scs_entry_jumppad:
0x0: {  	(pc) =	sbr.rel $0x88, $3  }
0x1: {  	(tag) =	ssettag $0x0;
	lr =	simm.s32 $0x1  }
0x2: {  	[smem:$0x3F96] =	sst lr;
	_ =	strace $0xD0000000  }
0x3: {  	_ = 	snop  }
0x4: {  	_ = 	snop  }
0x5: {  	_ = 	snop  }
0x6: {  	_ = 	snop  }
0x7: {  	_ = 	snop  }
__scs_overlays_trampoline_lowered:
0x8: {  	[smem:$0x3FA5] =	sst s0  }
0x9: {  	[smem:$0x3FA6] =	sst s1  }
0xa: {  	[smem:$0x3FA7] =	sst s2  }
0xb: {  	[smem:$0x3FA8] =	sst s3  }
0xc: {  	[smem:$0x3FA9] =	sst s4  }
0xd: {  	[smem:$0x3FAA] =	sst s5  }
0xe: {  	[smem:$0x3FAB] =	sst s6  }
0xf: {  	[smem:$0x3FAC] =	sst s7  }
0x10: {  	[smem:$0x3FAD] =	sst s8  }
0x11: {  	[smem:$0x3FAE] =	sst s9;
	s0 =	simm.s32 @!p0 $0x0  }
0x12: {  	s1 =	sld [smem:$0x3F94];
	s0 =	simm.s32 @p0 $0x1  }
0x13: {  	[smem:$0x3FAF] =	sst s0;
	s0 =	simm.s32 @!p1 $0x0  }
0x14: {  	s2 =	sld [smem:$0x3F93];
	s0 =	simm.s32 @p1 $0x1  }
0x15: {  	[smem:$0x3FB0] =	sst s0;
	s0 =	simm.s32 @!p2 $0x0  }
0x16: {  	s3 =	sld [smem:$0x3FDB];
	s0 =	simm.s32 @p2 $0x1  }
0x17: {  	s4 =	simm.s32 $0x1BF5;
	[smem:$0x3FB2] =	sst s0  }
0x18: {  	s0 =	sld [smem:$0x3F95];
	_ =	swait.ge [sflag:s4], $0x0  }
0x19: {  	s7 =	sld [smem:$0x3F96]  }
0x1a: {  	s8 =	sadd.s32 $0xFFFFE003, lr  }
0x1b: {  	s9 =	sadd.s32 $0xFFFFFEF7, lr;
	s5 =	simm.s32 $0xFFFFFFFF;
	p2 =	slt.u32 s8, $0xFFFFF086  }
0x1c: {  	p1 =	slt.u32 s9, $0xF7A;
	s5 =	simm.s32 @!p2 $0x0  }
0x1d: {  	s5 =	simm.s32 @p1 $0x1;
	p0 =	seq.s32 s7, s2  }
0x1e: {  	s7 =	smul.u32 @!p0 $0xF7A, s2;
	p2 =	seq.s32 @!p0 s5, $0x0  }
0x1f: {  	s9 =	smul.u32 $0xF7A, s1;
	s8 =	simm.s32 @!p0 $0x1BF5;
	p2 =	por !p2, p0  }
0x20: {  	[sflag:s8] =	ssyncset.s32 @!p0 $0xFFFFF086;
	s6 =	sadd.s32 @!p0 s3, s7;
	s7 =	simm.s32 @!p0 $0x108  }
0x21: {  	s3 =	sadd.s32 s3, s9;
	s6 =	sadd.s32 @!p0 $0x88, s6;
	s7 =	simm.s32 @p2 $0x1082  }
0x22: {  	[simem:s7], [sflag:s8] =	dma.local @!p0 [hbm:s6], $0xF7A  }
0x23: {  	s9 =	sor.u32 $0xD0000000, s2;
	s6 =	simm.s32 $0x108;
	_ =	swait.ge @!p0 [sflag:s8], $0x0  }
0x24: {  	s3 =	sadd.s32 $0x88, s3;
	s6 =	simm.s32 @!p1 $0x1082;
	[sflag:s4] =	ssyncset.s32 $0xFFFFF086  }
0x25: {  	[simem:s6], [sflag:s4] =	dma.local [hbm:s3], $0xF7A  }
0x26: {  	[smem:$0x3F96] =	sst s1;
	(tag) =	ssettag s2;
	_ =	strace s9  }
0x27: {  	s1 =	sld [smem:$0x3FA6]  }
0x28: {  	s2 =	sld [smem:$0x3FA7]  }
0x29: {  	s4 =	sld [smem:$0x3FA9]  }
0x2a: {  	p0 =	seq.s32 s5, $0x0;
	s5 =	sld [smem:$0x3FAA]  }
0x2b: {  	s6 =	sld [smem:$0x3FAB]  }
0x2c: {  	s7 =	sld [smem:$0x3FAC]  }
0x2d: {  	s3 =	simm.s32 $0x108;
	s8 =	sld [smem:$0x3FAD]  }
0x2e: {  	s3 =	simm.s32 @!p0 $0x1082;
	s9 =	sld [smem:$0x3FAE]  }
0x2f: {  	lr =	sadd.s32 s0, s3;
	s0 =	sld [smem:$0x3FA5]  }
0x30: {  	s3 =	sld [smem:$0x3FA8]  }
0x31: {  	[smem:$0x3FB1] =	sst s10  }
0x32: {  	s10 =	sld [smem:$0x3FAF];
	_ =	sdelay $0x3  }
0x33: {  	p0 =	seq.s32 s10, $0x1;
	s10 =	sld [smem:$0x3FB1];
	_ =	sdelay $0x3  }
0x34: {  	[smem:$0x3FB1] =	sst s10  }
0x35: {  	s10 =	sld [smem:$0x3FB0];
	_ =	sdelay $0x3  }
0x36: {  	p1 =	seq.s32 s10, $0x1;
	s10 =	sld [smem:$0x3FB1];
	_ =	sdelay $0x3  }
0x37: {  	[smem:$0x3FB1] =	sst s10  }
0x38: {  	s10 =	sld [smem:$0x3FB2]  }
0x39: {  	_ = 	snop;
	(pc) =	sbr.ind lr, $3  }
0x3a: {  	_ = 	snop  }
0x3b: {  	_ = 	snop  }
0x3c: {  	p2 =	seq.s32 s10, $0x1;
	s10 =	sld [smem:$0x3FB1]  }
0x3d: {  	_ =	shalt  }
0x3e: {  	_ =	shalt  }
0x3f: {  	_ =	shalt  }
0x40: {  	_ =	shalt  }
0x41: {  	_ =	shalt  }
0x42: {  	_ =	shalt  }
0x43: {  	_ =	shalt  }
0x44: {  	_ =	shalt  }
0x45: {  	_ =	shalt  }
0x46: {  	_ =	shalt  }
0x47: {  	_ =	shalt  }
0x48: {  	_ =	shalt  }
0x49: {  	_ =	shalt  }
0x4a: {  	_ =	shalt  }
0x4b: {  	_ =	shalt  }
0x4c: {  	_ =	shalt  }
0x4d: {  	_ =	shalt  }
0x4e: {  	_ =	shalt  }
0x4f: {  	_ =	shalt  }
0x50: {  	_ =	shalt  }
0x51: {  	_ =	shalt  }
0x52: {  	_ =	shalt  }
0x53: {  	_ =	shalt  }
0x54: {  	_ =	shalt  }
0x55: {  	_ =	shalt  }
0x56: {  	_ =	shalt  }
0x57: {  	_ =	shalt  }
0x58: {  	_ =	shalt  }
0x59: {  	_ =	shalt  }
0x5a: {  	_ =	shalt  }
0x5b: {  	_ =	shalt  }
0x5c: {  	_ =	shalt  }
0x5d: {  	_ =	shalt  }
0x5e: {  	_ =	shalt  }
0x5f: {  	_ =	shalt  }
0x60: {  	_ =	shalt  }
0x61: {  	_ =	shalt  }
0x62: {  	_ =	shalt  }
0x63: {  	_ =	shalt  }
0x64: {  	_ =	shalt  }
0x65: {  	_ =	shalt  }
0x66: {  	_ =	shalt  }
0x67: {  	_ =	shalt  }
0x68: {  	_ =	shalt  }
0x69: {  	_ =	shalt  }
0x6a: {  	_ =	shalt  }
0x6b: {  	_ =	shalt  }
0x6c: {  	_ =	shalt  }
0x6d: {  	_ =	shalt  }
0x6e: {  	_ =	shalt  }
0x6f: {  	_ =	shalt  }
0x70: {  	_ =	shalt  }
0x71: {  	_ =	shalt  }
0x72: {  	_ =	shalt  }
0x73: {  	_ =	shalt  }
0x74: {  	_ =	shalt  }
0x75: {  	_ =	shalt  }
0x76: {  	_ =	shalt  }
0x77: {  	_ =	shalt  }
0x78: {  	_ =	shalt  }
0x79: {  	_ =	shalt  }
0x7a: {  	_ =	shalt  }
0x7b: {  	_ =	shalt  }
0x7c: {  	_ =	shalt  }
0x7d: {  	_ =	shalt  }
0x7e: {  	_ =	shalt  }
0x7f: {  	_ =	shalt  }
0x80: {  	_ =	shalt  }
0x81: {  	_ =	shalt  }
0x82: {  	_ =	shalt  }
0x83: {  	_ =	shalt  }
0x84: {  	_ =	shalt  }
0x85: {  	_ =	shalt  }
0x86: {  	_ =	shalt  }
0x87: {  	_ =	shalt  }
.Lfunc_end0:
.L_simem_size_0:
called_computation.1_lowered:
.L_overlay_start_0:
0x88: {  	s2 =	sld [smem:$0x3FD9]  }
0x89: {  	s3 =	sld [smem:$0x3FFE];
	_ =	sdelay $0x1  }
0x8a: {  	s1 =	srdreg.scid  }
0x8b: {  	s0 =	sand.u32 $0x1, s1  }
0x8c: {  	s16 =	sshll.u32 s0, $0xA;
	s2 =	sadd.s32 s3, s2  }
0x8d: {  	s2 =	sadd.s32 s2, s16  }
0x8e: {  	[smem:$0x3FBD] =	sst s2  }
0x8f: {  	_ = 	snop  }
0x90: {  	(tm) =	ssettm $0x1  }
0x91: {  	s17 =	sld [smem:$0x3FFB];
	_ =	sdelay $0x3  }
0x92: {  	_ =	strace s17  }
0x93: {  	s2 =	sld [smem:$0x3FFC];
	_ =	sdelay $0x3  }
0x94: {  	_ =	strace s2  }
0x95: {  	s2 =	sld [smem:$0x3FFD];
	_ =	sdelay $0x3  }
0x96: {  	_ =	strace s2  }
0x97: {  	_ =	strace $0x8FFFFFFF  }
0x98: {  	s18 =	sld [smem:$0x3FDB];
	_ =	sdelay $0x1  }
0x99: {  	s19 =	simm.s32 $_scs_section_size  }
0x9a: {  	s4 =	simm.s32 $_size__tile_overlayer_lowered;
	s5 =	simm.s32 $_tile_overlayer_lowered  }
0x9b: {  	s22 =	simm.s32 $0x1BFF;
	s21 =	sshll.u32 s5, $0x1;
	s2 =	sadd.s32 s19, s18  }
0x9c: {  	s6 =	simm.s32 $0x0;
	s20 =	sshll.u32 s4, $0x1;
	s4 =	sadd.s32 s21, s2  }
0x9d: {  	[timem:s6], [sflag:s22] =	dma.local [hbm:s4], s20  }
0x9e: {  	_ =	swait.ge [sflag:s22], s20  }
0x9f: {  	s3 =	ssub.s32 $0x0, s20;
	[sflag:s22] =	ssyncset.done $0x0  }
0xa0: {  	[sflag:s22] =	ssyncadd.s32 s3;
	_ =	sdelay $0x1  }
0xa1: {  	s23 =	simm.s32 $0x1B8B  }
0xa2: {  	_ =	swait.ge [sflag:s23], $0x1  }
0xa3: {  	[sflag:s23] =	ssyncset.done $0x0  }
0xa4: {  	s25 =	simm.s32 $0x1B8E;
	s24 =	sld [smem:$0x3FFE];
	[sflag:s23] =	ssyncadd.s32 $0xFFFFFFFF  }
0xa5: {  	s26 =	simm.s32 $execute0_lowered;
	[smem:$0x3FD2] =	sst s25  }
0xa6: {  	s4 =	sshll.u32 s26, $0x1;
	_ =	strace $0x80000046;
	[dreg:$0x1] =	wrdreg $0xFFFFFFFF  }
0xa7: {  	s28 =	simm.s32 $_size_execute0_lowered;
	s2 =	sadd.s32 s2, s4;
	[dreg:$0x0] =	wrdreg $0x0  }
0xa8: {  	s4 =	sshll.u32 s28, $0x1;
	[dreg:$0x2] =	wrdreg s2  }
0xa9: {  	[dreg:$0x3] =	wrdreg s4  }
0xaa: {  	[dreg:$0x4] =	wrdreg $0xC0  }
0xab: {  	_ =	task [dreg:s6], $0x5FFFF  }
0xac: {  	[dreg:$0x1] =	wrdreg $0xFFFFFFFF  }
0xad: {  	[dreg:$0x0] =	wrdreg $0x60  }
0xae: {  	[dreg:$0x2] =	wrdreg s24  }
0xaf: {  	[dreg:$0x3] =	wrdreg $0x84000  }
0xb0: {  	[dreg:$0x4] =	wrdreg $0xA  }
0xb1: {  	_ =	task.clear_ibuf [dreg:s6], $0x5FFFF;
	_ =	strace $0x90000046  }
0xb2: {  	s29 =	simm.s32 $0xA;
	_ =	strace $0x80000048  }
0xb3: {  	_ =	swait.ge [sflag:s29], $0x1  }
0xb4: {  	[sflag:s29] =	ssyncadd.s32 $0xFFFFFFFF  }
0xb5: {  	_ =	strace $0x90000048  }
0xb6: {  	_ =	sfence  }
0xb7: {  	s30 =	sld [smem:$0x0];
	_ =	sdelay $0x2  }
0xb8: {  	s31 =	sshll.u32 s1, $0xD;
	s1 =	sshrl.u32 s1, $0x2  }
0xb9: {  	s3 =	sand.u32 $0x4000, s31;
	s1 =	sadd.s32 s1, s30  }
0xba: {  	s0 =	sor.u32 s3, s0;
	s1 =	sshll.u32 s1, $0x11  }
0xbb: {  	s0 =	sor.u32 s1, s0  }
0xbc: {  	s0 =	sadd.s32 $0x8F2B, s0  }
0xbd: {  	[sflag:s0] =	ssyncadd.remote.s32 $0x1  }
0xbe: {  	_ =	sfence.sel $0xFFFF  }
0xbf: {  	[dreg:$0x0] =	wrdreg $0xFFFFFFFF;
	(pc) =	sbr.abs _section_cstart, $3  }
0xc0: {  	[dreg:$0x1] =	wrdreg $0xFFFFFFFF  }
0xc1: {  	_ =	task.clear_ibuf [dreg:s6], $0x2FFFF;
	_ =	strace $0x9FFFFFFF  }
0xc2: {  	(tm) =	ssettm $0x7FFFFFFF  }
0xc3: {  	_ =	shalt  }
tec
execute0_lowered:
.L_overlay_start_1:
0x0: {  	(tag) =	ssettag $0x1  }
0x1: {  	s5 =	rddreg [dreg:$0x0]  }
0x2: {  	s2 =	rddreg [dreg:$0x1];
	s3 =	simm.s32 $0x0;
	s0 =	stileid.u32  }
0x3: {  	s4 =	srdreg.scid;
	s17 =	simm.s32 $0x200;
	s18 =	simm.s32 $0x80  }
0x4: {  	s19 =	simm.s32 $0x280;
	s20 =	simm.s32 $0x1;
	s21 =	simm.s32 $0x400  }
0x5: {  	s22 =	simm.s32 $0x5;
	s28 =	simm.s32 $0x0;
	[smem:$0x7FF] =	sst s3  }
0x6: {  	s6 =	smul.u32 $0x14000, s0;
	s7 =	sand.u32 $0x1, s4;
	s4 =	sadd.s32 $0x15C00, s5  }
0x7: {  	s10 =	sadd.s32 $0xBC00, s5;
	s11 =	sadd.s32 $0x1C00, s5;
	s12 =	smul.u32 $0x50000, s0  }
0x8: {  	s25 =	sshll.u32 s0, $0x6;
	s26 =	smul.u32 $0x30, s0;
	_ =	strace $0x80000047  }
0x9: {  	s8 =	smul.u32 $0x140000, s7;
	s23 =	ssub.s32 $0x2, s7;
	p0 =	seq.s32 s7, $0x0  }
0xa: {  	s7 =	simm.s32 $0x70;
	s9 =	sshrl.u32 s6, $0x3;
	s13 =	sshrl.u32 s23, $0x1  }
0xb: {  	s24 =	sshrl.u32 s12, $0x2;
	s12 =	simm.s32 $0x700;
	s7 =	simm.s32 @!p0 $0x30  }
0xc: {  	s6 =	sadd.s32 s6, s8;
	s9 =	sadd.s32 s9, s5;
	s15 =	ssub.s32 s23, s13  }
0xd: {  	s16 =	sadd.s32 s24, s2;
	s8 =	sadd.s32 $0x700, s26;
	s12 =	simm.s32 @!p0 $0x300  }
0xe: {  	s31 =	sadd.s32 $0xFFFFFFFC, s7;
	s23 =	simm.s32 $0x300;
	s24 =	simm.s32 $0x4400  }
0xf: {  	s26 =	simm.s32 $0x8;
	s6 =	sshrl.u32 s6, $0x3;
	[dreg:$0x4] =	wrdreg s12  }
0x10: {  	s1 =	sadd.s32 $0x3CE00, s9;
	s9 =	smul.u32 $0x70, s0;
	[dreg:$0x3] =	wrdreg s31  }
0x11: {  	[dreg:$0x5] =	wrdreg s23;
	s23 =	simm.s32 $0x6;
	s14 =	sadd.s32 s6, s5  }
0x12: {  	[dreg:$0x7] =	wrdreg s1;
	s6 =	sor.u32 $0x1C09, s25;
	s25 =	simm.s32 $0x380  }
0x13: {  	s8 =	smov.u32 @p0 s9;
	s13 =	sadd.s32 $0x64E00, s14;
	s14 =	smax.u32 s15, $0x1  }
0x14: {  	s15 =	sshrl.u32 s16, $0x3;
	s16 =	simm.s32 $0x9;
	s29 =	sshll.u32 s8, $0x4  }
0x15: {  	[dreg:$0x6] =	wrdreg s25;
	s25 =	simm.s32 $0x7;
	s12 =	sor.u32 $0x10, s29  }
0x16: {  	s8 =	sadd.s32 s10, s29;
	s9 =	sadd.s32 s11, s29;
	s30 =	sadd.s32 s10, s12  }
0x17: {  	s11 =	sadd.s32 s11, s12;
	s12 =	sadd.s32 $0xFFFFFFFE, s7;
	[dreg:$0x8] =	wrdreg s30  }
.LBB2_1:
0x18: {  	s0 =	rddreg [dreg:$0x7]  }
0x19: {  	[spmem:s15], [sflag:s6] =	dma.local [hbm:s0], $0x2800  }
0x1a: {  	_ =	swait.ge [sflag:s16], $0x2800  }
0x1b: {  	[sflag:s16] =	ssyncset.done $0x0  }
0x1c: {  	[sflag:s16] =	ssyncadd.s32 $0xFFFFD800  }
0x1d: {  	[bflag:$0x0] =	sbarrier.arrive $0xFFFF  }
0x1e: {  	[tilespmem:s3], [sflag:$0x1] =	stream.linear.gather [hbm4b:s8+s3], $0x80, $0x38;
	[tilespmem:$0x1C400] =	vst v63  }
0x1f: {  	_ = 	snop  }
0x20: {  	[tilespmem:s17], [sflag:$0x1] =	stream.linear.gather [hbm4b:s9+s3], $0x80, $0x38;
	[tilespmem:$0x1C400] =	vst v63  }
0x21: {  	s31 =	rddreg [dreg:$0x8]  }
0x22: {  	[tilespmem:s18], [sflag:$0x2] =	stream.linear.gather [hbm4b:s31+s3], $0x80, $0x38;
	[tilespmem:$0x1C400] =	vst v63  }
0x23: {  	_ = 	snop  }
0x24: {  	[tilespmem:s19], [sflag:$0x2] =	stream.linear.gather [hbm4b:s11+s3], $0x80, $0x38;
	[tilespmem:$0x1C400] =	vst v63  }
0x25: {  	_ =	swait.ge [sflag:s20], $0x80  }
0x26: {  	[sflag:s20] =	ssyncset.done $0x0  }
0x27: {  	[sflag:s20] =	ssyncadd.s32 $0xFFFFFF80  }
0x28: {  	_ =	swait.ge [sflag:s20], $0x80  }
0x29: {  	[sflag:s20] =	ssyncset.done $0x0  }
0x2a: {  	s29 =	simm.s32 $0x0;
	s30 =	simm.s32 $0x0;
	[sflag:s20] =	ssyncadd.s32 $0xFFFFFF80  }
0x2b: {  	[tilespmem:s21], [sflag:$0x5] =	stream.indirect.gather [hbm4b:s4+s18], $0x80, s3, s18, $0xb8;
	[tilespmem:$0x1C400] =	vst v63  }
.LBB2_2:
0x2c: {  	s31 =	sadd.s32 $0x1, s29  }
0x2d: {  	p0 =	sge.u32 s31, s7  }
0x2e: {  	s0 =	simm.s32 @!p0 $0x2  }
0x2f: {  	_ =	swait.ge @!p0 [sflag:s0], $0x80  }
0x30: {  	[sflag:s0] =	ssyncset.done @!p0 $0x0  }
0x31: {  	[sflag:s0] =	ssyncadd.s32 @!p0 $0xFFFFFF80  }
0x32: {  	p1 =	seq.s32 @!p0 s30, $0x0;
	_ =	swait.ge @!p0 [sflag:s0], $0x80  }
0x33: {  	p1 =	por p1, p0;
	[sflag:s0] =	ssyncset.done @!p0 $0x0  }
0x34: {  	[sflag:s0] =	ssyncadd.s32 @!p0 $0xFFFFFF80;
	s0 =	simm.s32 @!p1 $0x8  }
0x35: {  	_ =	swait.ge @!p1 [sflag:s0], $0x4000  }
0x36: {  	[sflag:s0] =	ssyncset.done @!p1 $0x0  }
0x37: {  	s1 =	simm.s32 @!p0 $0x4400;
	[sflag:s0] =	ssyncadd.s32 @!p1 $0xFFFFC000;
	s0 =	simm.s32 @!p0 $0x80  }
0x38: {  	[tilespmem:s1], [sflag:$0x6] =	stream.indirect.gather @!p0 [hbm4b:s4+s0], $0x80, s0, s0, $0xb8;
	[tilespmem:$0x1C400] =	vst v63  }
0x39: {  	p0 =	sge.u32 s29, s12  }
0x3a: {  	s0 =	sadd.s32 @!p0 s30, s8  }
0x3b: {  	s1 =	simm.s32 @!p0 $0x0;
	s5 =	simm.s32 @!p0 $0x100;
	s0 =	sadd.s32 @!p0 $0x20, s0  }
0x3c: {  	[tilespmem:s5], [sflag:$0x3] =	stream.linear.gather @!p0 [hbm4b:s0+s1], $0x80, $0x38;
	[tilespmem:$0x1C400] =	vst v63  }
0x3d: {  	s0 =	sadd.s32 @!p0 s30, s9  }
0x3e: {  	s5 =	simm.s32 @!p0 $0x300;
	s0 =	sadd.s32 @!p0 $0x20, s0  }
0x3f: {  	[tilespmem:s5], [sflag:$0x3] =	stream.linear.gather @!p0 [hbm4b:s0+s1], $0x80, $0x38;
	[tilespmem:$0x1C400] =	vst v63  }
0x40: {  	s0 =	sadd.s32 $0x2, s29;
	_ =	swait.ge [sflag:s22], $0x4000  }
0x41: {  	p0 =	sge.u32 s0, s7;
	[sflag:s22] =	ssyncset.done $0x0  }
0x42: {  	s1 =	simm.s32 @!p0 $0x3;
	[sflag:s22] =	ssyncadd.s32 $0xFFFFC000  }
0x43: {  	[spmem:s2] =	stream.indirect.scatter.add.f32 [tilespmem:s21], [sflag:$0x7], $0x80, s17, s18, $0xb8;
	[tilespmem:$0x1C400] =	vst v63  }
0x44: {  	_ =	swait.ge @!p0 [sflag:s1], $0x80  }
0x45: {  	[sflag:s1] =	ssyncset.done @!p0 $0x0  }
0x46: {  	[sflag:s1] =	ssyncadd.s32 @!p0 $0xFFFFFF80  }
0x47: {  	_ =	swait.ge @!p0 [sflag:s1], $0x80  }
0x48: {  	[sflag:s1] =	ssyncset.done @!p0 $0x0  }
0x49: {  	[sflag:s1] =	ssyncadd.s32 @!p0 $0xFFFFFF80;
	s1 =	simm.s32 @!p0 $0x7  }
0x4a: {  	_ =	swait.ge @!p0 [sflag:s1], $0x4000  }
0x4b: {  	s5 =	simm.s32 @!p0 $0x100;
	[sflag:s1] =	ssyncset.done @!p0 $0x0  }
0x4c: {  	s10 =	simm.s32 @!p0 $0x400;
	[sflag:s1] =	ssyncadd.s32 @!p0 $0xFFFFC000;
	s1 =	simm.s32 @!p0 $0x80  }
0x4d: {  	[tilespmem:s10], [sflag:$0x5] =	stream.indirect.gather @!p0 [hbm4b:s4+s1], $0x80, s5, s1, $0xb8;
	[tilespmem:$0x1C400] =	vst v63  }
0x4e: {  	p0 =	sge.u32 s31, s12  }
0x4f: {  	s1 =	sadd.s32 @!p0 s30, s8  }
0x50: {  	s5 =	simm.s32 @!p0 $0x0;
	s10 =	simm.s32 @!p0 $0x180;
	s1 =	sadd.s32 @!p0 $0x30, s1  }
0x51: {  	[tilespmem:s10], [sflag:$0x4] =	stream.linear.gather @!p0 [hbm4b:s1+s5], $0x80, $0x38;
	[tilespmem:$0x1C400] =	vst v63  }
0x52: {  	s1 =	sadd.s32 @!p0 s30, s9  }
0x53: {  	s10 =	simm.s32 @!p0 $0x380;
	s1 =	sadd.s32 @!p0 $0x30, s1  }
0x54: {  	[tilespmem:s10], [sflag:$0x4] =	stream.linear.gather @!p0 [hbm4b:s1+s5], $0x80, $0x38;
	[tilespmem:$0x1C400] =	vst v63  }
0x55: {  	s1 =	sadd.s32 $0x3, s29;
	_ =	swait.ge [sflag:s23], $0x4000  }
0x56: {  	p0 =	sge.u32 s1, s7;
	[sflag:s23] =	ssyncset.done $0x0  }
0x57: {  	s5 =	simm.s32 @!p0 $0x4;
	[sflag:s23] =	ssyncadd.s32 $0xFFFFC000  }
0x58: {  	[spmem:s2] =	stream.indirect.scatter.add.f32 [tilespmem:s24], [sflag:$0x8], $0x80, s19, s18, $0xb8;
	[tilespmem:$0x1C400] =	vst v63  }
0x59: {  	_ =	swait.ge @!p0 [sflag:s5], $0x80  }
0x5a: {  	[sflag:s5] =	ssyncset.done @!p0 $0x0  }
0x5b: {  	[sflag:s5] =	ssyncadd.s32 @!p0 $0xFFFFFF80  }
0x5c: {  	_ =	swait.ge @!p0 [sflag:s5], $0x80  }
0x5d: {  	[sflag:s5] =	ssyncset.done @!p0 $0x0  }
0x5e: {  	[sflag:s5] =	ssyncadd.s32 @!p0 $0xFFFFFF80;
	s5 =	simm.s32 @!p0 $0x8  }
0x5f: {  	_ =	swait.ge @!p0 [sflag:s5], $0x4000  }
0x60: {  	s10 =	simm.s32 @!p0 $0x180;
	[sflag:s5] =	ssyncset.done @!p0 $0x0  }
0x61: {  	s31 =	simm.s32 @!p0 $0x4400;
	[sflag:s5] =	ssyncadd.s32 @!p0 $0xFFFFC000;
	s5 =	simm.s32 @!p0 $0x80  }
0x62: {  	[tilespmem:s31], [sflag:$0x6] =	stream.indirect.gather @!p0 [hbm4b:s4+s5], $0x80, s10, s5, $0xb8;
	[tilespmem:$0x1C400] =	vst v63  }
0x63: {  	p0 =	sge.u32 s0, s12  }
0x64: {  	s0 =	sadd.s32 @!p0 s30, s8  }
0x65: {  	s5 =	simm.s32 @!p0 $0x0;
	s0 =	sadd.s32 @!p0 $0x40, s0  }
0x66: {  	[tilespmem:s5], [sflag:$0x1] =	stream.linear.gather @!p0 [hbm4b:s0+s5], $0x80, $0x38;
	[tilespmem:$0x1C400] =	vst v63  }
0x67: {  	s0 =	sadd.s32 @!p0 s30, s9  }
0x68: {  	s10 =	simm.s32 @!p0 $0x200;
	s0 =	sadd.s32 @!p0 $0x40, s0  }
0x69: {  	[tilespmem:s10], [sflag:$0x1] =	stream.linear.gather @!p0 [hbm4b:s0+s5], $0x80, $0x38;
	[tilespmem:$0x1C400] =	vst v63  }
0x6a: {  	_ =	swait.ge [sflag:s22], $0x4000  }
0x6b: {  	[sflag:s22] =	ssyncset.done $0x0;
	s31 =	rddreg [dreg:$0x3]  }
0x6c: {  	s10 =	rddreg [dreg:$0x5];
	[sflag:s22] =	ssyncadd.s32 $0xFFFFC000;
	p0 =	sge.u32 s29, s31  }
0x6d: {  	[spmem:s2] =	stream.indirect.scatter.add.f32 [tilespmem:s21], [sflag:$0x7], $0x80, s10, s18, $0xb8;
	[tilespmem:$0x1C400] =	vst v63  }
0x6e: {  	s0 =	simm.s32 @!p0 $0x1  }
0x6f: {  	_ =	swait.ge @!p0 [sflag:s0], $0x80  }
0x70: {  	[sflag:s0] =	ssyncset.done @!p0 $0x0  }
0x71: {  	[sflag:s0] =	ssyncadd.s32 @!p0 $0xFFFFFF80  }
0x72: {  	_ =	swait.ge @!p0 [sflag:s0], $0x80  }
0x73: {  	[sflag:s0] =	ssyncset.done @!p0 $0x0  }
0x74: {  	[sflag:s0] =	ssyncadd.s32 @!p0 $0xFFFFFF80;
	s0 =	simm.s32 @!p0 $0x7  }
0x75: {  	_ =	swait.ge @!p0 [sflag:s0], $0x4000  }
0x76: {  	s5 =	simm.s32 @!p0 $0x0;
	[sflag:s0] =	ssyncset.done @!p0 $0x0  }
0x77: {  	s10 =	simm.s32 @!p0 $0x400;
	[sflag:s0] =	ssyncadd.s32 @!p0 $0xFFFFC000;
	s0 =	simm.s32 @!p0 $0x80  }
0x78: {  	[tilespmem:s10], [sflag:$0x5] =	stream.indirect.gather @!p0 [hbm4b:s4+s0], $0x80, s5, s0, $0xb8;
	[tilespmem:$0x1C400] =	vst v63  }
0x79: {  	p0 =	sge.u32 s1, s12  }
0x7a: {  	s0 =	sadd.s32 @!p0 s30, s8  }
0x7b: {  	s1 =	simm.s32 @!p0 $0x0;
	s5 =	simm.s32 @!p0 $0x80;
	s0 =	sadd.s32 @!p0 $0x50, s0  }
0x7c: {  	[tilespmem:s5], [sflag:$0x2] =	stream.linear.gather @!p0 [hbm4b:s0+s1], $0x80, $0x38;
	[tilespmem:$0x1C400] =	vst v63  }
0x7d: {  	s0 =	sadd.s32 @!p0 s30, s9  }
0x7e: {  	s5 =	simm.s32 @!p0 $0x280;
	s0 =	sadd.s32 @!p0 $0x50, s0  }
0x7f: {  	[tilespmem:s5], [sflag:$0x2] =	stream.linear.gather @!p0 [hbm4b:s0+s1], $0x80, $0x38;
	[tilespmem:$0x1C400] =	vst v63  }
0x80: {  	_ =	swait.ge [sflag:s23], $0x4000  }
0x81: {  	s30 =	sadd.s32 $0x40, s30;
	s31 =	rddreg [dreg:$0x4]  }
0x82: {  	p0 =	sne.s32 s31, s30  }
.Ltmp0:
0x83: {  	_ = 	snop;
	(pc) =	sbr.rel @p0 .LBB2_2-.Ltmp0, $4  }
0x84: {  	_ = 	snop  }
0x85: {  	[sflag:s23] =	ssyncset.done $0x0  }
0x86: {  	s29 =	sadd.s32 $0x4, s29;
	s10 =	rddreg [dreg:$0x6];
	[sflag:s23] =	ssyncadd.s32 $0xFFFFC000  }
0x87: {  	[spmem:s2] =	stream.indirect.scatter.add.f32 [tilespmem:s24], [sflag:$0x8], $0x80, s10, s18, $0xb8;
	[tilespmem:$0x1C400] =	vst v63  }
0x88: {  	_ =	swait.ge [sflag:s25], $0x4000  }
0x89: {  	[sflag:s25] =	ssyncset.done $0x0  }
0x8a: {  	[sflag:s25] =	ssyncadd.s32 $0xFFFFC000  }
0x8b: {  	_ =	swait.ge [sflag:s26], $0x4000  }
0x8c: {  	s28 =	sadd.s32 $0x1, s28;
	[sflag:s26] =	ssyncset.done $0x0  }
0x8d: {  	p0 =	sne.s32 s28, s14;
	[sflag:s26] =	ssyncadd.s32 $0xFFFFC000  }
.Ltmp1:
0x8e: {  	[bflag:$0x0] =	sbarrier.arrive $0xFFFF;
	(pc) =	sbr.rel @p0 .LBB2_1-.Ltmp1, $4  }
0x8f: {  	[hbm:s13], [sflag:s6] =	dma.local [spmem:s15], $0x2800  }
0x90: {  	_ =	swait.ge [sflag:s16], $0x2800  }
0x91: {  	[sflag:s16] =	ssyncset.done $0x0  }
0x92: {  	[sflag:s16] =	ssyncadd.s32 $0xFFFFD800  }
0x93: {  	_ =	sfence.sel $0x180000  }
0x94: {  	[bflag:$0x0] =	sbarrier.arrive $0xFFFF  }
0x95: {  	_ =	strace $0x90000047  }
0x96: {  	s0 =	stileid.u32;
	[bflag:$0x2] =	sbarrier.arrive $0xFFFF  }
0x97: {  	p0 =	sne.s32 s0, $0x0;
	s0 =	rddreg [dreg:$0x2]  }
0x98: {  	s0 =	sadd.s32 @!p0 $0x100000, s0  }
0x99: {  	[sflag:s0] =	ssyncadd.tile.s32 @!p0 $0x1;
	_ =	shalt  }
.Lfunc_end2:
_tile_overlayer_lowered:
.L_overlay_start_2:
0x9a: {  	(tag) =	ssettag $0x2  }
0x9b: {  	s0 =	rddreg [dreg:$0x0];
	s2 =	stileid.u32  }
0x9c: {  	s1 =	rddreg [dreg:$0x1];
	p0 =	sne.s32 s2, $0x0  }
0x9d: {  	s3 =	rddreg [dreg:$0x2];
	[bflag:$0x3] =	sbarrier.arrive $0xFFFF;
	s2 =	simm.s32 @!p0 $0x1C09  }
0x9e: {  	[timem:s3], [sflag:s2] =	dma.local @!p0 [hbm:s0], s1  }
0x9f: {  	s0 =	simm.s32 @!p0 $0x9  }
0xa0: {  	_ =	swait.ge @!p0 [sflag:s0], s1  }
0xa1: {  	s1 =	ssub.s32 @!p0 $0x0, s1;
	[sflag:s0] =	ssyncset.done @!p0 $0x0  }
0xa2: {  	[sflag:s0] =	ssyncadd.s32 @!p0 s1  }
0xa3: {  	[bflag:$0x3] =	sbarrier.arrive $0xFFFF  }
0xa4: {  	_ =	shalt  }

// kernel: kernel.15.cloned.1.call-start
scs
__scs_entry_jumppad:
0x0: {  	(pc) =	sbr.rel $0x88, $3  }
0x1: {  	(tag) =	ssettag $0x0;
	lr =	simm.s32 $0x1  }
0x2: {  	[smem:$0x3F96] =	sst lr;
	_ =	strace $0xD0000000  }
0x3: {  	_ = 	snop  }
0x4: {  	_ = 	snop  }
0x5: {  	_ = 	snop  }
0x6: {  	_ = 	snop  }
0x7: {  	_ = 	snop  }
__scs_overlays_trampoline_lowered:
0x8: {  	[smem:$0x3FA5] =	sst s0  }
0x9: {  	[smem:$0x3FA6] =	sst s1  }
0xa: {  	[smem:$0x3FA7] =	sst s2  }
0xb: {  	[smem:$0x3FA8] =	sst s3  }
0xc: {  	[smem:$0x3FA9] =	sst s4  }
0xd: {  	[smem:$0x3FAA] =	sst s5  }
0xe: {  	[smem:$0x3FAB] =	sst s6  }
0xf: {  	[smem:$0x3FAC] =	sst s7  }
0x10: {  	[smem:$0x3FAD] =	sst s8  }
0x11: {  	[smem:$0x3FAE] =	sst s9;
	s0 =	simm.s32 @!p0 $0x0  }
0x12: {  	s1 =	sld [smem:$0x3F94];
	s0 =	simm.s32 @p0 $0x1  }
0x13: {  	[smem:$0x3FAF] =	sst s0;
	s0 =	simm.s32 @!p1 $0x0  }
0x14: {  	s2 =	sld [smem:$0x3F93];
	s0 =	simm.s32 @p1 $0x1  }
0x15: {  	[smem:$0x3FB0] =	sst s0;
	s0 =	simm.s32 @!p2 $0x0  }
0x16: {  	s3 =	sld [smem:$0x3FDB];
	s0 =	simm.s32 @p2 $0x1  }
0x17: {  	s4 =	simm.s32 $0x1BF5;
	[smem:$0x3FB2] =	sst s0  }
0x18: {  	s0 =	sld [smem:$0x3F95];
	_ =	swait.ge [sflag:s4], $0x0  }
0x19: {  	s7 =	sld [smem:$0x3F96]  }
0x1a: {  	s8 =	sadd.s32 $0xFFFFE003, lr  }
0x1b: {  	s9 =	sadd.s32 $0xFFFFFEF7, lr;
	s5 =	simm.s32 $0xFFFFFFFF;
	p2 =	slt.u32 s8, $0xFFFFF086  }
0x1c: {  	p1 =	slt.u32 s9, $0xF7A;
	s5 =	simm.s32 @!p2 $0x0  }
0x1d: {  	s5 =	simm.s32 @p1 $0x1;
	p0 =	seq.s32 s7, s2  }
0x1e: {  	s7 =	smul.u32 @!p0 $0xF7A, s2;
	p2 =	seq.s32 @!p0 s5, $0x0  }
0x1f: {  	s9 =	smul.u32 $0xF7A, s1;
	s8 =	simm.s32 @!p0 $0x1BF5;
	p2 =	por !p2, p0  }
0x20: {  	[sflag:s8] =	ssyncset.s32 @!p0 $0xFFFFF086;
	s6 =	sadd.s32 @!p0 s3, s7;
	s7 =	simm.s32 @!p0 $0x108  }
0x21: {  	s3 =	sadd.s32 s3, s9;
	s6 =	sadd.s32 @!p0 $0x88, s6;
	s7 =	simm.s32 @p2 $0x1082  }
0x22: {  	[simem:s7], [sflag:s8] =	dma.local @!p0 [hbm:s6], $0xF7A  }
0x23: {  	s9 =	sor.u32 $0xD0000000, s2;
	s6 =	simm.s32 $0x108;
	_ =	swait.ge @!p0 [sflag:s8], $0x0  }
0x24: {  	s3 =	sadd.s32 $0x88, s3;
	s6 =	simm.s32 @!p1 $0x1082;
	[sflag:s4] =	ssyncset.s32 $0xFFFFF086  }
0x25: {  	[simem:s6], [sflag:s4] =	dma.local [hbm:s3], $0xF7A  }
0x26: {  	[smem:$0x3F96] =	sst s1;
	(tag) =	ssettag s2;
	_ =	strace s9  }
0x27: {  	s1 =	sld [smem:$0x3FA6]  }
0x28: {  	s2 =	sld [smem:$0x3FA7]  }
0x29: {  	s4 =	sld [smem:$0x3FA9]  }
0x2a: {  	p0 =	seq.s32 s5, $0x0;
	s5 =	sld [smem:$0x3FAA]  }
0x2b: {  	s6 =	sld [smem:$0x3FAB]  }
0x2c: {  	s7 =	sld [smem:$0x3FAC]  }
0x2d: {  	s3 =	simm.s32 $0x108;
	s8 =	sld [smem:$0x3FAD]  }
0x2e: {  	s3 =	simm.s32 @!p0 $0x1082;
	s9 =	sld [smem:$0x3FAE]  }
0x2f: {  	lr =	sadd.s32 s0, s3;
	s0 =	sld [smem:$0x3FA5]  }
0x30: {  	s3 =	sld [smem:$0x3FA8]  }
0x31: {  	[smem:$0x3FB1] =	sst s10  }
0x32: {  	s10 =	sld [smem:$0x3FAF];
	_ =	sdelay $0x3  }
0x33: {  	p0 =	seq.s32 s10, $0x1;
	s10 =	sld [smem:$0x3FB1];
	_ =	sdelay $0x3  }
0x34: {  	[smem:$0x3FB1] =	sst s10  }
0x35: {  	s10 =	sld [smem:$0x3FB0];
	_ =	sdelay $0x3  }
0x36: {  	p1 =	seq.s32 s10, $0x1;
	s10 =	sld [smem:$0x3FB1];
	_ =	sdelay $0x3  }
0x37: {  	[smem:$0x3FB1] =	sst s10  }
0x38: {  	s10 =	sld [smem:$0x3FB2]  }
0x39: {  	_ = 	snop;
	(pc) =	sbr.ind lr, $3  }
0x3a: {  	_ = 	snop  }
0x3b: {  	_ = 	snop  }
0x3c: {  	p2 =	seq.s32 s10, $0x1;
	s10 =	sld [smem:$0x3FB1]  }
0x3d: {  	_ =	shalt  }
0x3e: {  	_ =	shalt  }
0x3f: {  	_ =	shalt  }
0x40: {  	_ =	shalt  }
0x41: {  	_ =	shalt  }
0x42: {  	_ =	shalt  }
0x43: {  	_ =	shalt  }
0x44: {  	_ =	shalt  }
0x45: {  	_ =	shalt  }
0x46: {  	_ =	shalt  }
0x47: {  	_ =	shalt  }
0x48: {  	_ =	shalt  }
0x49: {  	_ =	shalt  }
0x4a: {  	_ =	shalt  }
0x4b: {  	_ =	shalt  }
0x4c: {  	_ =	shalt  }
0x4d: {  	_ =	shalt  }
0x4e: {  	_ =	shalt  }
0x4f: {  	_ =	shalt  }
0x50: {  	_ =	shalt  }
0x51: {  	_ =	shalt  }
0x52: {  	_ =	shalt  }
0x53: {  	_ =	shalt  }
0x54: {  	_ =	shalt  }
0x55: {  	_ =	shalt  }
0x56: {  	_ =	shalt  }
0x57: {  	_ =	shalt  }
0x58: {  	_ =	shalt  }
0x59: {  	_ =	shalt  }
0x5a: {  	_ =	shalt  }
0x5b: {  	_ =	shalt  }
0x5c: {  	_ =	shalt  }
0x5d: {  	_ =	shalt  }
0x5e: {  	_ =	shalt  }
0x5f: {  	_ =	shalt  }
0x60: {  	_ =	shalt  }
0x61: {  	_ =	shalt  }
0x62: {  	_ =	shalt  }
0x63: {  	_ =	shalt  }
0x64: {  	_ =	shalt  }
0x65: {  	_ =	shalt  }
0x66: {  	_ =	shalt  }
0x67: {  	_ =	shalt  }
0x68: {  	_ =	shalt  }
0x69: {  	_ =	shalt  }
0x6a: {  	_ =	shalt  }
0x6b: {  	_ =	shalt  }
0x6c: {  	_ =	shalt  }
0x6d: {  	_ =	shalt  }
0x6e: {  	_ =	shalt  }
0x6f: {  	_ =	shalt  }
0x70: {  	_ =	shalt  }
0x71: {  	_ =	shalt  }
0x72: {  	_ =	shalt  }
0x73: {  	_ =	shalt  }
0x74: {  	_ =	shalt  }
0x75: {  	_ =	shalt  }
0x76: {  	_ =	shalt  }
0x77: {  	_ =	shalt  }
0x78: {  	_ =	shalt  }
0x79: {  	_ =	shalt  }
0x7a: {  	_ =	shalt  }
0x7b: {  	_ =	shalt  }
0x7c: {  	_ =	shalt  }
0x7d: {  	_ =	shalt  }
0x7e: {  	_ =	shalt  }
0x7f: {  	_ =	shalt  }
0x80: {  	_ =	shalt  }
0x81: {  	_ =	shalt  }
0x82: {  	_ =	shalt  }
0x83: {  	_ =	shalt  }
0x84: {  	_ =	shalt  }
0x85: {  	_ =	shalt  }
0x86: {  	_ =	shalt  }
0x87: {  	_ =	shalt  }
.Lfunc_end0:
.L_simem_size_0:
called_computation.2_lowered:
.L_overlay_start_0:
0x88: {  	s2 =	sld [smem:$0x3FD9]  }
0x89: {  	s3 =	sld [smem:$0x3FFE];
	_ =	sdelay $0x1  }
0x8a: {  	s1 =	srdreg.scid  }
0x8b: {  	s0 =	sand.u32 $0x1, s1  }
0x8c: {  	s16 =	sshll.u32 s0, $0xA;
	s2 =	sadd.s32 s3, s2  }
0x8d: {  	s2 =	sadd.s32 s2, s16  }
0x8e: {  	[smem:$0x3FBD] =	sst s2  }
0x8f: {  	_ = 	snop  }
0x90: {  	(tm) =	ssettm $0x1  }
0x91: {  	s17 =	sld [smem:$0x3FFB];
	_ =	sdelay $0x3  }
0x92: {  	_ =	strace s17  }
0x93: {  	s2 =	sld [smem:$0x3FFC];
	_ =	sdelay $0x3  }
0x94: {  	_ =	strace s2  }
0x95: {  	s2 =	sld [smem:$0x3FFD];
	_ =	sdelay $0x3  }
0x96: {  	_ =	strace s2  }
0x97: {  	_ =	strace $0x8FFFFFFF  }
0x98: {  	s18 =	sld [smem:$0x3FDB];
	_ =	sdelay $0x1  }
0x99: {  	s19 =	simm.s32 $_scs_section_size  }
0x9a: {  	s4 =	simm.s32 $_size__tile_overlayer_lowered;
	s5 =	simm.s32 $_tile_overlayer_lowered  }
0x9b: {  	s22 =	simm.s32 $0x1BFF;
	s21 =	sshll.u32 s5, $0x1;
	s2 =	sadd.s32 s19, s18  }
0x9c: {  	s6 =	simm.s32 $0x0;
	s20 =	sshll.u32 s4, $0x1;
	s4 =	sadd.s32 s21, s2  }
0x9d: {  	[timem:s6], [sflag:s22] =	dma.local [hbm:s4], s20  }
0x9e: {  	_ =	swait.ge [sflag:s22], s20  }
0x9f: {  	s3 =	ssub.s32 $0x0, s20;
	[sflag:s22] =	ssyncset.done $0x0  }
0xa0: {  	[sflag:s22] =	ssyncadd.s32 s3;
	_ =	sdelay $0x1  }
0xa1: {  	s23 =	simm.s32 $0x1B8B  }
0xa2: {  	_ =	swait.ge [sflag:s23], $0x1  }
0xa3: {  	[sflag:s23] =	ssyncset.done $0x0  }
0xa4: {  	s25 =	simm.s32 $0x1B8E;
	s24 =	sld [smem:$0x3FFE];
	[sflag:s23] =	ssyncadd.s32 $0xFFFFFFFF  }
0xa5: {  	s26 =	simm.s32 $execute0_lowered;
	[smem:$0x3FD2] =	sst s25  }
0xa6: {  	s4 =	sshll.u32 s26, $0x1;
	_ =	strace $0x8000004C;
	[dreg:$0x1] =	wrdreg $0xFFFFFFFF  }
0xa7: {  	s28 =	simm.s32 $_size_execute0_lowered;
	s2 =	sadd.s32 s2, s4;
	[dreg:$0x0] =	wrdreg $0x0  }
0xa8: {  	s4 =	sshll.u32 s28, $0x1;
	[dreg:$0x2] =	wrdreg s2  }
0xa9: {  	[dreg:$0x3] =	wrdreg s4  }
0xaa: {  	[dreg:$0x4] =	wrdreg $0xC0  }
0xab: {  	_ =	task [dreg:s6], $0x5FFFF  }
0xac: {  	[dreg:$0x1] =	wrdreg $0xFFFFFFFF  }
0xad: {  	[dreg:$0x0] =	wrdreg $0x60  }
0xae: {  	[dreg:$0x2] =	wrdreg s24  }
0xaf: {  	[dreg:$0x3] =	wrdreg $0x84000  }
0xb0: {  	[dreg:$0x4] =	wrdreg $0x9  }
0xb1: {  	_ =	task.clear_ibuf [dreg:s6], $0x5FFFF;
	_ =	strace $0x9000004C  }
0xb2: {  	s29 =	simm.s32 $0x9;
	_ =	strace $0x8000004E  }
0xb3: {  	_ =	swait.ge [sflag:s29], $0x1  }
0xb4: {  	[sflag:s29] =	ssyncadd.s32 $0xFFFFFFFF  }
0xb5: {  	_ =	strace $0x9000004E  }
0xb6: {  	_ =	sfence  }
0xb7: {  	s30 =	sld [smem:$0x0];
	_ =	sdelay $0x2  }
0xb8: {  	s31 =	sshll.u32 s1, $0xD;
	s1 =	sshrl.u32 s1, $0x2  }
0xb9: {  	s3 =	sand.u32 $0x4000, s31;
	s1 =	sadd.s32 s1, s30  }
0xba: {  	s0 =	sor.u32 s3, s0;
	s1 =	sshll.u32 s1, $0x11  }
0xbb: {  	s0 =	sor.u32 s1, s0  }
0xbc: {  	s0 =	sadd.s32 $0x8F2B, s0  }
0xbd: {  	[sflag:s0] =	ssyncadd.remote.s32 $0x1  }
0xbe: {  	_ =	sfence.sel $0xFFFF  }
0xbf: {  	[dreg:$0x0] =	wrdreg $0xFFFFFFFF;
	(pc) =	sbr.abs _section_cstart, $3  }
0xc0: {  	[dreg:$0x1] =	wrdreg $0xFFFFFFFF  }
0xc1: {  	_ =	task.clear_ibuf [dreg:s6], $0x2FFFF;
	_ =	strace $0x9FFFFFFF  }
0xc2: {  	(tm) =	ssettm $0x7FFFFFFF  }
0xc3: {  	_ =	shalt  }
tec
execute0_lowered:
.L_overlay_start_1:
0x0: {  	(tag) =	ssettag $0x1  }
0x1: {  	s5 =	rddreg [dreg:$0x0]  }
0x2: {  	s2 =	rddreg [dreg:$0x1];
	s3 =	simm.s32 $0x0;
	s0 =	stileid.u32  }
0x3: {  	s4 =	srdreg.scid;
	s17 =	simm.s32 $0x200;
	s18 =	simm.s32 $0x80  }
0x4: {  	s19 =	simm.s32 $0x280;
	s20 =	simm.s32 $0x1;
	s21 =	simm.s32 $0x400  }
0x5: {  	s22 =	simm.s32 $0x5;
	s28 =	simm.s32 $0x0;
	[smem:$0x7FF] =	sst s3  }
0x6: {  	s6 =	smul.u32 $0x14000, s0;
	s7 =	sand.u32 $0x1, s4;
	s4 =	sadd.s32 $0x15C00, s5  }
0x7: {  	s10 =	sadd.s32 $0xBC00, s5;
	s11 =	sadd.s32 $0x1C00, s5;
	s12 =	smul.u32 $0x50000, s0  }
0x8: {  	s25 =	sshll.u32 s0, $0x6;
	s26 =	smul.u32 $0x30, s0;
	_ =	strace $0x8000004D  }
0x9: {  	s8 =	smul.u32 $0x140000, s7;
	s23 =	ssub.s32 $0x2, s7;
	p0 =	seq.s32 s7, $0x0  }
0xa: {  	s7 =	simm.s32 $0x70;
	s9 =	sshrl.u32 s6, $0x3;
	s13 =	sshrl.u32 s23, $0x1  }
0xb: {  	s24 =	sshrl.u32 s12, $0x2;
	s12 =	simm.s32 $0x700;
	s7 =	simm.s32 @!p0 $0x30  }
0xc: {  	s6 =	sadd.s32 s6, s8;
	s9 =	sadd.s32 s9, s5;
	s15 =	ssub.s32 s23, s13  }
0xd: {  	s16 =	sadd.s32 s24, s2;
	s8 =	sadd.s32 $0x700, s26;
	s12 =	simm.s32 @!p0 $0x300  }
0xe: {  	s31 =	sadd.s32 $0xFFFFFFFC, s7;
	s23 =	simm.s32 $0x300;
	s24 =	simm.s32 $0x4400  }
0xf: {  	s26 =	simm.s32 $0x8;
	s6 =	sshrl.u32 s6, $0x3;
	[dreg:$0x4] =	wrdreg s12  }
0x10: {  	s1 =	sadd.s32 $0x3CE00, s9;
	s9 =	smul.u32 $0x70, s0;
	[dreg:$0x3] =	wrdreg s31  }
0x11: {  	[dreg:$0x5] =	wrdreg s23;
	s23 =	simm.s32 $0x6;
	s14 =	sadd.s32 s6, s5  }
0x12: {  	[dreg:$0x7] =	wrdreg s1;
	s6 =	sor.u32 $0x1C09, s25;
	s25 =	simm.s32 $0x380  }
0x13: {  	s8 =	smov.u32 @p0 s9;
	s13 =	sadd.s32 $0x64E00, s14;
	s14 =	smax.u32 s15, $0x1  }
0x14: {  	s15 =	sshrl.u32 s16, $0x3;
	s16 =	simm.s32 $0x9;
	s29 =	sshll.u32 s8, $0x4  }
0x15: {  	[dreg:$0x6] =	wrdreg s25;
	s25 =	simm.s32 $0x7;
	s12 =	sor.u32 $0x10, s29  }
0x16: {  	s8 =	sadd.s32 s10, s29;
	s9 =	sadd.s32 s11, s29;
	s30 =	sadd.s32 s10, s12  }
0x17: {  	s11 =	sadd.s32 s11, s12;
	s12 =	sadd.s32 $0xFFFFFFFE, s7;
	[dreg:$0x8] =	wrdreg s30  }
.LBB2_1:
0x18: {  	s0 =	rddreg [dreg:$0x7]  }
0x19: {  	[spmem:s15], [sflag:s6] =	dma.local [hbm:s0], $0x2800  }
0x1a: {  	_ =	swait.ge [sflag:s16], $0x2800  }
0x1b: {  	[sflag:s16] =	ssyncset.done $0x0  }
0x1c: {  	[sflag:s16] =	ssyncadd.s32 $0xFFFFD800  }
0x1d: {  	[bflag:$0x0] =	sbarrier.arrive $0xFFFF  }
0x1e: {  	[tilespmem:s3], [sflag:$0x1] =	stream.linear.gather [hbm4b:s8+s3], $0x80, $0x38;
	[tilespmem:$0x1C400] =	vst v63  }
0x1f: {  	_ = 	snop  }
0x20: {  	[tilespmem:s17], [sflag:$0x1] =	stream.linear.gather [hbm4b:s9+s3], $0x80, $0x38;
	[tilespmem:$0x1C400] =	vst v63  }
0x21: {  	s31 =	rddreg [dreg:$0x8]  }
0x22: {  	[tilespmem:s18], [sflag:$0x2] =	stream.linear.gather [hbm4b:s31+s3], $0x80, $0x38;
	[tilespmem:$0x1C400] =	vst v63  }
0x23: {  	_ = 	snop  }
0x24: {  	[tilespmem:s19], [sflag:$0x2] =	stream.linear.gather [hbm4b:s11+s3], $0x80, $0x38;
	[tilespmem:$0x1C400] =	vst v63  }
0x25: {  	_ =	swait.ge [sflag:s20], $0x80  }
0x26: {  	[sflag:s20] =	ssyncset.done $0x0  }
0x27: {  	[sflag:s20] =	ssyncadd.s32 $0xFFFFFF80  }
0x28: {  	_ =	swait.ge [sflag:s20], $0x80  }
0x29: {  	[sflag:s20] =	ssyncset.done $0x0  }
0x2a: {  	s29 =	simm.s32 $0x0;
	s30 =	simm.s32 $0x0;
	[sflag:s20] =	ssyncadd.s32 $0xFFFFFF80  }
0x2b: {  	[tilespmem:s21], [sflag:$0x5] =	stream.indirect.gather [hbm4b:s4+s18], $0x80, s3, s18, $0xb8;
	[tilespmem:$0x1C400] =	vst v63  }
.LBB2_2:
0x2c: {  	s31 =	sadd.s32 $0x1, s29  }
0x2d: {  	p0 =	sge.u32 s31, s7  }
0x2e: {  	s0 =	simm.s32 @!p0 $0x2  }
0x2f: {  	_ =	swait.ge @!p0 [sflag:s0], $0x80  }
0x30: {  	[sflag:s0] =	ssyncset.done @!p0 $0x0  }
0x31: {  	[sflag:s0] =	ssyncadd.s32 @!p0 $0xFFFFFF80  }
0x32: {  	p1 =	seq.s32 @!p0 s30, $0x0;
	_ =	swait.ge @!p0 [sflag:s0], $0x80  }
0x33: {  	p1 =	por p1, p0;
	[sflag:s0] =	ssyncset.done @!p0 $0x0  }
0x34: {  	[sflag:s0] =	ssyncadd.s32 @!p0 $0xFFFFFF80;
	s0 =	simm.s32 @!p1 $0x8  }
0x35: {  	_ =	swait.ge @!p1 [sflag:s0], $0x4000  }
0x36: {  	[sflag:s0] =	ssyncset.done @!p1 $0x0  }
0x37: {  	s1 =	simm.s32 @!p0 $0x4400;
	[sflag:s0] =	ssyncadd.s32 @!p1 $0xFFFFC000;
	s0 =	simm.s32 @!p0 $0x80  }
0x38: {  	[tilespmem:s1], [sflag:$0x6] =	stream.indirect.gather @!p0 [hbm4b:s4+s0], $0x80, s0, s0, $0xb8;
	[tilespmem:$0x1C400] =	vst v63  }
0x39: {  	p0 =	sge.u32 s29, s12  }
0x3a: {  	s0 =	sadd.s32 @!p0 s30, s8  }
0x3b: {  	s1 =	simm.s32 @!p0 $0x0;
	s5 =	simm.s32 @!p0 $0x100;
	s0 =	sadd.s32 @!p0 $0x20, s0  }
0x3c: {  	[tilespmem:s5], [sflag:$0x3] =	stream.linear.gather @!p0 [hbm4b:s0+s1], $0x80, $0x38;
	[tilespmem:$0x1C400] =	vst v63  }
0x3d: {  	s0 =	sadd.s32 @!p0 s30, s9  }
0x3e: {  	s5 =	simm.s32 @!p0 $0x300;
	s0 =	sadd.s32 @!p0 $0x20, s0  }
0x3f: {  	[tilespmem:s5], [sflag:$0x3] =	stream.linear.gather @!p0 [hbm4b:s0+s1], $0x80, $0x38;
	[tilespmem:$0x1C400] =	vst v63  }
0x40: {  	s0 =	sadd.s32 $0x2, s29;
	_ =	swait.ge [sflag:s22], $0x4000  }
0x41: {  	p0 =	sge.u32 s0, s7;
	[sflag:s22] =	ssyncset.done $0x0  }
0x42: {  	s1 =	simm.s32 @!p0 $0x3;
	[sflag:s22] =	ssyncadd.s32 $0xFFFFC000  }
0x43: {  	[spmem:s2] =	stream.indirect.scatter.add.f32 [tilespmem:s21], [sflag:$0x7], $0x80, s17, s18, $0xb8;
	[tilespmem:$0x1C400] =	vst v63  }
0x44: {  	_ =	swait.ge @!p0 [sflag:s1], $0x80  }
0x45: {  	[sflag:s1] =	ssyncset.done @!p0 $0x0  }
0x46: {  	[sflag:s1] =	ssyncadd.s32 @!p0 $0xFFFFFF80  }
0x47: {  	_ =	swait.ge @!p0 [sflag:s1], $0x80  }
0x48: {  	[sflag:s1] =	ssyncset.done @!p0 $0x0  }
0x49: {  	[sflag:s1] =	ssyncadd.s32 @!p0 $0xFFFFFF80;
	s1 =	simm.s32 @!p0 $0x7  }
0x4a: {  	_ =	swait.ge @!p0 [sflag:s1], $0x4000  }
0x4b: {  	s5 =	simm.s32 @!p0 $0x100;
	[sflag:s1] =	ssyncset.done @!p0 $0x0  }
0x4c: {  	s10 =	simm.s32 @!p0 $0x400;
	[sflag:s1] =	ssyncadd.s32 @!p0 $0xFFFFC000;
	s1 =	simm.s32 @!p0 $0x80  }
0x4d: {  	[tilespmem:s10], [sflag:$0x5] =	stream.indirect.gather @!p0 [hbm4b:s4+s1], $0x80, s5, s1, $0xb8;
	[tilespmem:$0x1C400] =	vst v63  }
0x4e: {  	p0 =	sge.u32 s31, s12  }
0x4f: {  	s1 =	sadd.s32 @!p0 s30, s8  }
0x50: {  	s5 =	simm.s32 @!p0 $0x0;
	s10 =	simm.s32 @!p0 $0x180;
	s1 =	sadd.s32 @!p0 $0x30, s1  }
0x51: {  	[tilespmem:s10], [sflag:$0x4] =	stream.linear.gather @!p0 [hbm4b:s1+s5], $0x80, $0x38;
	[tilespmem:$0x1C400] =	vst v63  }
0x52: {  	s1 =	sadd.s32 @!p0 s30, s9  }
0x53: {  	s10 =	simm.s32 @!p0 $0x380;
	s1 =	sadd.s32 @!p0 $0x30, s1  }
0x54: {  	[tilespmem:s10], [sflag:$0x4] =	stream.linear.gather @!p0 [hbm4b:s1+s5], $0x80, $0x38;
	[tilespmem:$0x1C400] =	vst v63  }
0x55: {  	s1 =	sadd.s32 $0x3, s29;
	_ =	swait.ge [sflag:s23], $0x4000  }
0x56: {  	p0 =	sge.u32 s1, s7;
	[sflag:s23] =	ssyncset.done $0x0  }
0x57: {  	s5 =	simm.s32 @!p0 $0x4;
	[sflag:s23] =	ssyncadd.s32 $0xFFFFC000  }
0x58: {  	[spmem:s2] =	stream.indirect.scatter.add.f32 [tilespmem:s24], [sflag:$0x8], $0x80, s19, s18, $0xb8;
	[tilespmem:$0x1C400] =	vst v63  }
0x59: {  	_ =	swait.ge @!p0 [sflag:s5], $0x80  }
0x5a: {  	[sflag:s5] =	ssyncset.done @!p0 $0x0  }
0x5b: {  	[sflag:s5] =	ssyncadd.s32 @!p0 $0xFFFFFF80  }
0x5c: {  	_ =	swait.ge @!p0 [sflag:s5], $0x80  }
0x5d: {  	[sflag:s5] =	ssyncset.done @!p0 $0x0  }
0x5e: {  	[sflag:s5] =	ssyncadd.s32 @!p0 $0xFFFFFF80;
	s5 =	simm.s32 @!p0 $0x8  }
0x5f: {  	_ =	swait.ge @!p0 [sflag:s5], $0x4000  }
0x60: {  	s10 =	simm.s32 @!p0 $0x180;
	[sflag:s5] =	ssyncset.done @!p0 $0x0  }
0x61: {  	s31 =	simm.s32 @!p0 $0x4400;
	[sflag:s5] =	ssyncadd.s32 @!p0 $0xFFFFC000;
	s5 =	simm.s32 @!p0 $0x80  }
0x62: {  	[tilespmem:s31], [sflag:$0x6] =	stream.indirect.gather @!p0 [hbm4b:s4+s5], $0x80, s10, s5, $0xb8;
	[tilespmem:$0x1C400] =	vst v63  }
0x63: {  	p0 =	sge.u32 s0, s12  }
0x64: {  	s0 =	sadd.s32 @!p0 s30, s8  }
0x65: {  	s5 =	simm.s32 @!p0 $0x0;
	s0 =	sadd.s32 @!p0 $0x40, s0  }
0x66: {  	[tilespmem:s5], [sflag:$0x1] =	stream.linear.gather @!p0 [hbm4b:s0+s5], $0x80, $0x38;
	[tilespmem:$0x1C400] =	vst v63  }
0x67: {  	s0 =	sadd.s32 @!p0 s30, s9  }
0x68: {  	s10 =	simm.s32 @!p0 $0x200;
	s0 =	sadd.s32 @!p0 $0x40, s0  }
0x69: {  	[tilespmem:s10], [sflag:$0x1] =	stream.linear.gather @!p0 [hbm4b:s0+s5], $0x80, $0x38;
	[tilespmem:$0x1C400] =	vst v63  }
0x6a: {  	_ =	swait.ge [sflag:s22], $0x4000  }
0x6b: {  	[sflag:s22] =	ssyncset.done $0x0;
	s31 =	rddreg [dreg:$0x3]  }
0x6c: {  	s10 =	rddreg [dreg:$0x5];
	[sflag:s22] =	ssyncadd.s32 $0xFFFFC000;
	p0 =	sge.u32 s29, s31  }
0x6d: {  	[spmem:s2] =	stream.indirect.scatter.add.f32 [tilespmem:s21], [sflag:$0x7], $0x80, s10, s18, $0xb8;
	[tilespmem:$0x1C400] =	vst v63  }
0x6e: {  	s0 =	simm.s32 @!p0 $0x1  }
0x6f: {  	_ =	swait.ge @!p0 [sflag:s0], $0x80  }
0x70: {  	[sflag:s0] =	ssyncset.done @!p0 $0x0  }
0x71: {  	[sflag:s0] =	ssyncadd.s32 @!p0 $0xFFFFFF80  }
0x72: {  	_ =	swait.ge @!p0 [sflag:s0], $0x80  }
0x73: {  	[sflag:s0] =	ssyncset.done @!p0 $0x0  }
0x74: {  	[sflag:s0] =	ssyncadd.s32 @!p0 $0xFFFFFF80;
	s0 =	simm.s32 @!p0 $0x7  }
0x75: {  	_ =	swait.ge @!p0 [sflag:s0], $0x4000  }
0x76: {  	s5 =	simm.s32 @!p0 $0x0;
	[sflag:s0] =	ssyncset.done @!p0 $0x0  }
0x77: {  	s10 =	simm.s32 @!p0 $0x400;
	[sflag:s0] =	ssyncadd.s32 @!p0 $0xFFFFC000;
	s0 =	simm.s32 @!p0 $0x80  }
0x78: {  	[tilespmem:s10], [sflag:$0x5] =	stream.indirect.gather @!p0 [hbm4b:s4+s0], $0x80, s5, s0, $0xb8;
	[tilespmem:$0x1C400] =	vst v63  }
0x79: {  	p0 =	sge.u32 s1, s12  }
0x7a: {  	s0 =	sadd.s32 @!p0 s30, s8  }
0x7b: {  	s1 =	simm.s32 @!p0 $0x0;
	s5 =	simm.s32 @!p0 $0x80;
	s0 =	sadd.s32 @!p0 $0x50, s0  }
0x7c: {  	[tilespmem:s5], [sflag:$0x2] =	stream.linear.gather @!p0 [hbm4b:s0+s1], $0x80, $0x38;
	[tilespmem:$0x1C400] =	vst v63  }
0x7d: {  	s0 =	sadd.s32 @!p0 s30, s9  }
0x7e: {  	s5 =	simm.s32 @!p0 $0x280;
	s0 =	sadd.s32 @!p0 $0x50, s0  }
0x7f: {  	[tilespmem:s5], [sflag:$0x2] =	stream.linear.gather @!p0 [hbm4b:s0+s1], $0x80, $0x38;
	[tilespmem:$0x1C400] =	vst v63  }
0x80: {  	_ =	swait.ge [sflag:s23], $0x4000  }
0x81: {  	s30 =	sadd.s32 $0x40, s30;
	s31 =	rddreg [dreg:$0x4]  }
0x82: {  	p0 =	sne.s32 s31, s30  }
.Ltmp0:
0x83: {  	_ = 	snop;
	(pc) =	sbr.rel @p0 .LBB2_2-.Ltmp0, $4  }
0x84: {  	_ = 	snop  }
0x85: {  	[sflag:s23] =	ssyncset.done $0x0  }
0x86: {  	s29 =	sadd.s32 $0x4, s29;
	s10 =	rddreg [dreg:$0x6];
	[sflag:s23] =	ssyncadd.s32 $0xFFFFC000  }
0x87: {  	[spmem:s2] =	stream.indirect.scatter.add.f32 [tilespmem:s24], [sflag:$0x8], $0x80, s10, s18, $0xb8;
	[tilespmem:$0x1C400] =	vst v63  }
0x88: {  	_ =	swait.ge [sflag:s25], $0x4000  }
0x89: {  	[sflag:s25] =	ssyncset.done $0x0  }
0x8a: {  	[sflag:s25] =	ssyncadd.s32 $0xFFFFC000  }
0x8b: {  	_ =	swait.ge [sflag:s26], $0x4000  }
0x8c: {  	s28 =	sadd.s32 $0x1, s28;
	[sflag:s26] =	ssyncset.done $0x0  }
0x8d: {  	p0 =	sne.s32 s28, s14;
	[sflag:s26] =	ssyncadd.s32 $0xFFFFC000  }
.Ltmp1:
0x8e: {  	[bflag:$0x0] =	sbarrier.arrive $0xFFFF;
	(pc) =	sbr.rel @p0 .LBB2_1-.Ltmp1, $4  }
0x8f: {  	[hbm:s13], [sflag:s6] =	dma.local [spmem:s15], $0x2800  }
0x90: {  	_ =	swait.ge [sflag:s16], $0x2800  }
0x91: {  	[sflag:s16] =	ssyncset.done $0x0  }
0x92: {  	[sflag:s16] =	ssyncadd.s32 $0xFFFFD800  }
0x93: {  	_ =	sfence.sel $0x180000  }
0x94: {  	[bflag:$0x0] =	sbarrier.arrive $0xFFFF  }
0x95: {  	_ =	strace $0x9000004D  }
0x96: {  	s0 =	stileid.u32;
	[bflag:$0x2] =	sbarrier.arrive $0xFFFF  }
0x97: {  	p0 =	sne.s32 s0, $0x0;
	s0 =	rddreg [dreg:$0x2]  }
0x98: {  	s0 =	sadd.s32 @!p0 $0x100000, s0  }
0x99: {  	[sflag:s0] =	ssyncadd.tile.s32 @!p0 $0x1;
	_ =	shalt  }
.Lfunc_end2:
_tile_overlayer_lowered:
.L_overlay_start_2:
0x9a: {  	(tag) =	ssettag $0x2  }
0x9b: {  	s0 =	rddreg [dreg:$0x0];
	s2 =	stileid.u32  }
0x9c: {  	s1 =	rddreg [dreg:$0x1];
	p0 =	sne.s32 s2, $0x0  }
0x9d: {  	s3 =	rddreg [dreg:$0x2];
	[bflag:$0x3] =	sbarrier.arrive $0xFFFF;
	s2 =	simm.s32 @!p0 $0x1C09  }
0x9e: {  	[timem:s3], [sflag:s2] =	dma.local @!p0 [hbm:s0], s1  }
0x9f: {  	s0 =	simm.s32 @!p0 $0x9  }
0xa0: {  	_ =	swait.ge @!p0 [sflag:s0], s1  }
0xa1: {  	s1 =	ssub.s32 @!p0 $0x0, s1;
	[sflag:s0] =	ssyncset.done @!p0 $0x0  }
0xa2: {  	[sflag:s0] =	ssyncadd.s32 @!p0 s1  }
0xa3: {  	[bflag:$0x3] =	sbarrier.arrive $0xFFFF  }
0xa4: {  	_ =	shalt  }

// kernel: kernel.18.cloned.1.call-start
scs
__scs_entry_jumppad:
0x0: {  	(pc) =	sbr.rel $0x88, $3  }
0x1: {  	(tag) =	ssettag $0x0;
	lr =	simm.s32 $0x1  }
0x2: {  	[smem:$0x3F96] =	sst lr;
	_ =	strace $0xD0000000  }
0x3: {  	_ = 	snop  }
0x4: {  	_ = 	snop  }
0x5: {  	_ = 	snop  }
0x6: {  	_ = 	snop  }
0x7: {  	_ = 	snop  }
__scs_overlays_trampoline_lowered:
0x8: {  	[smem:$0x3FA5] =	sst s0  }
0x9: {  	[smem:$0x3FA6] =	sst s1  }
0xa: {  	[smem:$0x3FA7] =	sst s2  }
0xb: {  	[smem:$0x3FA8] =	sst s3  }
0xc: {  	[smem:$0x3FA9] =	sst s4  }
0xd: {  	[smem:$0x3FAA] =	sst s5  }
0xe: {  	[smem:$0x3FAB] =	sst s6  }
0xf: {  	[smem:$0x3FAC] =	sst s7  }
0x10: {  	[smem:$0x3FAD] =	sst s8  }
0x11: {  	[smem:$0x3FAE] =	sst s9;
	s0 =	simm.s32 @!p0 $0x0  }
0x12: {  	s1 =	sld [smem:$0x3F94];
	s0 =	simm.s32 @p0 $0x1  }
0x13: {  	[smem:$0x3FAF] =	sst s0;
	s0 =	simm.s32 @!p1 $0x0  }
0x14: {  	s2 =	sld [smem:$0x3F93];
	s0 =	simm.s32 @p1 $0x1  }
0x15: {  	[smem:$0x3FB0] =	sst s0;
	s0 =	simm.s32 @!p2 $0x0  }
0x16: {  	s3 =	sld [smem:$0x3FDB];
	s0 =	simm.s32 @p2 $0x1  }
0x17: {  	s4 =	simm.s32 $0x1BF5;
	[smem:$0x3FB2] =	sst s0  }
0x18: {  	s0 =	sld [smem:$0x3F95];
	_ =	swait.ge [sflag:s4], $0x0  }
0x19: {  	s7 =	sld [smem:$0x3F96]  }
0x1a: {  	s8 =	sadd.s32 $0xFFFFE003, lr  }
0x1b: {  	s9 =	sadd.s32 $0xFFFFFEF7, lr;
	s5 =	simm.s32 $0xFFFFFFFF;
	p2 =	slt.u32 s8, $0xFFFFF086  }
0x1c: {  	p1 =	slt.u32 s9, $0xF7A;
	s5 =	simm.s32 @!p2 $0x0  }
0x1d: {  	s5 =	simm.s32 @p1 $0x1;
	p0 =	seq.s32 s7, s2  }
0x1e: {  	s7 =	smul.u32 @!p0 $0xF7A, s2;
	p2 =	seq.s32 @!p0 s5, $0x0  }
0x1f: {  	s9 =	smul.u32 $0xF7A, s1;
	s8 =	simm.s32 @!p0 $0x1BF5;
	p2 =	por !p2, p0  }
0x20: {  	[sflag:s8] =	ssyncset.s32 @!p0 $0xFFFFF086;
	s6 =	sadd.s32 @!p0 s3, s7;
	s7 =	simm.s32 @!p0 $0x108  }
0x21: {  	s3 =	sadd.s32 s3, s9;
	s6 =	sadd.s32 @!p0 $0x88, s6;
	s7 =	simm.s32 @p2 $0x1082  }
0x22: {  	[simem:s7], [sflag:s8] =	dma.local @!p0 [hbm:s6], $0xF7A  }
0x23: {  	s9 =	sor.u32 $0xD0000000, s2;
	s6 =	simm.s32 $0x108;
	_ =	swait.ge @!p0 [sflag:s8], $0x0  }
0x24: {  	s3 =	sadd.s32 $0x88, s3;
	s6 =	simm.s32 @!p1 $0x1082;
	[sflag:s4] =	ssyncset.s32 $0xFFFFF086  }
0x25: {  	[simem:s6], [sflag:s4] =	dma.local [hbm:s3], $0xF7A  }
0x26: {  	[smem:$0x3F96] =	sst s1;
	(tag) =	ssettag s2;
	_ =	strace s9  }
0x27: {  	s1 =	sld [smem:$0x3FA6]  }
0x28: {  	s2 =	sld [smem:$0x3FA7]  }
0x29: {  	s4 =	sld [smem:$0x3FA9]  }
0x2a: {  	p0 =	seq.s32 s5, $0x0;
	s5 =	sld [smem:$0x3FAA]  }
0x2b: {  	s6 =	sld [smem:$0x3FAB]  }
0x2c: {  	s7 =	sld [smem:$0x3FAC]  }
0x2d: {  	s3 =	simm.s32 $0x108;
	s8 =	sld [smem:$0x3FAD]  }
0x2e: {  	s3 =	simm.s32 @!p0 $0x1082;
	s9 =	sld [smem:$0x3FAE]  }
0x2f: {  	lr =	sadd.s32 s0, s3;
	s0 =	sld [smem:$0x3FA5]  }
0x30: {  	s3 =	sld [smem:$0x3FA8]  }
0x31: {  	[smem:$0x3FB1] =	sst s10  }
0x32: {  	s10 =	sld [smem:$0x3FAF];
	_ =	sdelay $0x3  }
0x33: {  	p0 =	seq.s32 s10, $0x1;
	s10 =	sld [smem:$0x3FB1];
	_ =	sdelay $0x3  }
0x34: {  	[smem:$0x3FB1] =	sst s10  }
0x35: {  	s10 =	sld [smem:$0x3FB0];
	_ =	sdelay $0x3  }
0x36: {  	p1 =	seq.s32 s10, $0x1;
	s10 =	sld [smem:$0x3FB1];
	_ =	sdelay $0x3  }
0x37: {  	[smem:$0x3FB1] =	sst s10  }
0x38: {  	s10 =	sld [smem:$0x3FB2]  }
0x39: {  	_ = 	snop;
	(pc) =	sbr.ind lr, $3  }
0x3a: {  	_ = 	snop  }
0x3b: {  	_ = 	snop  }
0x3c: {  	p2 =	seq.s32 s10, $0x1;
	s10 =	sld [smem:$0x3FB1]  }
0x3d: {  	_ =	shalt  }
0x3e: {  	_ =	shalt  }
0x3f: {  	_ =	shalt  }
0x40: {  	_ =	shalt  }
0x41: {  	_ =	shalt  }
0x42: {  	_ =	shalt  }
0x43: {  	_ =	shalt  }
0x44: {  	_ =	shalt  }
0x45: {  	_ =	shalt  }
0x46: {  	_ =	shalt  }
0x47: {  	_ =	shalt  }
0x48: {  	_ =	shalt  }
0x49: {  	_ =	shalt  }
0x4a: {  	_ =	shalt  }
0x4b: {  	_ =	shalt  }
0x4c: {  	_ =	shalt  }
0x4d: {  	_ =	shalt  }
0x4e: {  	_ =	shalt  }
0x4f: {  	_ =	shalt  }
0x50: {  	_ =	shalt  }
0x51: {  	_ =	shalt  }
0x52: {  	_ =	shalt  }
0x53: {  	_ =	shalt  }
0x54: {  	_ =	shalt  }
0x55: {  	_ =	shalt  }
0x56: {  	_ =	shalt  }
0x57: {  	_ =	shalt  }
0x58: {  	_ =	shalt  }
0x59: {  	_ =	shalt  }
0x5a: {  	_ =	shalt  }
0x5b: {  	_ =	shalt  }
0x5c: {  	_ =	shalt  }
0x5d: {  	_ =	shalt  }
0x5e: {  	_ =	shalt  }
0x5f: {  	_ =	shalt  }
0x60: {  	_ =	shalt  }
0x61: {  	_ =	shalt  }
0x62: {  	_ =	shalt  }
0x63: {  	_ =	shalt  }
0x64: {  	_ =	shalt  }
0x65: {  	_ =	shalt  }
0x66: {  	_ =	shalt  }
0x67: {  	_ =	shalt  }
0x68: {  	_ =	shalt  }
0x69: {  	_ =	shalt  }
0x6a: {  	_ =	shalt  }
0x6b: {  	_ =	shalt  }
0x6c: {  	_ =	shalt  }
0x6d: {  	_ =	shalt  }
0x6e: {  	_ =	shalt  }
0x6f: {  	_ =	shalt  }
0x70: {  	_ =	shalt  }
0x71: {  	_ =	shalt  }
0x72: {  	_ =	shalt  }
0x73: {  	_ =	shalt  }
0x74: {  	_ =	shalt  }
0x75: {  	_ =	shalt  }
0x76: {  	_ =	shalt  }
0x77: {  	_ =	shalt  }
0x78: {  	_ =	shalt  }
0x79: {  	_ =	shalt  }
0x7a: {  	_ =	shalt  }
0x7b: {  	_ =	shalt  }
0x7c: {  	_ =	shalt  }
0x7d: {  	_ =	shalt  }
0x7e: {  	_ =	shalt  }
0x7f: {  	_ =	shalt  }
0x80: {  	_ =	shalt  }
0x81: {  	_ =	shalt  }
0x82: {  	_ =	shalt  }
0x83: {  	_ =	shalt  }
0x84: {  	_ =	shalt  }
0x85: {  	_ =	shalt  }
0x86: {  	_ =	shalt  }
0x87: {  	_ =	shalt  }
.Lfunc_end0:
.L_simem_size_0:
called_computation.3_lowered:
.L_overlay_start_0:
0x88: {  	s2 =	sld [smem:$0x3FD9]  }
0x89: {  	s3 =	sld [smem:$0x3FFE];
	_ =	sdelay $0x1  }
0x8a: {  	s1 =	srdreg.scid  }
0x8b: {  	s0 =	sand.u32 $0x1, s1  }
0x8c: {  	s16 =	sshll.u32 s0, $0xA;
	s2 =	sadd.s32 s3, s2  }
0x8d: {  	s2 =	sadd.s32 s2, s16  }
0x8e: {  	[smem:$0x3FBD] =	sst s2  }
0x8f: {  	_ = 	snop  }
0x90: {  	(tm) =	ssettm $0x1  }
0x91: {  	s17 =	sld [smem:$0x3FFB];
	_ =	sdelay $0x3  }
0x92: {  	_ =	strace s17  }
0x93: {  	s2 =	sld [smem:$0x3FFC];
	_ =	sdelay $0x3  }
0x94: {  	_ =	strace s2  }
0x95: {  	s2 =	sld [smem:$0x3FFD];
	_ =	sdelay $0x3  }
0x96: {  	_ =	strace s2  }
0x97: {  	_ =	strace $0x8FFFFFFF  }
0x98: {  	s18 =	sld [smem:$0x3FDB];
	_ =	sdelay $0x1  }
0x99: {  	s19 =	simm.s32 $_scs_section_size  }
0x9a: {  	s4 =	simm.s32 $_size__tile_overlayer_lowered;
	s5 =	simm.s32 $_tile_overlayer_lowered  }
0x9b: {  	s22 =	simm.s32 $0x1BFF;
	s21 =	sshll.u32 s5, $0x1;
	s2 =	sadd.s32 s19, s18  }
0x9c: {  	s6 =	simm.s32 $0x0;
	s20 =	sshll.u32 s4, $0x1;
	s4 =	sadd.s32 s21, s2  }
0x9d: {  	[timem:s6], [sflag:s22] =	dma.local [hbm:s4], s20  }
0x9e: {  	_ =	swait.ge [sflag:s22], s20  }
0x9f: {  	s3 =	ssub.s32 $0x0, s20;
	[sflag:s22] =	ssyncset.done $0x0  }
0xa0: {  	[sflag:s22] =	ssyncadd.s32 s3;
	_ =	sdelay $0x1  }
0xa1: {  	s23 =	simm.s32 $0x1B8B  }
0xa2: {  	_ =	swait.ge [sflag:s23], $0x1  }
0xa3: {  	[sflag:s23] =	ssyncset.done $0x0  }
0xa4: {  	s25 =	simm.s32 $0x1B8E;
	s24 =	sld [smem:$0x3FFE];
	[sflag:s23] =	ssyncadd.s32 $0xFFFFFFFF  }
0xa5: {  	s26 =	simm.s32 $execute0_lowered;
	[smem:$0x3FD2] =	sst s25  }
0xa6: {  	s4 =	sshll.u32 s26, $0x1;
	_ =	strace $0x8000004F;
	[dreg:$0x1] =	wrdreg $0xFFFFFFFF  }
0xa7: {  	s28 =	simm.s32 $_size_execute0_lowered;
	s2 =	sadd.s32 s2, s4;
	[dreg:$0x0] =	wrdreg $0x0  }
0xa8: {  	s4 =	sshll.u32 s28, $0x1;
	[dreg:$0x2] =	wrdreg s2  }
0xa9: {  	[dreg:$0x3] =	wrdreg s4  }
0xaa: {  	[dreg:$0x4] =	wrdreg $0xC0  }
0xab: {  	_ =	task [dreg:s6], $0x5FFFF  }
0xac: {  	[dreg:$0x1] =	wrdreg $0xFFFFFFFF  }
0xad: {  	[dreg:$0x0] =	wrdreg $0x60  }
0xae: {  	[dreg:$0x2] =	wrdreg s24  }
0xaf: {  	[dreg:$0x3] =	wrdreg $0xA7000  }
0xb0: {  	[dreg:$0x4] =	wrdreg $0x9  }
0xb1: {  	_ =	task.clear_ibuf [dreg:s6], $0x5FFFF;
	_ =	strace $0x9000004F  }
0xb2: {  	s29 =	simm.s32 $0x9;
	_ =	strace $0x80000051  }
0xb3: {  	_ =	swait.ge [sflag:s29], $0x1  }
0xb4: {  	[sflag:s29] =	ssyncadd.s32 $0xFFFFFFFF  }
0xb5: {  	_ =	strace $0x90000051  }
0xb6: {  	_ =	sfence  }
0xb7: {  	s30 =	sld [smem:$0x0];
	_ =	sdelay $0x2  }
0xb8: {  	s31 =	sshll.u32 s1, $0xD;
	s1 =	sshrl.u32 s1, $0x2  }
0xb9: {  	s3 =	sand.u32 $0x4000, s31;
	s1 =	sadd.s32 s1, s30  }
0xba: {  	s0 =	sor.u32 s3, s0;
	s1 =	sshll.u32 s1, $0x11  }
0xbb: {  	s0 =	sor.u32 s1, s0  }
0xbc: {  	s0 =	sadd.s32 $0x8F2B, s0  }
0xbd: {  	[sflag:s0] =	ssyncadd.remote.s32 $0x1  }
0xbe: {  	_ =	sfence.sel $0xFFFF  }
0xbf: {  	[dreg:$0x0] =	wrdreg $0xFFFFFFFF;
	(pc) =	sbr.abs _section_cstart, $3  }
0xc0: {  	[dreg:$0x1] =	wrdreg $0xFFFFFFFF  }
0xc1: {  	_ =	task.clear_ibuf [dreg:s6], $0x2FFFF;
	_ =	strace $0x9FFFFFFF  }
0xc2: {  	(tm) =	ssettm $0x7FFFFFFF  }
0xc3: {  	_ =	shalt  }
tec
execute0_lowered:
.L_overlay_start_1:
0x0: {  	(tag) =	ssettag $0x1  }
0x1: {  	s4 =	rddreg [dreg:$0x0]  }
0x2: {  	s1 =	rddreg [dreg:$0x1]  }
0x3: {  	s2 =	srdreg.scid;
	s0 =	rddreg [dreg:$0x2];
	s3 =	simm.s32 $0x0  }
0x4: {  	s13 =	simm.s32 $0x80;
	s14 =	simm.s32 $0x1A00;
	s15 =	simm.s32 $0x5A00  }
0x5: {  	s16 =	simm.s32 $0x1;
	s17 =	simm.s32 $0x2;
	s18 =	simm.s32 $0x9A00  }
0x6: {  	s19 =	simm.s32 $0x0;
	s5 =	sand.u32 $0x1, s2;
	s2 =	stileid.u32  }
0x7: {  	[smem:$0x7FF] =	sst s3;
	s6 =	sshll.u32 s5, $0x4;
	s7 =	smul.u32 $0x2800, s2  }
0x8: {  	_ =	strace $0x80000050;
	s5 =	ssub.s32 $0x2, s5;
	s9 =	smul.u32 $0x50000, s2  }
0x9: {  	s30 =	sshll.u32 s2, $0x6;
	s6 =	sor.u32 s2, s6;
	s8 =	sshrl.u32 s5, $0x1  }
0xa: {  	s6 =	smul.u32 $0x1A0, s6;
	s7 =	sadd.s32 s7, s4;
	s31 =	sshrl.u32 s9, $0x2  }
0xb: {  	s11 =	ssub.s32 s5, s8;
	s5 =	sor.u32 $0x1C03, s30;
	s12 =	sadd.s32 s31, s1  }
0xc: {  	s9 =	smax.u32 s11, $0x1;
	s10 =	sadd.s32 s6, s4;
	s4 =	sadd.s32 $0x1C00, s7  }
0xd: {  	s11 =	simm.s32 $0x3;
	s6 =	sadd.s32 $0x104E00, s10;
	s7 =	sadd.s32 $0x108200, s10  }
0xe: {  	v0 =	vlaneseq.u32;
	s8 =	sadd.s32 $0x29C00, s10;
	s10 =	sshrl.u32 s12, $0x3;
	s12 =	simm.s32 $0xD00  }
.LBB2_1:
0xf: {  	[spmem:s10], [sflag:s5] =	dma.local [hbm:s4], $0x2800  }
0x10: {  	_ =	swait.ge [sflag:s11], $0x2800  }
0x11: {  	[sflag:s11] =	ssyncset.done $0x0  }
0x12: {  	[sflag:s11] =	ssyncadd.s32 $0xFFFFD800  }
0x13: {  	[tilespmem:s3], [sflag:$0x3] =	stream.linear.gather [hbm4b:s6+s3], $0xD00, $0x38;
	[tilespmem:$0x1E700] =	vst v63  }
0x14: {  	_ =	swait.ge [sflag:s11], $0xD00  }
0x15: {  	[sflag:s11] =	ssyncset.done $0x0  }
0x16: {  	[sflag:s11] =	ssyncadd.s32 $0xFFFFF300  }
0x17: {  	[tilespmem:s12], [sflag:$0x3] =	stream.linear.gather [hbm4b:s7+s3], $0xD00, $0x38;
	[tilespmem:$0x1E700] =	vst v63  }
0x18: {  	_ =	swait.ge [sflag:s11], $0xD00  }
0x19: {  	[sflag:s11] =	ssyncset.done $0x0  }
0x1a: {  	[sflag:s11] =	ssyncadd.s32 $0xFFFFF300  }
0x1b: {  	s20 =	simm.s32 $0x0;
	[bflag:$0x0] =	sbarrier.arrive $0xFFFF  }
.LBB2_2:
0x1c: {  	s21 =	sshll.u32 s20, $0x7  }
0x1d: {  	[tilespmem:s14], [sflag:$0x1] =	stream.indirect.gather [spmem:s1], $0x80, s21, s13, $0xb8;
	[tilespmem:$0x1E700] =	vst v63  }
0x1e: {  	s22 =	sadd.s32 $0xD00, s21  }
0x1f: {  	[tilespmem:s15], [sflag:$0x2] =	stream.indirect.gather [spmem:s1], $0x80, s22, s13, $0xb8;
	[tilespmem:$0x1E700] =	vst v63  }
0x20: {  	_ =	swait.ge [sflag:s16], $0x4000  }
0x21: {  	[sflag:s16] =	ssyncset.done $0x0  }
0x22: {  	[sflag:s16] =	ssyncadd.s32 $0xFFFFC000  }
0x23: {  	s23 =	simm.s32 $0x5A40;
	s21 =	sand.u32 $0x3FFFFF80, s21;
	_ =	swait.ge [sflag:s17], $0x4000  }
0x24: {  	s24 =	sadd.s32 $0x9A00, s21;
	s21 =	simm.s32 $0x0;
	[sflag:s17] =	ssyncset.done $0x0  }
0x25: {  	s22 =	simm.s32 $0x1A40;
	v1 =	vmov s24;
	s24 =	simm.s32 $0x0;
	[sflag:s17] =	ssyncadd.s32 $0xFFFFC000  }
.LBB2_3:
0x26: {  	v2 =	vld [tilespmem:s22+$0xFFFFFFC0]  }
0x27: {  	v3 =	vld [tilespmem:s23+$0xFFFFFFC0]  }
0x28: {  	v4 =	vld [tilespmem:s22+$0xFFFFFFD0]  }
0x29: {  	v5 =	vld [tilespmem:s23+$0xFFFFFFD0]  }
0x2a: {  	v6 =	vld [tilespmem:s22+$0xFFFFFFE0]  }
0x2b: {  	v7 =	vld [tilespmem:s23+$0xFFFFFFE0]  }
0x2c: {  	v8 =	vld [tilespmem:s22+$0xFFFFFFF0]  }
0x2d: {  	v9 =	vld [tilespmem:s23+$0xFFFFFFF0]  }
0x2e: {  	v2 =	vmul.f32 v3, v2;
	v3 =	vmul.f32 v5, v4;
	v4 =	vld [tilespmem:s22+$0x0]  }
0x2f: {  	v5 =	vld [tilespmem:s23+$0x0]  }
0x30: {  	v2 =	vadd.f32 v3, v2;
	v3 =	vmul.f32 v7, v6;
	v6 =	vld [tilespmem:s22+$0x10]  }
0x31: {  	v7 =	vld [tilespmem:s23+$0x10]  }
0x32: {  	v2 =	vadd.f32 v3, v2;
	v3 =	vmul.f32 v9, v8;
	v8 =	vld [tilespmem:s22+$0x20]  }
0x33: {  	v9 =	vld [tilespmem:s23+$0x20]  }
0x34: {  	v2 =	vadd.f32 v3, v2;
	v3 =	vmul.f32 v5, v4;
	v4 =	vld [tilespmem:s22+$0x30]  }
0x35: {  	s25 =	sadd.s32 $0x80, s22;
	v5 =	vld [tilespmem:s23+$0x30]  }
0x36: {  	s26 =	sadd.s32 $0x80, s23;
	v10 =	vld [tilespmem:s25+$0xFFFFFFC0];
	v2 =	vadd.f32 v3, v2;
	v3 =	vmul.f32 v7, v6  }
0x37: {  	v6 =	vld [tilespmem:s26+$0xFFFFFFC0]  }
0x38: {  	v7 =	vld [tilespmem:s25+$0xFFFFFFD0];
	v2 =	vadd.f32 v3, v2;
	v3 =	vmul.f32 v9, v8  }
0x39: {  	v8 =	vld [tilespmem:s26+$0xFFFFFFD0]  }
0x3a: {  	v9 =	vld [tilespmem:s25+$0xFFFFFFE0];
	v2 =	vadd.f32 v3, v2;
	v3 =	vmul.f32 v5, v4  }
0x3b: {  	v4 =	vld [tilespmem:s26+$0xFFFFFFE0]  }
0x3c: {  	v5 =	vld [tilespmem:s25+$0xFFFFFFF0];
	v2 =	vadd.f32 v3, v2  }
0x3d: {  	v3 =	vld [tilespmem:s26+$0xFFFFFFF0]  }
0x3e: {  	v6 =	vmul.f32 v6, v10;
	v7 =	vmul.f32 v8, v7;
	v8 =	vld [tilespmem:s25+$0x0];
	(xrf2) =	vadd.scan.msk.f32 $0xffff, v2  }
0x3f: {  	v2 =	vld [tilespmem:s26+$0x0]  }
0x40: {  	v6 =	vadd.f32 v7, v6;
	v4 =	vmul.f32 v4, v9;
	v7 =	vld [tilespmem:s25+$0x10]  }
0x41: {  	v9 =	vld [tilespmem:s26+$0x10]  }
0x42: {  	v11 =	vld [tilespmem:s26+$0x20];
	v4 =	vadd.f32 v4, v6;
	v3 =	vmul.f32 v3, v5  }
0x43: {  	v6 =	vld [tilespmem:s25+$0x20]  }
0x44: {  	v10 =	vadd.f32 v3, v4;
	v2 =	vmul.f32 v2, v8;
	v3 =	vld [tilespmem:s25+$0x30]  }
0x45: {  	s29 =	sadd.s32 $0x80, s26;
	v4 =	vld [tilespmem:s26+$0x30]  }
0x46: {  	s28 =	sadd.s32 $0x80, s25;
	v12 =	vld [tilespmem:s29+$0xFFFFFFD0];
	v7 =	vmul.f32 v9, v7;
	v8 =	vadd.f32 v2, v10  }
0x47: {  	v5 =	vld [tilespmem:s28+$0xFFFFFFC0]  }
0x48: {  	v9 =	vld [tilespmem:s29+$0xFFFFFFC0];
	v11 =	vmul.f32 v11, v6;
	v7 =	vadd.f32 v7, v8;
	v13, _, _ =	vpop (xrf2)  }
0x49: {  	s30 =	simm.s32 $0x3;
	s26 =	simm.s32 $0x1;
	s25 =	simm.s32 $0x2;
	v2 =	vimm.f32 $0.0e+00;
	v10 =	vld [tilespmem:s28+$0xFFFFFFD0];
	v8 =	vmov s21;
	v6 =	vbroadcast v13, $0xF  }
.LBB2_4:
0x4a: {  	p0 =	sne.s32 s30, $0xF;
	v13 =	vld [tilespmem:s28+$0xFFFFFFE0];
	v7 =	vadd.f32 v11, v7;
	v3 =	vmul.f32 v4, v3;
	vm0 =	veq.s32 v8, v0  }
0x4b: {  	v4 =	vld [tilespmem:s29+$0xFFFFFFE0];
	v2 =	vsel vm0, v6, v2  }
0x4c: {  	v6 =	vld [tilespmem:s28+$0xFFFFFFF0];
	v3 =	vadd.f32 v3, v7  }
0x4d: {  	v7 =	vld [tilespmem:s29+$0xFFFFFFF0]  }
0x4e: {  	v5 =	vmul.f32 v9, v5;
	v8 =	vmul.f32 v12, v10;
	v9 =	vld [tilespmem:s28+$0x0];
	(xrf2) =	vadd.scan.msk.f32 $0xffff, v3  }
0x4f: {  	v3 =	vld [tilespmem:s29+$0x0]  }
0x50: {  	v5 =	vadd.f32 v8, v5;
	v4 =	vmul.f32 v4, v13;
	v8 =	vld [tilespmem:s28+$0x10]  }
0x51: {  	v10 =	vld [tilespmem:s29+$0x10]  }
0x52: {  	v4 =	vadd.f32 v4, v5;
	v5 =	vmul.f32 v7, v6;
	v6 =	vld [tilespmem:s28+$0x20]  }
0x53: {  	v11 =	vld [tilespmem:s29+$0x20]  }
0x54: {  	v7 =	vadd.f32 v5, v4;
	v9 =	vmul.f32 v3, v9;
	v3 =	vld [tilespmem:s28+$0x30]  }
.Ltmp0:
0x55: {  	s28 =	sadd.s32 $0x80, s28;
	v4 =	vld [tilespmem:s29+$0x30];
	(pc) =	sbr.rel @p0 .LBB2_4-.Ltmp0, $4  }
0x56: {  	s29 =	sadd.s32 $0x80, s29;
	v5 =	vld [tilespmem:s28+$0xFFFFFFC0];
	v7 =	vadd.f32 v9, v7;
	v8 =	vmul.f32 v10, v8  }
0x57: {  	v9 =	vld [tilespmem:s29+$0xFFFFFFC0]  }
0x58: {  	v10 =	vld [tilespmem:s28+$0xFFFFFFD0];
	v7 =	vadd.f32 v8, v7;
	v11 =	vmul.f32 v11, v6;
	v6, _, _ =	vpop (xrf2)  }
0x59: {  	v8 =	vmov s26;
	s26 =	smov.u32 s25;
	s25 =	smov.u32 s30;
	s30 =	sadd.s32 $0x1, s30;
	v12 =	vld [tilespmem:s29+$0xFFFFFFD0];
	v6 =	vbroadcast v6, $0xF  }
0x5a: {  	v13 =	vld [tilespmem:s28+$0xFFFFFFE0]  }
0x5b: {  	v14 =	vld [tilespmem:s29+$0xFFFFFFE0]  }
0x5c: {  	v15 =	vld [tilespmem:s28+$0xFFFFFFF0]  }
0x5d: {  	v16 =	vld [tilespmem:s29+$0xFFFFFFF0]  }
0x5e: {  	v46 =	vld [tilespmem:s28+$0x0];
	v5 =	vmul.f32 v9, v5;
	v45 =	vmul.f32 v12, v10  }
0x5f: {  	v47 =	vld [tilespmem:s29+$0x0]  }
0x60: {  	v49 =	vld [tilespmem:s28+$0x10];
	v48 =	vmul.f32 v14, v13;
	v5 =	vadd.f32 v45, v5  }
0x61: {  	v50 =	vld [tilespmem:s29+$0x10]  }
0x62: {  	v52 =	vld [tilespmem:s28+$0x20];
	v51 =	vmul.f32 v16, v15;
	v5 =	vadd.f32 v48, v5  }
0x63: {  	v53 =	vld [tilespmem:s29+$0x20]  }
0x64: {  	v55 =	vld [tilespmem:s28+$0x30];
	v54 =	vmul.f32 v47, v46;
	v5 =	vadd.f32 v51, v5  }
0x65: {  	v56 =	vld [tilespmem:s29+$0x30]  }
0x66: {  	v57 =	vmul.f32 v50, v49;
	v5 =	vadd.f32 v54, v5;
	_ =	sdelay $0x1  }
0x67: {  	v58 =	vmul.f32 v53, v52;
	v5 =	vadd.f32 v57, v5  }
0x68: {  	v7 =	vadd.f32 v11, v7;
	v3 =	vmul.f32 v4, v3  }
0x69: {  	v60 =	vmul.f32 v56, v55;
	v59 =	vadd.f32 v58, v5  }
0x6a: {  	v3 =	vadd.f32 v3, v7  }
0x6b: {  	v4 =	vadd.f32 v60, v59  }
0x6c: {  	(xrf2) =	vadd.scan.msk.f32 $0xffff, v3  }
0x6d: {  	(xrf2) =	vadd.scan.msk.f32 $0xffff, v4;
	_ =	sdelay $0x7  }
0x6e: {  	s31 =	sshll.u32 s24, $0x4;
	s24 =	sadd.s32 $0x1, s24  }
0x6f: {  	vm0 =	veq.s32 v8, v0;
	p0 =	sne.s32 s24, $0x8;
	v3, _, _ =	vpop (xrf2)  }
.Ltmp1:
0x70: {  	v61 =	vmov s26;
	v63 =	vmov s25;
	v3 =	vbroadcast v3, $0xF;
	v62, _, _ =	vpop (xrf2);
	(pc) =	sbr.rel @p0 .LBB2_3-.Ltmp1, $4  }
0x71: {  	v2 =	vsel vm0, v6, v2;
	vm14 =	veq.s32 v61, v0;
	v5 =	vbroadcast v62, $0xF  }
0x72: {  	vm15 =	veq.s32 v63, v0;
	v2 =	vsel vm14, v3, v2  }
0x73: {  	s25 =	sand.u32 $0x3FFFFFF0, s31;
	v2 =	vsel vm15, v5, v2  }
0x74: {  	s22 =	sadd.s32 $0x800, s22;
	s23 =	sadd.s32 $0x800, s23;
	[tilespmem:v1+s25+$0x0 ss:$0x1] =	vst.idx.msk $0xffff, v2  }
0x75: {  	s20 =	sadd.s32 $0x1, s20  }
0x76: {  	p0 =	sne.s32 s20, $0x1A  }
.Ltmp2:
0x77: {  	_ = 	snop;
	(pc) =	sbr.rel @p0 .LBB2_2-.Ltmp2, $1  }
0x78: {  	_ =	sdelay $0x3  }
0x79: {  	s19 =	sadd.s32 $0x1, s19  }
0x7a: {  	p0 =	sne.s32 s19, s9  }
.Ltmp3:
0x7b: {  	_ = 	snop;
	(pc) =	sbr.rel @p0 .LBB2_1-.Ltmp3, $4  }
0x7c: {  	[hbm4b:s8+s3] =	stream.linear.scatter [tilespmem:s18], [sflag:$0x3], $0xD00, $0x38;
	[tilespmem:$0x1E700] =	vst v63  }
0x7d: {  	_ =	swait.ge [sflag:s11], $0xD00  }
0x7e: {  	[sflag:s11] =	ssyncset.done $0x0  }
0x7f: {  	[sflag:s11] =	ssyncadd.s32 $0xFFFFF300  }
0x80: {  	_ =	sfence.sel $0x180000  }
0x81: {  	[bflag:$0x0] =	sbarrier.arrive $0xFFFF  }
0x82: {  	p0 =	sne.s32 s2, $0x0;
	_ =	strace $0x90000050  }
0x83: {  	s0 =	sadd.s32 @!p0 $0x100000, s0;
	[bflag:$0x2] =	sbarrier.arrive $0xFFFF  }
0x84: {  	[sflag:s0] =	ssyncadd.tile.s32 @!p0 $0x1;
	_ =	shalt  }
.Lfunc_end2:
_tile_overlayer_lowered:
.L_overlay_start_2:
0x85: {  	(tag) =	ssettag $0x2  }
0x86: {  	s0 =	rddreg [dreg:$0x0];
	s2 =	stileid.u32  }
0x87: {  	s1 =	rddreg [dreg:$0x1];
	p0 =	sne.s32 s2, $0x0  }
0x88: {  	s3 =	rddreg [dreg:$0x2];
	[bflag:$0x3] =	sbarrier.arrive $0xFFFF;
	s2 =	simm.s32 @!p0 $0x1C03  }
0x89: {  	[timem:s3], [sflag:s2] =	dma.local @!p0 [hbm:s0], s1  }
0x8a: {  	s0 =	simm.s32 @!p0 $0x3  }
0x8b: {  	_ =	swait.ge @!p0 [sflag:s0], s1  }
0x8c: {  	s1 =	ssub.s32 @!p0 $0x0, s1;
	[sflag:s0] =	ssyncset.done @!p0 $0x0  }
0x8d: {  	[sflag:s0] =	ssyncadd.s32 @!p0 s1  }
0x8e: {  	[bflag:$0x3] =	sbarrier.arrive $0xFFFF  }
0x8f: {  	_ =	shalt  }

// kernel: kernel.9.cloned.1.call-start
scs
__scs_entry_jumppad:
0x0: {  	(pc) =	sbr.rel $0x88, $3  }
0x1: {  	(tag) =	ssettag $0x0;
	lr =	simm.s32 $0x1  }
0x2: {  	[smem:$0x3F96] =	sst lr;
	_ =	strace $0xD0000000  }
0x3: {  	_ = 	snop  }
0x4: {  	_ = 	snop  }
0x5: {  	_ = 	snop  }
0x6: {  	_ = 	snop  }
0x7: {  	_ = 	snop  }
__scs_overlays_trampoline_lowered:
0x8: {  	[smem:$0x3FA5] =	sst s0  }
0x9: {  	[smem:$0x3FA6] =	sst s1  }
0xa: {  	[smem:$0x3FA7] =	sst s2  }
0xb: {  	[smem:$0x3FA8] =	sst s3  }
0xc: {  	[smem:$0x3FA9] =	sst s4  }
0xd: {  	[smem:$0x3FAA] =	sst s5  }
0xe: {  	[smem:$0x3FAB] =	sst s6  }
0xf: {  	[smem:$0x3FAC] =	sst s7  }
0x10: {  	[smem:$0x3FAD] =	sst s8  }
0x11: {  	[smem:$0x3FAE] =	sst s9;
	s0 =	simm.s32 @!p0 $0x0  }
0x12: {  	s1 =	sld [smem:$0x3F94];
	s0 =	simm.s32 @p0 $0x1  }
0x13: {  	[smem:$0x3FAF] =	sst s0;
	s0 =	simm.s32 @!p1 $0x0  }
0x14: {  	s2 =	sld [smem:$0x3F93];
	s0 =	simm.s32 @p1 $0x1  }
0x15: {  	[smem:$0x3FB0] =	sst s0;
	s0 =	simm.s32 @!p2 $0x0  }
0x16: {  	s3 =	sld [smem:$0x3FDB];
	s0 =	simm.s32 @p2 $0x1  }
0x17: {  	s4 =	simm.s32 $0x1BF5;
	[smem:$0x3FB2] =	sst s0  }
0x18: {  	s0 =	sld [smem:$0x3F95];
	_ =	swait.ge [sflag:s4], $0x0  }
0x19: {  	s7 =	sld [smem:$0x3F96]  }
0x1a: {  	s8 =	sadd.s32 $0xFFFFE003, lr  }
0x1b: {  	s9 =	sadd.s32 $0xFFFFFEF7, lr;
	s5 =	simm.s32 $0xFFFFFFFF;
	p2 =	slt.u32 s8, $0xFFFFF086  }
0x1c: {  	p1 =	slt.u32 s9, $0xF7A;
	s5 =	simm.s32 @!p2 $0x0  }
0x1d: {  	s5 =	simm.s32 @p1 $0x1;
	p0 =	seq.s32 s7, s2  }
0x1e: {  	s7 =	smul.u32 @!p0 $0xF7A, s2;
	p2 =	seq.s32 @!p0 s5, $0x0  }
0x1f: {  	s9 =	smul.u32 $0xF7A, s1;
	s8 =	simm.s32 @!p0 $0x1BF5;
	p2 =	por !p2, p0  }
0x20: {  	[sflag:s8] =	ssyncset.s32 @!p0 $0xFFFFF086;
	s6 =	sadd.s32 @!p0 s3, s7;
	s7 =	simm.s32 @!p0 $0x108  }
0x21: {  	s3 =	sadd.s32 s3, s9;
	s6 =	sadd.s32 @!p0 $0x88, s6;
	s7 =	simm.s32 @p2 $0x1082  }
0x22: {  	[simem:s7], [sflag:s8] =	dma.local @!p0 [hbm:s6], $0xF7A  }
0x23: {  	s9 =	sor.u32 $0xD0000000, s2;
	s6 =	simm.s32 $0x108;
	_ =	swait.ge @!p0 [sflag:s8], $0x0  }
0x24: {  	s3 =	sadd.s32 $0x88, s3;
	s6 =	simm.s32 @!p1 $0x1082;
	[sflag:s4] =	ssyncset.s32 $0xFFFFF086  }
0x25: {  	[simem:s6], [sflag:s4] =	dma.local [hbm:s3], $0xF7A  }
0x26: {  	[smem:$0x3F96] =	sst s1;
	(tag) =	ssettag s2;
	_ =	strace s9  }
0x27: {  	s1 =	sld [smem:$0x3FA6]  }
0x28: {  	s2 =	sld [smem:$0x3FA7]  }
0x29: {  	s4 =	sld [smem:$0x3FA9]  }
0x2a: {  	p0 =	seq.s32 s5, $0x0;
	s5 =	sld [smem:$0x3FAA]  }
0x2b: {  	s6 =	sld [smem:$0x3FAB]  }
0x2c: {  	s7 =	sld [smem:$0x3FAC]  }
0x2d: {  	s3 =	simm.s32 $0x108;
	s8 =	sld [smem:$0x3FAD]  }
0x2e: {  	s3 =	simm.s32 @!p0 $0x1082;
	s9 =	sld [smem:$0x3FAE]  }
0x2f: {  	lr =	sadd.s32 s0, s3;
	s0 =	sld [smem:$0x3FA5]  }
0x30: {  	s3 =	sld [smem:$0x3FA8]  }
0x31: {  	[smem:$0x3FB1] =	sst s10  }
0x32: {  	s10 =	sld [smem:$0x3FAF];
	_ =	sdelay $0x3  }
0x33: {  	p0 =	seq.s32 s10, $0x1;
	s10 =	sld [smem:$0x3FB1];
	_ =	sdelay $0x3  }
0x34: {  	[smem:$0x3FB1] =	sst s10  }
0x35: {  	s10 =	sld [smem:$0x3FB0];
	_ =	sdelay $0x3  }
0x36: {  	p1 =	seq.s32 s10, $0x1;
	s10 =	sld [smem:$0x3FB1];
	_ =	sdelay $0x3  }
0x37: {  	[smem:$0x3FB1] =	sst s10  }
0x38: {  	s10 =	sld [smem:$0x3FB2]  }
0x39: {  	_ = 	snop;
	(pc) =	sbr.ind lr, $3  }
0x3a: {  	_ = 	snop  }
0x3b: {  	_ = 	snop  }
0x3c: {  	p2 =	seq.s32 s10, $0x1;
	s10 =	sld [smem:$0x3FB1]  }
0x3d: {  	_ =	shalt  }
0x3e: {  	_ =	shalt  }
0x3f: {  	_ =	shalt  }
0x40: {  	_ =	shalt  }
0x41: {  	_ =	shalt  }
0x42: {  	_ =	shalt  }
0x43: {  	_ =	shalt  }
0x44: {  	_ =	shalt  }
0x45: {  	_ =	shalt  }
0x46: {  	_ =	shalt  }
0x47: {  	_ =	shalt  }
0x48: {  	_ =	shalt  }
0x49: {  	_ =	shalt  }
0x4a: {  	_ =	shalt  }
0x4b: {  	_ =	shalt  }
0x4c: {  	_ =	shalt  }
0x4d: {  	_ =	shalt  }
0x4e: {  	_ =	shalt  }
0x4f: {  	_ =	shalt  }
0x50: {  	_ =	shalt  }
0x51: {  	_ =	shalt  }
0x52: {  	_ =	shalt  }
0x53: {  	_ =	shalt  }
0x54: {  	_ =	shalt  }
0x55: {  	_ =	shalt  }
0x56: {  	_ =	shalt  }
0x57: {  	_ =	shalt  }
0x58: {  	_ =	shalt  }
0x59: {  	_ =	shalt  }
0x5a: {  	_ =	shalt  }
0x5b: {  	_ =	shalt  }
0x5c: {  	_ =	shalt  }
0x5d: {  	_ =	shalt  }
0x5e: {  	_ =	shalt  }
0x5f: {  	_ =	shalt  }
0x60: {  	_ =	shalt  }
0x61: {  	_ =	shalt  }
0x62: {  	_ =	shalt  }
0x63: {  	_ =	shalt  }
0x64: {  	_ =	shalt  }
0x65: {  	_ =	shalt  }
0x66: {  	_ =	shalt  }
0x67: {  	_ =	shalt  }
0x68: {  	_ =	shalt  }
0x69: {  	_ =	shalt  }
0x6a: {  	_ =	shalt  }
0x6b: {  	_ =	shalt  }
0x6c: {  	_ =	shalt  }
0x6d: {  	_ =	shalt  }
0x6e: {  	_ =	shalt  }
0x6f: {  	_ =	shalt  }
0x70: {  	_ =	shalt  }
0x71: {  	_ =	shalt  }
0x72: {  	_ =	shalt  }
0x73: {  	_ =	shalt  }
0x74: {  	_ =	shalt  }
0x75: {  	_ =	shalt  }
0x76: {  	_ =	shalt  }
0x77: {  	_ =	shalt  }
0x78: {  	_ =	shalt  }
0x79: {  	_ =	shalt  }
0x7a: {  	_ =	shalt  }
0x7b: {  	_ =	shalt  }
0x7c: {  	_ =	shalt  }
0x7d: {  	_ =	shalt  }
0x7e: {  	_ =	shalt  }
0x7f: {  	_ =	shalt  }
0x80: {  	_ =	shalt  }
0x81: {  	_ =	shalt  }
0x82: {  	_ =	shalt  }
0x83: {  	_ =	shalt  }
0x84: {  	_ =	shalt  }
0x85: {  	_ =	shalt  }
0x86: {  	_ =	shalt  }
0x87: {  	_ =	shalt  }
.Lfunc_end0:
.L_simem_size_0:
called_computation_lowered:
.L_overlay_start_0:
0x88: {  	s2 =	sld [smem:$0x3FD9]  }
0x89: {  	s3 =	sld [smem:$0x3FFE];
	_ =	sdelay $0x1  }
0x8a: {  	s1 =	srdreg.scid  }
0x8b: {  	s0 =	sand.u32 $0x1, s1  }
0x8c: {  	s17 =	sshll.u32 s0, $0xA;
	s2 =	sadd.s32 s3, s2  }
0x8d: {  	s2 =	sadd.s32 s2, s17  }
0x8e: {  	[smem:$0x3FBD] =	sst s2  }
0x8f: {  	_ = 	snop  }
0x90: {  	(tm) =	ssettm $0x1  }
0x91: {  	s18 =	sld [smem:$0x3FFB];
	_ =	sdelay $0x3  }
0x92: {  	_ =	strace s18  }
0x93: {  	s2 =	sld [smem:$0x3FFC];
	_ =	sdelay $0x3  }
0x94: {  	_ =	strace s2  }
0x95: {  	s2 =	sld [smem:$0x3FFD];
	_ =	sdelay $0x3  }
0x96: {  	_ =	strace s2  }
0x97: {  	_ =	strace $0x8FFFFFFF  }
0x98: {  	s19 =	sld [smem:$0x3FDB];
	_ =	sdelay $0x1  }
0x99: {  	s20 =	simm.s32 $_scs_section_size  }
0x9a: {  	s4 =	simm.s32 $_size__tile_overlayer_lowered;
	s5 =	simm.s32 $_tile_overlayer_lowered  }
0x9b: {  	s6 =	simm.s32 $0x1BFF;
	s21 =	sshll.u32 s5, $0x1;
	s3 =	sadd.s32 s20, s19  }
0x9c: {  	s22 =	simm.s32 $0x0;
	s4 =	sshll.u32 s4, $0x1;
	s5 =	sadd.s32 s21, s3  }
0x9d: {  	[timem:s22], [sflag:s6] =	dma.local [hbm:s5], s4  }
0x9e: {  	_ =	swait.ge [sflag:s6], s4  }
0x9f: {  	s4 =	ssub.s32 $0x0, s4;
	[sflag:s6] =	ssyncset.done $0x0  }
0xa0: {  	[sflag:s6] =	ssyncadd.s32 s4;
	_ =	sdelay $0x1  }
0xa1: {  	s23 =	simm.s32 $0x1B8B  }
0xa2: {  	_ =	swait.ge [sflag:s23], $0x1  }
0xa3: {  	[sflag:s23] =	ssyncset.done $0x0  }
0xa4: {  	[sflag:s23] =	ssyncadd.s32 $0xFFFFFFFF  }
0xa5: {  	s4 =	sld [smem:$0x0]  }
0xa6: {  	s5 =	sand.u32 $0xFFFFFFFE, s1  }
0xa7: {  	p0 =	sne.s32 s1, s5  }
0xa8: {  	s5 =	sshll.u32 @p0 s5, $0xE  }
0xa9: {  	s5 =	sadd.s32 @p0 $0x11B8D, s5;
	s6 =	sshll.u32 @p0 s4, $0x11  }
0xaa: {  	s5 =	sor.u32 @p0 s6, s5  }
0xab: {  	[sflag:s5] =	ssyncadd.remote.s32 @p0 $0x1;
	_ =	sdelay $0x1  }
0xac: {  	s5 =	simm.s32 @p0 $0x1B8D  }
0xad: {  	_ =	swait.eq @p0 [sflag:s5], $0x1  }
0xae: {  	[sflag:s5] =	ssyncadd.s32 @p0 $0xFFFFFFFF  }
0xaf: {  	s6 =	sshll.u32 @!p0 s1, $0xE  }
0xb0: {  	s6 =	sor.u32 @!p0 $0x4000, s6;
	s5 =	simm.s32 @!p0 $0x1B8D  }
0xb1: {  	s4 =	sshll.u32 @!p0 s4, $0x11;
	s6 =	sadd.s32 @!p0 $0x11B8D, s6;
	_ =	swait.eq @!p0 [sflag:s5], $0x1  }
0xb2: {  	s4 =	sor.u32 @!p0 s4, s6;
	[sflag:s5] =	ssyncadd.s32 @!p0 $0xFFFFFFFF  }
0xb3: {  	s25 =	simm.s32 $0x1B8E;
	s24 =	sld [smem:$0x3FFE];
	[sflag:s4] =	ssyncadd.remote.s32 @!p0 $0x1  }
0xb4: {  	s26 =	simm.s32 $execute0_lowered;
	[smem:$0x3FD2] =	sst s25  }
0xb5: {  	s5 =	sshll.u32 s26, $0x1;
	_ =	strace $0x80000049;
	[dreg:$0x1] =	wrdreg $0xFFFFFFFF  }
0xb6: {  	s28 =	simm.s32 $_size_execute0_lowered;
	s3 =	sadd.s32 s3, s5;
	[dreg:$0x0] =	wrdreg $0x0  }
0xb7: {  	s5 =	sshll.u32 s28, $0x1;
	[dreg:$0x2] =	wrdreg s3  }
0xb8: {  	[dreg:$0x3] =	wrdreg s5  }
0xb9: {  	[dreg:$0x4] =	wrdreg $0xC0  }
0xba: {  	_ =	task [dreg:s22], $0x5FFFF  }
0xbb: {  	[dreg:$0x1] =	wrdreg $0xFFFFFFFF  }
0xbc: {  	[dreg:$0x0] =	wrdreg $0x60  }
0xbd: {  	[dreg:$0x2] =	wrdreg s24  }
0xbe: {  	[dreg:$0x3] =	wrdreg $0x40800  }
0xbf: {  	[dreg:$0x4] =	wrdreg $0x9  }
0xc0: {  	_ =	task.clear_ibuf [dreg:s22], $0x5FFFF;
	_ =	strace $0x90000049  }
0xc1: {  	s29 =	simm.s32 $0x9;
	_ =	strace $0x8000004B  }
0xc2: {  	_ =	swait.ge [sflag:s29], $0x1  }
0xc3: {  	[sflag:s29] =	ssyncadd.s32 $0xFFFFFFFF  }
0xc4: {  	_ =	strace $0x9000004B  }
0xc5: {  	_ =	sfence  }
0xc6: {  	s30 =	sld [smem:$0x0];
	_ =	sdelay $0x2  }
0xc7: {  	s31 =	sshll.u32 s1, $0xD;
	s1 =	sshrl.u32 s1, $0x2  }
0xc8: {  	s4 =	sand.u32 $0x4000, s31;
	s1 =	sadd.s32 s1, s30  }
0xc9: {  	s0 =	sor.u32 s4, s0;
	s1 =	sshll.u32 s1, $0x11  }
0xca: {  	s0 =	sor.u32 s1, s0  }
0xcb: {  	s0 =	sadd.s32 $0x8F2B, s0  }
0xcc: {  	[sflag:s0] =	ssyncadd.remote.s32 $0x1  }
0xcd: {  	_ =	sfence.sel $0xFFFF  }
0xce: {  	[dreg:$0x0] =	wrdreg $0xFFFFFFFF;
	(pc) =	sbr.abs _section_cstart, $3  }
0xcf: {  	[dreg:$0x1] =	wrdreg $0xFFFFFFFF  }
0xd0: {  	_ =	task.clear_ibuf [dreg:s22], $0x2FFFF;
	_ =	strace $0x9FFFFFFF  }
0xd1: {  	(tm) =	ssettm $0x7FFFFFFF  }
tec
execute0_lowered:
.L_overlay_start_1:
0x0: {  	(tag) =	ssettag $0x1  }
0x1: {  	s4 =	rddreg [dreg:$0x0];
	s1 =	stileid.u32  }
0x2: {  	s0 =	srdreg.scid;
	s7 =	smul.u32 $0x14000, s1  }
0x3: {  	s2 =	rddreg [dreg:$0x1];
	s26 =	smul.u32 $0x50000, s1  }
0x4: {  	s3 =	simm.s32 $0x0;
	s5 =	sand.u32 $0x1, s0;
	s30 =	smul.u32 $0x500, s1  }
0x5: {  	s12 =	simm.s32 $0x0;
	s0 =	rddreg [dreg:$0x2];
	s6 =	smul.u32 $0x5000, s5  }
0x6: {  	[smem:$0x7FF] =	sst s3;
	s31 =	sshll.u32 s1, $0x6;
	s8 =	smul.u32 $0x140000, s5  }
0x7: {  	_ =	strace $0x8000004A;
	s5 =	ssub.s32 $0x2, s5;
	s25 =	sshrl.u32 s7, $0x3  }
0x8: {  	s28 =	sshrl.u32 s5, $0x1;
	s29 =	sshrl.u32 s26, $0x2;
	s9 =	sadd.s32 s6, s4  }
0x9: {  	s7 =	sadd.s32 s7, s8;
	s6 =	sadd.s32 s25, s4;
	s10 =	ssub.s32 s5, s28  }
0xa: {  	s11 =	sadd.s32 s29, s2;
	s5 =	sor.u32 $0x1C01, s31;
	s7 =	sshrl.u32 s7, $0x3  }
0xb: {  	s8 =	sadd.s32 s30, s9;
	s9 =	sshrl.u32 s11, $0x3;
	s11 =	simm.s32 $0x80  }
0xc: {  	s7 =	sadd.s32 s7, s4;
	s4 =	sadd.s32 $0x3CE00, s6;
	s8 =	sadd.s32 $0x1C00, s8  }
0xd: {  	v0 =	vimm.f32 $1.000000000e+00;
	s6 =	sadd.s32 $0xB4E00, s7;
	s7 =	smax.u32 s10, $0x1;
	s10 =	simm.s32 $0x1  }
.LBB2_1:
0xe: {  	[spmem:s9], [sflag:s5] =	dma.local [hbm:s4], $0x2800  }
0xf: {  	_ =	swait.ge [sflag:s10], $0x2800  }
0x10: {  	[sflag:s10] =	ssyncset.done $0x0  }
0x11: {  	s13 =	simm.s32 $0x0;
	s14 =	simm.s32 $0x200;
	[sflag:s10] =	ssyncadd.s32 $0xFFFFD800  }
.LBB2_2:
0x12: {  	p0 =	sne.s32 s14, $0xFE00;
	[tilespmem:s13+$0xF0] =	vst v0  }
0x13: {  	[tilespmem:s13+$0x80] =	vst v0  }
0x14: {  	[tilespmem:s13+$0x90] =	vst v0  }
.Ltmp0:
0x15: {  	[tilespmem:s13+$0xA0] =	vst v0;
	(pc) =	sbr.rel @p0 .LBB2_2-.Ltmp0, $4  }
0x16: {  	[tilespmem:s13+$0xB0] =	vst v0  }
0x17: {  	[tilespmem:s13+$0xC0] =	vst v0  }
0x18: {  	[tilespmem:s13+$0xD0] =	vst v0  }
0x19: {  	[tilespmem:s13+$0xE0] =	vst v0;
	s13 =	sshra.s32 s14, $0x2;
	s14 =	sadd.s32 $0x200, s14  }
0x1a: {  	[tilespmem:s13+$0xF0] =	vst v0  }
0x1b: {  	[tilespmem:s13+$0x80] =	vst v0  }
0x1c: {  	[tilespmem:s13+$0x90] =	vst v0  }
0x1d: {  	[tilespmem:s13+$0xA0] =	vst v0  }
0x1e: {  	[tilespmem:s13+$0xB0] =	vst v0  }
0x1f: {  	[tilespmem:s13+$0xC0] =	vst v0  }
0x20: {  	[tilespmem:s13+$0xD0] =	vst v0  }
0x21: {  	[tilespmem:s13+$0xE0] =	vst v0  }
0x22: {  	s31 =	sadd.s32 $0x0, s8;
	[bflag:$0x0] =	sbarrier.arrive $0xFFFF  }
0x23: {  	[tilespmem:s3], [sflag:$0x1] =	stream.linear.gather [hbm4b:s31+s3], $0x80, $0x38;
	[tilespmem:$0x18080] =	vst v63  }
0x24: {  	_ =	swait.ge [sflag:s10], $0x80  }
0x25: {  	[sflag:s10] =	ssyncset.done $0x0  }
0x26: {  	[sflag:s10] =	ssyncadd.s32 $0xFFFFFF80  }
0x27: {  	[spmem:s2] =	stream.indirect.scatter.add.f32 [tilespmem:s11], [sflag:$0x1], $0x80, s3, s11, $0xb8;
	[tilespmem:$0x18080] =	vst v63  }
0x28: {  	_ =	swait.ge [sflag:s10], $0x4000  }
0x29: {  	s13 =	simm.s32 $0x10;
	s14 =	simm.s32 $0x20;
	[sflag:s10] =	ssyncset.done $0x0  }
.LBB2_4:
0x2a: {  	s15 =	sadd.s32 s13, s8  }
0x2b: {  	[sflag:s10] =	ssyncadd.s32 $0xFFFFC000;
	s13 =	smov.u32 s14;
	s16 =	sadd.s32 $0x10, s14  }
0x2c: {  	[tilespmem:s3], [sflag:$0x1] =	stream.linear.gather [hbm4b:s15+s3], $0x80, $0x38;
	[tilespmem:$0x18080] =	vst v63  }
0x2d: {  	p0 =	sne.s32 s14, $0x4F0;
	_ =	swait.ge [sflag:s10], $0x80  }
.Ltmp1:
0x2e: {  	[sflag:s10] =	ssyncset.done $0x0;
	(pc) =	sbr.rel @p0 .LBB2_4-.Ltmp1, $4  }
0x2f: {  	[sflag:s10] =	ssyncadd.s32 $0xFFFFFF80  }
0x30: {  	[spmem:s2] =	stream.indirect.scatter.add.f32 [tilespmem:s11], [sflag:$0x1], $0x80, s3, s11, $0xb8;
	[tilespmem:$0x18080] =	vst v63  }
0x31: {  	_ =	swait.ge [sflag:s10], $0x4000  }
0x32: {  	s14 =	smov.u32 s16;
	[sflag:s10] =	ssyncset.done $0x0  }
0x33: {  	s13 =	sadd.s32 s13, s8;
	[sflag:s10] =	ssyncadd.s32 $0xFFFFC000  }
0x34: {  	[tilespmem:s3], [sflag:$0x1] =	stream.linear.gather [hbm4b:s13+s3], $0x80, $0x38;
	[tilespmem:$0x18080] =	vst v63  }
0x35: {  	_ =	swait.ge [sflag:s10], $0x80  }
0x36: {  	[sflag:s10] =	ssyncset.done $0x0  }
0x37: {  	[sflag:s10] =	ssyncadd.s32 $0xFFFFFF80  }
0x38: {  	[spmem:s2] =	stream.indirect.scatter.add.f32 [tilespmem:s11], [sflag:$0x1], $0x80, s3, s11, $0xb8;
	[tilespmem:$0x18080] =	vst v63  }
0x39: {  	_ =	swait.ge [sflag:s10], $0x4000  }
0x3a: {  	s12 =	sadd.s32 $0x1, s12;
	[sflag:s10] =	ssyncset.done $0x0  }
0x3b: {  	p0 =	sne.s32 s12, s7;
	[sflag:s10] =	ssyncadd.s32 $0xFFFFC000  }
.Ltmp2:
0x3c: {  	[bflag:$0x0] =	sbarrier.arrive $0xFFFF;
	(pc) =	sbr.rel @p0 .LBB2_1-.Ltmp2, $4  }
0x3d: {  	[hbm:s6], [sflag:s5] =	dma.local [spmem:s9], $0x2800  }
0x3e: {  	_ =	swait.ge [sflag:s10], $0x2800  }
0x3f: {  	[sflag:s10] =	ssyncset.done $0x0  }
0x40: {  	[sflag:s10] =	ssyncadd.s32 $0xFFFFD800  }
0x41: {  	_ =	sfence.sel $0x180000  }
0x42: {  	[bflag:$0x0] =	sbarrier.arrive $0xFFFF  }
0x43: {  	p0 =	sne.s32 s1, $0x0;
	_ =	strace $0x9000004A  }
0x44: {  	s0 =	sadd.s32 @!p0 $0x100000, s0;
	[bflag:$0x2] =	sbarrier.arrive $0xFFFF  }
0x45: {  	[sflag:s0] =	ssyncadd.tile.s32 @!p0 $0x1;
	_ =	shalt  }
.Lfunc_end2:
_tile_overlayer_lowered:
.L_overlay_start_2:
0x46: {  	(tag) =	ssettag $0x2  }
0x47: {  	s0 =	rddreg [dreg:$0x0];
	s2 =	stileid.u32  }
0x48: {  	s1 =	rddreg [dreg:$0x1];
	p0 =	sne.s32 s2, $0x0  }
0x49: {  	s3 =	rddreg [dreg:$0x2];
	[bflag:$0x3] =	sbarrier.arrive $0xFFFF;
	s2 =	simm.s32 @!p0 $0x1C01  }
0x4a: {  	[timem:s3], [sflag:s2] =	dma.local @!p0 [hbm:s0], s1  }
0x4b: {  	s0 =	simm.s32 @!p0 $0x1  }
0x4c: {  	_ =	swait.ge @!p0 [sflag:s0], s1  }
0x4d: {  	s1 =	ssub.s32 @!p0 $0x0, s1;
	[sflag:s0] =	ssyncset.done @!p0 $0x0  }
0x4e: {  	[sflag:s0] =	ssyncadd.s32 @!p0 s1  }
0x4f: {  	[bflag:$0x3] =	sbarrier.arrive $0xFFFF  }
0x50: {  	_ =	shalt  }

</sc_bundles>
